<compile_context>
chip_gen: v7x
topology: tpu7x:2x2x1
jax: 0.10.2.dev20260603
libtpu: 0.0.44.dev20260713+nightly
codegen_flags: <defaults>
</compile_context>

<pallas_src>
import functools

import jax
import jax.numpy as jnp
from jax import lax
from jax.experimental import pallas as pl
from jax.experimental.pallas import tpu as pltpu
from jax.experimental.pallas import tpu_sc as plsc

BATCH = 2048
IN_FEATURES = 2048
OUT_FEATURES = 2048
WPO = 16

_NC = 2
_NS = 16
_NW = _NC * _NS
_O_PER_W = OUT_FEATURES // _NW
_CHUNK_ROWS = 16
_N_CHUNKS = _O_PER_W // _CHUNK_ROWS


def _densify_sc(cw):
    mesh = plsc.VectorSubcoreMesh(core_axis_name="c", subcore_axis_name="s")

    @functools.partial(
        pl.kernel,
        mesh=mesh,
        out_type=jax.ShapeDtypeStruct((OUT_FEATURES, IN_FEATURES), jnp.float32),
        scratch_types=[
            pltpu.VMEM((_O_PER_W, 2 * WPO), jnp.int32),
            pltpu.VMEM((_CHUNK_ROWS, IN_FEATURES), jnp.float32),
            pltpu.VMEM((_CHUNK_ROWS, IN_FEATURES), jnp.float32),
            pltpu.SemaphoreType.DMA,
            pltpu.SemaphoreType.DMA,
        ],
        compiler_params=pltpu.CompilerParams(needs_layout_passes=False),
    )
    def densify(cw_hbm, wd_hbm, cw_v, buf0, buf1, sem0, sem1):
        wid = lax.axis_index("s") * _NC + lax.axis_index("c")
        base = wid * _O_PER_W
        pltpu.sync_copy(cw_hbm.at[pl.ds(base, _O_PER_W), :], cw_v)
        lane = lax.iota(jnp.int32, 16)
        zeros16 = jnp.zeros((16,), jnp.float32)
        bufs = (buf0, buf1)
        sems = (sem0, sem1)

        def full_zero(buf):
            def _zero(j, _):
                for r in range(_CHUNK_ROWS):
                    buf[r, pl.ds(j * 16, 16)] = zeros16
                return 0
            lax.fori_loop(0, IN_FEATURES // 16, _zero, 0)

        def taps(c, w):
            ridx = c * _CHUNK_ROWS + lane
            widx = jnp.full((16,), w, jnp.int32)
            cols = plsc.load_gather(cw_v, [ridx, widx])
            vals = plsc.bitcast(
                plsc.load_gather(cw_v, [ridx, widx + WPO]), jnp.float32)
            return cols, vals

        copies = [None, None]
        for c in range(_N_CHUNKS):
            slot = c % 2
            buf = bufs[slot]
            if c < 2:
                full_zero(buf)
            else:
                copies[slot].wait()
                for w in range(WPO):
                    cols_prev, _ = taps(c - 2, w)
                    plsc.store_scatter(buf, [lane, cols_prev], zeros16)
            for w in range(WPO):
                cols, vals = taps(c, w)
                plsc.addupdate_scatter(buf, [lane, cols], vals)
            row0 = base + c * _CHUNK_ROWS
            copies[slot] = pltpu.async_copy(
                buf, wd_hbm.at[pl.ds(row0, _CHUNK_ROWS), :], sems[slot])
        for cp in copies:
            if cp is not None:
                cp.wait()

    return densify(cw)


def _matmul_tc(x, wd):
    bo = 512

    def mm(x_ref, w_ref, o_ref):
        wb = w_ref[...].astype(jnp.bfloat16)
        o_ref[...] = lax.dot_general(
            x_ref[...], wb, (((1,), (1,)), ((), ())),
            preferred_element_type=jnp.float32)

    return pl.pallas_call(
        mm,
        grid=(OUT_FEATURES // bo,),
        in_specs=[
            pl.BlockSpec((BATCH, IN_FEATURES), lambda o: (0, 0)),
            pl.BlockSpec((bo, IN_FEATURES), lambda o: (o, 0)),
        ],
        out_specs=pl.BlockSpec((BATCH, bo), lambda o: (0, o)),
        out_shape=jax.ShapeDtypeStruct((BATCH, OUT_FEATURES), jnp.float32),
    )(x, wd)


def kernel(input, connections, weights):
    cw = jnp.concatenate(
        [connections, lax.bitcast_convert_type(weights, jnp.int32)], axis=1)
    x_bf = input.astype(jnp.bfloat16)
    wd = _densify_sc(cw)
    return _matmul_tc(x_bf, wd)

# --- scband reference (transcript-rebuilt; emitter-appended) ---
"""Pipeline reference for scband-positional-sparse-linear-79121887527366 (READ-ONLY COPY).

The authoritative reference and input builder live on the scoring server;
editing this copy changes nothing except your own understanding.
"""

import jax, jax.numpy as jnp
import numpy as np
import math

BATCH = 2048
IN_FEATURES = 2048
OUT_FEATURES = 2048
WPO = 16


def setup_inputs(seed: int = 0) -> dict:
    key = jax.random.key(seed)
    k1, k2, k3 = jax.random.split(key, 3)
    x = jax.random.normal(k1, (BATCH, IN_FEATURES), dtype=jnp.float32)
    # connections: int indices into in_features, one set of WPO taps per output neuron
    connections = jax.random.randint(k2, (OUT_FEATURES, WPO), 0, IN_FEATURES, dtype=jnp.int32)
    # weights initialized uniform(-1/sqrt(WPO), 1/sqrt(WPO)) as in the torch module
    bound = 1.0 / math.sqrt(WPO)
    weights = jax.random.uniform(k3, (OUT_FEATURES, WPO), minval=-bound, maxval=bound, dtype=jnp.float32)
    return {"input": x, "connections": connections, "weights": weights}


def reference(input, connections, weights):
    # output[b, o] = sum_w input[b, connections[o, w]] * weights[o, w]
    B = input.shape[0]
    O, W = connections.shape
    gathered = jnp.take(input, connections.reshape(-1), axis=1).reshape(B, O, W)
    out = jnp.einsum('bow,ow->bo', gathered, weights)
    return out

if __name__ == "__main__":
    import jax
    _d = setup_inputs()
    print(jax.jit(kernel)(*tuple(_d.values())))

</pallas_src>

<mosaic_0001>
#map = affine_map<(d0, d1) -> (0, 0)>
module attributes {stable_mosaic.version = 14 : i64} {
  func.func @densify(%arg0: i32, %arg1: i32, %arg2: memref<2048x32xi32, #tpu.memory_space<hbm>>, %arg3: memref<2048x2048xf32, #tpu.memory_space<hbm>>, %arg4: memref<64x32xi32, #tpu.memory_space<vmem>>, %arg5: memref<16x2048xf32, #tpu.memory_space<vmem>>, %arg6: memref<16x2048xf32, #tpu.memory_space<vmem>>, %arg7: memref<!tpu.dma_semaphore, #tpu.memory_space<semaphore_mem>>, %arg8: memref<!tpu.dma_semaphore, #tpu.memory_space<semaphore_mem>>) attributes {dimension_semantics = [#tpu.dimension_semantics<core_parallel>, #tpu.dimension_semantics<subcore_parallel>], iteration_bounds = array<i64: 2, 16>, scalar_prefetch = 0 : i64, scratch_operands = 5 : i64, tpu.core_type = #tpu.core_type<sc_vector_subcore>, window_params = [{transform_indices = #map}, {transform_indices = #map}]} {
    %mul3A = arith.constant 2 : i32
    %mul3A_0 = arith.muli %arg1, %mul3A : i32
    %add3A = arith.addi %mul3A_0, %arg0 : i32
    %mul3A_1 = arith.constant 64 : i32
    %mul3A_2 = arith.muli %add3A, %mul3A_1 : i32
    "tpu.region"() ({
      %run_scoped3A = tpu.sem_alloc : memref<!tpu.dma_semaphore, #tpu.memory_space<semaphore_mem>>
      %dma_start3A_1109 = arith.constant 0 : i32
      %dma_start3A_1110 = tpu.memref_slice %arg2[%mul3A_2, %dma_start3A_1109] : memref<2048x32xi32, #tpu.memory_space<hbm>> -> memref<64x32xi32, #tpu.memory_space<hbm>>
      %dma_start3A_1111 = arith.constant 0 : i32
      %dma_start3A_1112 = tpu.memref_slice %arg2[%mul3A_2, %dma_start3A_1111] : memref<2048x32xi32, #tpu.memory_space<hbm>> -> memref<64x32xi32, #tpu.memory_space<hbm>>
      tpu.enqueue_dma source(%dma_start3A_1112 : memref<64x32xi32, #tpu.memory_space<hbm>>) target(%arg4 : memref<64x32xi32, #tpu.memory_space<vmem>>) target_semaphore(%run_scoped3A : memref<!tpu.dma_semaphore, #tpu.memory_space<semaphore_mem>>)
      %dma_wait3A_1113 = arith.constant 0 : i32
      %dma_wait3A_1114 = tpu.memref_slice %arg2[%mul3A_2, %dma_wait3A_1113] : memref<2048x32xi32, #tpu.memory_space<hbm>> -> memref<64x32xi32, #tpu.memory_space<hbm>>
      %dma_wait3A_1115 = arith.constant 0 : i32
      %dma_wait3A_1116 = tpu.memref_slice %arg2[%mul3A_2, %dma_wait3A_1115] : memref<2048x32xi32, #tpu.memory_space<hbm>> -> memref<64x32xi32, #tpu.memory_space<hbm>>
      tpu.wait_dma2 semaphore(%run_scoped3A : memref<!tpu.dma_semaphore, #tpu.memory_space<semaphore_mem>>) src(%dma_wait3A_1116 : memref<64x32xi32, #tpu.memory_space<hbm>>) dst(%arg4 : memref<64x32xi32, #tpu.memory_space<vmem>>)
      tpu.yield
    }) : () -> ()
    %iota3A = tpu.iota {dimensions = array<i32: 0>} : vector<16xi32>
    %broadcast_in_dim3A = arith.constant 0.000000e+00 : f32
    %broadcast_in_dim3A_3 = vector.broadcast %broadcast_in_dim3A : f32 to vector<16xf32>
    %scan3A = arith.constant 0 : i32
    %scan3A_4 = arith.constant 0 : i32
    %scan3A_5 = arith.constant 128 : i32
    %scan3A_6 = arith.addi %scan3A_4, %scan3A_5 : i32
    %scan3A_7 = arith.constant 1 : i32
    %scan3A_8 = scf.for %scan3A_1109 = %scan3A_4 to %scan3A_6 step %scan3A_7 iter_args(%scan3A_1110 = %scan3A) -> (i32)  : i32 {
      %mul3A_1111 = arith.constant 16 : i32
      %mul3A_1112 = arith.muli %scan3A_1109, %mul3A_1111 : i32
      %swap3A = arith.constant 0 : i32
      %swap3A_1113 = arith.index_cast %swap3A : i32 to index
      %swap3A_1114 = arith.index_cast %mul3A_1112 : i32 to index
      %swap3A_1115 = tpu.vector_load %arg5[%swap3A_1113, %swap3A_1114] {strides = array<i32>} : memref<16x2048xf32, #tpu.memory_space<vmem>>, vector<16xf32>,
      tpu.vector_store %arg5[%swap3A_1113, %swap3A_1114], %broadcast_in_dim3A_3 {strides = array<i32>} : memref<16x2048xf32, #tpu.memory_space<vmem>>, vector<16xf32>,
      %mul3A_1116 = arith.constant 16 : i32
      %mul3A_1117 = arith.muli %scan3A_1109, %mul3A_1116 : i32
      %swap3A_1118 = arith.constant 1 : i32
      %swap3A_1119 = arith.index_cast %swap3A_1118 : i32 to index
      %swap3A_1120 = arith.index_cast %mul3A_1117 : i32 to index
      %swap3A_1121 = tpu.vector_load %arg5[%swap3A_1119, %swap3A_1120] {strides = array<i32>} : memref<16x2048xf32, #tpu.memory_space<vmem>>, vector<16xf32>,
      tpu.vector_store %arg5[%swap3A_1119, %swap3A_1120], %broadcast_in_dim3A_3 {strides = array<i32>} : memref<16x2048xf32, #tpu.memory_space<vmem>>, vector<16xf32>,
      %mul3A_1122 = arith.constant 16 : i32
      %mul3A_1123 = arith.muli %scan3A_1109, %mul3A_1122 : i32
      %swap3A_1124 = arith.constant 2 : i32
      %swap3A_1125 = arith.index_cast %swap3A_1124 : i32 to index
      %swap3A_1126 = arith.index_cast %mul3A_1123 : i32 to index
      %swap3A_1127 = tpu.vector_load %arg5[%swap3A_1125, %swap3A_1126] {strides = array<i32>} : memref<16x2048xf32, #tpu.memory_space<vmem>>, vector<16xf32>,
      tpu.vector_store %arg5[%swap3A_1125, %swap3A_1126], %broadcast_in_dim3A_3 {strides = array<i32>} : memref<16x2048xf32, #tpu.memory_space<vmem>>, vector<16xf32>,
      %mul3A_1128 = arith.constant 16 : i32
      %mul3A_1129 = arith.muli %scan3A_1109, %mul3A_1128 : i32
      %swap3A_1130 = arith.constant 3 : i32
      %swap3A_1131 = arith.index_cast %swap3A_1130 : i32 to index
      %swap3A_1132 = arith.index_cast %mul3A_1129 : i32 to index
      %swap3A_1133 = tpu.vector_load %arg5[%swap3A_1131, %swap3A_1132] {strides = array<i32>} : memref<16x2048xf32, #tpu.memory_space<vmem>>, vector<16xf32>,
      tpu.vector_store %arg5[%swap3A_1131, %swap3A_1132], %broadcast_in_dim3A_3 {strides = array<i32>} : memref<16x2048xf32, #tpu.memory_space<vmem>>, vector<16xf32>,
      %mul3A_1134 = arith.constant 16 : i32
      %mul3A_1135 = arith.muli %scan3A_1109, %mul3A_1134 : i32
      %swap3A_1136 = arith.constant 4 : i32
      %swap3A_1137 = arith.index_cast %swap3A_1136 : i32 to index
      %swap3A_1138 = arith.index_cast %mul3A_1135 : i32 to index
      %swap3A_1139 = tpu.vector_load %arg5[%swap3A_1137, %swap3A_1138] {strides = array<i32>} : memref<16x2048xf32, #tpu.memory_space<vmem>>, vector<16xf32>,
      tpu.vector_store %arg5[%swap3A_1137, %swap3A_1138], %broadcast_in_dim3A_3 {strides = array<i32>} : memref<16x2048xf32, #tpu.memory_space<vmem>>, vector<16xf32>,
      %mul3A_1140 = arith.constant 16 : i32
      %mul3A_1141 = arith.muli %scan3A_1109, %mul3A_1140 : i32
      %swap3A_1142 = arith.constant 5 : i32
      %swap3A_1143 = arith.index_cast %swap3A_1142 : i32 to index
      %swap3A_1144 = arith.index_cast %mul3A_1141 : i32 to index
      %swap3A_1145 = tpu.vector_load %arg5[%swap3A_1143, %swap3A_1144] {strides = array<i32>} : memref<16x2048xf32, #tpu.memory_space<vmem>>, vector<16xf32>,
      tpu.vector_store %arg5[%swap3A_1143, %swap3A_1144], %broadcast_in_dim3A_3 {strides = array<i32>} : memref<16x2048xf32, #tpu.memory_space<vmem>>, vector<16xf32>,
      %mul3A_1146 = arith.constant 16 : i32
      %mul3A_1147 = arith.muli %scan3A_1109, %mul3A_1146 : i32
      %swap3A_1148 = arith.constant 6 : i32
      %swap3A_1149 = arith.index_cast %swap3A_1148 : i32 to index
      %swap3A_1150 = arith.index_cast %mul3A_1147 : i32 to index
      %swap3A_1151 = tpu.vector_load %arg5[%swap3A_1149, %swap3A_1150] {strides = array<i32>} : memref<16x2048xf32, #tpu.memory_space<vmem>>, vector<16xf32>,
      tpu.vector_store %arg5[%swap3A_1149, %swap3A_1150], %broadcast_in_dim3A_3 {strides = array<i32>} : memref<16x2048xf32, #tpu.memory_space<vmem>>, vector<16xf32>,
      %mul3A_1152 = arith.constant 16 : i32
      %mul3A_1153 = arith.muli %scan3A_1109, %mul3A_1152 : i32
      %swap3A_1154 = arith.constant 7 : i32
      %swap3A_1155 = arith.index_cast %swap3A_1154 : i32 to index
      %swap3A_1156 = arith.index_cast %mul3A_1153 : i32 to index
      %swap3A_1157 = tpu.vector_load %arg5[%swap3A_1155, %swap3A_1156] {strides = array<i32>} : memref<16x2048xf32, #tpu.memory_space<vmem>>, vector<16xf32>,
      tpu.vector_store %arg5[%swap3A_1155, %swap3A_1156], %broadcast_in_dim3A_3 {strides = array<i32>} : memref<16x2048xf32, #tpu.memory_space<vmem>>, vector<16xf32>,
      %mul3A_1158 = arith.constant 16 : i32
      %mul3A_1159 = arith.muli %scan3A_1109, %mul3A_1158 : i32
      %swap3A_1160 = arith.constant 8 : i32
      %swap3A_1161 = arith.index_cast %swap3A_1160 : i32 to index
      %swap3A_1162 = arith.index_cast %mul3A_1159 : i32 to index
      %swap3A_1163 = tpu.vector_load %arg5[%swap3A_1161, %swap3A_1162] {strides = array<i32>} : memref<16x2048xf32, #tpu.memory_space<vmem>>, vector<16xf32>,
      tpu.vector_store %arg5[%swap3A_1161, %swap3A_1162], %broadcast_in_dim3A_3 {strides = array<i32>} : memref<16x2048xf32, #tpu.memory_space<vmem>>, vector<16xf32>,
      %mul3A_1164 = arith.constant 16 : i32
      %mul3A_1165 = arith.muli %scan3A_1109, %mul3A_1164 : i32
      %swap3A_1166 = arith.constant 9 : i32
      %swap3A_1167 = arith.index_cast %swap3A_1166 : i32 to index
      %swap3A_1168 = arith.index_cast %mul3A_1165 : i32 to index
      %swap3A_1169 = tpu.vector_load %arg5[%swap3A_1167, %swap3A_1168] {strides = array<i32>} : memref<16x2048xf32, #tpu.memory_space<vmem>>, vector<16xf32>,
      tpu.vector_store %arg5[%swap3A_1167, %swap3A_1168], %broadcast_in_dim3A_3 {strides = array<i32>} : memref<16x2048xf32, #tpu.memory_space<vmem>>, vector<16xf32>,
      %mul3A_1170 = arith.constant 16 : i32
      %mul3A_1171 = arith.muli %scan3A_1109, %mul3A_1170 : i32
      %swap3A_1172 = arith.constant 10 : i32
      %swap3A_1173 = arith.index_cast %swap3A_1172 : i32 to index
      %swap3A_1174 = arith.index_cast %mul3A_1171 : i32 to index
      %swap3A_1175 = tpu.vector_load %arg5[%swap3A_1173, %swap3A_1174] {strides = array<i32>} : memref<16x2048xf32, #tpu.memory_space<vmem>>, vector<16xf32>,
      tpu.vector_store %arg5[%swap3A_1173, %swap3A_1174], %broadcast_in_dim3A_3 {strides = array<i32>} : memref<16x2048xf32, #tpu.memory_space<vmem>>, vector<16xf32>,
      %mul3A_1176 = arith.constant 16 : i32
      %mul3A_1177 = arith.muli %scan3A_1109, %mul3A_1176 : i32
      %swap3A_1178 = arith.constant 11 : i32
      %swap3A_1179 = arith.index_cast %swap3A_1178 : i32 to index
      %swap3A_1180 = arith.index_cast %mul3A_1177 : i32 to index
      %swap3A_1181 = tpu.vector_load %arg5[%swap3A_1179, %swap3A_1180] {strides = array<i32>} : memref<16x2048xf32, #tpu.memory_space<vmem>>, vector<16xf32>,
      tpu.vector_store %arg5[%swap3A_1179, %swap3A_1180], %broadcast_in_dim3A_3 {strides = array<i32>} : memref<16x2048xf32, #tpu.memory_space<vmem>>, vector<16xf32>,
      %mul3A_1182 = arith.constant 16 : i32
      %mul3A_1183 = arith.muli %scan3A_1109, %mul3A_1182 : i32
      %swap3A_1184 = arith.constant 12 : i32
      %swap3A_1185 = arith.index_cast %swap3A_1184 : i32 to index
      %swap3A_1186 = arith.index_cast %mul3A_1183 : i32 to index
      %swap3A_1187 = tpu.vector_load %arg5[%swap3A_1185, %swap3A_1186] {strides = array<i32>} : memref<16x2048xf32, #tpu.memory_space<vmem>>, vector<16xf32>,
      tpu.vector_store %arg5[%swap3A_1185, %swap3A_1186], %broadcast_in_dim3A_3 {strides = array<i32>} : memref<16x2048xf32, #tpu.memory_space<vmem>>, vector<16xf32>,
      %mul3A_1188 = arith.constant 16 : i32
      %mul3A_1189 = arith.muli %scan3A_1109, %mul3A_1188 : i32
      %swap3A_1190 = arith.constant 13 : i32
      %swap3A_1191 = arith.index_cast %swap3A_1190 : i32 to index
      %swap3A_1192 = arith.index_cast %mul3A_1189 : i32 to index
      %swap3A_1193 = tpu.vector_load %arg5[%swap3A_1191, %swap3A_1192] {strides = array<i32>} : memref<16x2048xf32, #tpu.memory_space<vmem>>, vector<16xf32>,
      tpu.vector_store %arg5[%swap3A_1191, %swap3A_1192], %broadcast_in_dim3A_3 {strides = array<i32>} : memref<16x2048xf32, #tpu.memory_space<vmem>>, vector<16xf32>,
      %mul3A_1194 = arith.constant 16 : i32
      %mul3A_1195 = arith.muli %scan3A_1109, %mul3A_1194 : i32
      %swap3A_1196 = arith.constant 14 : i32
      %swap3A_1197 = arith.index_cast %swap3A_1196 : i32 to index
      %swap3A_1198 = arith.index_cast %mul3A_1195 : i32 to index
      %swap3A_1199 = tpu.vector_load %arg5[%swap3A_1197, %swap3A_1198] {strides = array<i32>} : memref<16x2048xf32, #tpu.memory_space<vmem>>, vector<16xf32>,
      tpu.vector_store %arg5[%swap3A_1197, %swap3A_1198], %broadcast_in_dim3A_3 {strides = array<i32>} : memref<16x2048xf32, #tpu.memory_space<vmem>>, vector<16xf32>,
      %mul3A_1200 = arith.constant 16 : i32
      %mul3A_1201 = arith.muli %scan3A_1109, %mul3A_1200 : i32
      %swap3A_1202 = arith.constant 15 : i32
      %swap3A_1203 = arith.index_cast %swap3A_1202 : i32 to index
      %swap3A_1204 = arith.index_cast %mul3A_1201 : i32 to index
      %swap3A_1205 = tpu.vector_load %arg5[%swap3A_1203, %swap3A_1204] {strides = array<i32>} : memref<16x2048xf32, #tpu.memory_space<vmem>>, vector<16xf32>,
      tpu.vector_store %arg5[%swap3A_1203, %swap3A_1204], %broadcast_in_dim3A_3 {strides = array<i32>} : memref<16x2048xf32, #tpu.memory_space<vmem>>, vector<16xf32>,
      %scan3A_1206 = arith.constant 0 : i32
      scf.yield %scan3A_1206 : i32
    }
    %scan3A_9 = arith.constant 128 : i32
    %add3A_10 = arith.constant 0 : i32
    %add3A_11 = vector.broadcast %add3A_10 : i32 to vector<16xi32>
    %add3A_12 = arith.addi %add3A_11, %iota3A : vector<16xi32>
    %broadcast_in_dim3A_13 = arith.constant 0 : i32
    %broadcast_in_dim3A_14 = vector.broadcast %broadcast_in_dim3A_13 : i32 to vector<16xi32>
    %gather3A = tpu.vector_load_idx %arg4[%add3A_12, %broadcast_in_dim3A_14] : memref<64x32xi32, #tpu.memory_space<vmem>>[vector<16xi32>, vector<16xi32>], vector<16xi32>,
    %add3A_15 = arith.constant 16 : i32
    %add3A_16 = vector.broadcast %add3A_15 : i32 to vector<16xi32>
    %add3A_17 = arith.addi %broadcast_in_dim3A_14, %add3A_16 : vector<16xi32>
    %gather3A_18 = tpu.vector_load_idx %arg4[%add3A_12, %add3A_17] : memref<64x32xi32, #tpu.memory_space<vmem>>[vector<16xi32>, vector<16xi32>], vector<16xi32>,
    %bitcast3A = vector.bitcast %gather3A_18 : vector<16xi32> to vector<16xf32>
    tpu.vector_store_idx %arg5[%iota3A, %gather3A], %bitcast3A {add = true} : memref<16x2048xf32, #tpu.memory_space<vmem>>[vector<16xi32>, vector<16xi32>], vector<16xf32>,
    %add3A_19 = arith.constant 0 : i32
    %add3A_20 = vector.broadcast %add3A_19 : i32 to vector<16xi32>
    %add3A_21 = arith.addi %add3A_20, %iota3A : vector<16xi32>
    %broadcast_in_dim3A_22 = arith.constant 1 : i32
    %broadcast_in_dim3A_23 = vector.broadcast %broadcast_in_dim3A_22 : i32 to vector<16xi32>
    %gather3A_24 = tpu.vector_load_idx %arg4[%add3A_21, %broadcast_in_dim3A_23] : memref<64x32xi32, #tpu.memory_space<vmem>>[vector<16xi32>, vector<16xi32>], vector<16xi32>,
    %add3A_25 = arith.constant 16 : i32
    %add3A_26 = vector.broadcast %add3A_25 : i32 to vector<16xi32>
    %add3A_27 = arith.addi %broadcast_in_dim3A_23, %add3A_26 : vector<16xi32>
    %gather3A_28 = tpu.vector_load_idx %arg4[%add3A_21, %add3A_27] : memref<64x32xi32, #tpu.memory_space<vmem>>[vector<16xi32>, vector<16xi32>], vector<16xi32>,
    %bitcast3A_29 = vector.bitcast %gather3A_28 : vector<16xi32> to vector<16xf32>
    tpu.vector_store_idx %arg5[%iota3A, %gather3A_24], %bitcast3A_29 {add = true} : memref<16x2048xf32, #tpu.memory_space<vmem>>[vector<16xi32>, vector<16xi32>], vector<16xf32>,
    %add3A_30 = arith.constant 0 : i32
    %add3A_31 = vector.broadcast %add3A_30 : i32 to vector<16xi32>
    %add3A_32 = arith.addi %add3A_31, %iota3A : vector<16xi32>
    %broadcast_in_dim3A_33 = arith.constant 2 : i32
    %broadcast_in_dim3A_34 = vector.broadcast %broadcast_in_dim3A_33 : i32 to vector<16xi32>
    %gather3A_35 = tpu.vector_load_idx %arg4[%add3A_32, %broadcast_in_dim3A_34] : memref<64x32xi32, #tpu.memory_space<vmem>>[vector<16xi32>, vector<16xi32>], vector<16xi32>,
    %add3A_36 = arith.constant 16 : i32
    %add3A_37 = vector.broadcast %add3A_36 : i32 to vector<16xi32>
    %add3A_38 = arith.addi %broadcast_in_dim3A_34, %add3A_37 : vector<16xi32>
    %gather3A_39 = tpu.vector_load_idx %arg4[%add3A_32, %add3A_38] : memref<64x32xi32, #tpu.memory_space<vmem>>[vector<16xi32>, vector<16xi32>], vector<16xi32>,
    %bitcast3A_40 = vector.bitcast %gather3A_39 : vector<16xi32> to vector<16xf32>
    tpu.vector_store_idx %arg5[%iota3A, %gather3A_35], %bitcast3A_40 {add = true} : memref<16x2048xf32, #tpu.memory_space<vmem>>[vector<16xi32>, vector<16xi32>], vector<16xf32>,
    %add3A_41 = arith.constant 0 : i32
    %add3A_42 = vector.broadcast %add3A_41 : i32 to vector<16xi32>
    %add3A_43 = arith.addi %add3A_42, %iota3A : vector<16xi32>
    %broadcast_in_dim3A_44 = arith.constant 3 : i32
    %broadcast_in_dim3A_45 = vector.broadcast %broadcast_in_dim3A_44 : i32 to vector<16xi32>
    %gather3A_46 = tpu.vector_load_idx %arg4[%add3A_43, %broadcast_in_dim3A_45] : memref<64x32xi32, #tpu.memory_space<vmem>>[vector<16xi32>, vector<16xi32>], vector<16xi32>,
    %add3A_47 = arith.constant 16 : i32
    %add3A_48 = vector.broadcast %add3A_47 : i32 to vector<16xi32>
    %add3A_49 = arith.addi %broadcast_in_dim3A_45, %add3A_48 : vector<16xi32>
    %gather3A_50 = tpu.vector_load_idx %arg4[%add3A_43, %add3A_49] : memref<64x32xi32, #tpu.memory_space<vmem>>[vector<16xi32>, vector<16xi32>], vector<16xi32>,
    %bitcast3A_51 = vector.bitcast %gather3A_50 : vector<16xi32> to vector<16xf32>
    tpu.vector_store_idx %arg5[%iota3A, %gather3A_46], %bitcast3A_51 {add = true} : memref<16x2048xf32, #tpu.memory_space<vmem>>[vector<16xi32>, vector<16xi32>], vector<16xf32>,
    %add3A_52 = arith.constant 0 : i32
    %add3A_53 = vector.broadcast %add3A_52 : i32 to vector<16xi32>
    %add3A_54 = arith.addi %add3A_53, %iota3A : vector<16xi32>
    %broadcast_in_dim3A_55 = arith.constant 4 : i32
    %broadcast_in_dim3A_56 = vector.broadcast %broadcast_in_dim3A_55 : i32 to vector<16xi32>
    %gather3A_57 = tpu.vector_load_idx %arg4[%add3A_54, %broadcast_in_dim3A_56] : memref<64x32xi32, #tpu.memory_space<vmem>>[vector<16xi32>, vector<16xi32>], vector<16xi32>,
    %add3A_58 = arith.constant 16 : i32
    %add3A_59 = vector.broadcast %add3A_58 : i32 to vector<16xi32>
    %add3A_60 = arith.addi %broadcast_in_dim3A_56, %add3A_59 : vector<16xi32>
    %gather3A_61 = tpu.vector_load_idx %arg4[%add3A_54, %add3A_60] : memref<64x32xi32, #tpu.memory_space<vmem>>[vector<16xi32>, vector<16xi32>], vector<16xi32>,
    %bitcast3A_62 = vector.bitcast %gather3A_61 : vector<16xi32> to vector<16xf32>
    tpu.vector_store_idx %arg5[%iota3A, %gather3A_57], %bitcast3A_62 {add = true} : memref<16x2048xf32, #tpu.memory_space<vmem>>[vector<16xi32>, vector<16xi32>], vector<16xf32>,
    %add3A_63 = arith.constant 0 : i32
    %add3A_64 = vector.broadcast %add3A_63 : i32 to vector<16xi32>
    %add3A_65 = arith.addi %add3A_64, %iota3A : vector<16xi32>
    %broadcast_in_dim3A_66 = arith.constant 5 : i32
    %broadcast_in_dim3A_67 = vector.broadcast %broadcast_in_dim3A_66 : i32 to vector<16xi32>
    %gather3A_68 = tpu.vector_load_idx %arg4[%add3A_65, %broadcast_in_dim3A_67] : memref<64x32xi32, #tpu.memory_space<vmem>>[vector<16xi32>, vector<16xi32>], vector<16xi32>,
    %add3A_69 = arith.constant 16 : i32
    %add3A_70 = vector.broadcast %add3A_69 : i32 to vector<16xi32>
    %add3A_71 = arith.addi %broadcast_in_dim3A_67, %add3A_70 : vector<16xi32>
    %gather3A_72 = tpu.vector_load_idx %arg4[%add3A_65, %add3A_71] : memref<64x32xi32, #tpu.memory_space<vmem>>[vector<16xi32>, vector<16xi32>], vector<16xi32>,
    %bitcast3A_73 = vector.bitcast %gather3A_72 : vector<16xi32> to vector<16xf32>
    tpu.vector_store_idx %arg5[%iota3A, %gather3A_68], %bitcast3A_73 {add = true} : memref<16x2048xf32, #tpu.memory_space<vmem>>[vector<16xi32>, vector<16xi32>], vector<16xf32>,
    %add3A_74 = arith.constant 0 : i32
    %add3A_75 = vector.broadcast %add3A_74 : i32 to vector<16xi32>
    %add3A_76 = arith.addi %add3A_75, %iota3A : vector<16xi32>
    %broadcast_in_dim3A_77 = arith.constant 6 : i32
    %broadcast_in_dim3A_78 = vector.broadcast %broadcast_in_dim3A_77 : i32 to vector<16xi32>
    %gather3A_79 = tpu.vector_load_idx %arg4[%add3A_76, %broadcast_in_dim3A_78] : memref<64x32xi32, #tpu.memory_space<vmem>>[vector<16xi32>, vector<16xi32>], vector<16xi32>,
    %add3A_80 = arith.constant 16 : i32
    %add3A_81 = vector.broadcast %add3A_80 : i32 to vector<16xi32>
    %add3A_82 = arith.addi %broadcast_in_dim3A_78, %add3A_81 : vector<16xi32>
    %gather3A_83 = tpu.vector_load_idx %arg4[%add3A_76, %add3A_82] : memref<64x32xi32, #tpu.memory_space<vmem>>[vector<16xi32>, vector<16xi32>], vector<16xi32>,
    %bitcast3A_84 = vector.bitcast %gather3A_83 : vector<16xi32> to vector<16xf32>
    tpu.vector_store_idx %arg5[%iota3A, %gather3A_79], %bitcast3A_84 {add = true} : memref<16x2048xf32, #tpu.memory_space<vmem>>[vector<16xi32>, vector<16xi32>], vector<16xf32>,
    %add3A_85 = arith.constant 0 : i32
    %add3A_86 = vector.broadcast %add3A_85 : i32 to vector<16xi32>
    %add3A_87 = arith.addi %add3A_86, %iota3A : vector<16xi32>
    %broadcast_in_dim3A_88 = arith.constant 7 : i32
    %broadcast_in_dim3A_89 = vector.broadcast %broadcast_in_dim3A_88 : i32 to vector<16xi32>
    %gather3A_90 = tpu.vector_load_idx %arg4[%add3A_87, %broadcast_in_dim3A_89] : memref<64x32xi32, #tpu.memory_space<vmem>>[vector<16xi32>, vector<16xi32>], vector<16xi32>,
    %add3A_91 = arith.constant 16 : i32
    %add3A_92 = vector.broadcast %add3A_91 : i32 to vector<16xi32>
    %add3A_93 = arith.addi %broadcast_in_dim3A_89, %add3A_92 : vector<16xi32>
    %gather3A_94 = tpu.vector_load_idx %arg4[%add3A_87, %add3A_93] : memref<64x32xi32, #tpu.memory_space<vmem>>[vector<16xi32>, vector<16xi32>], vector<16xi32>,
    %bitcast3A_95 = vector.bitcast %gather3A_94 : vector<16xi32> to vector<16xf32>
    tpu.vector_store_idx %arg5[%iota3A, %gather3A_90], %bitcast3A_95 {add = true} : memref<16x2048xf32, #tpu.memory_space<vmem>>[vector<16xi32>, vector<16xi32>], vector<16xf32>,
    %add3A_96 = arith.constant 0 : i32
    %add3A_97 = vector.broadcast %add3A_96 : i32 to vector<16xi32>
    %add3A_98 = arith.addi %add3A_97, %iota3A : vector<16xi32>
    %broadcast_in_dim3A_99 = arith.constant 8 : i32
    %broadcast_in_dim3A_100 = vector.broadcast %broadcast_in_dim3A_99 : i32 to vector<16xi32>
    %gather3A_101 = tpu.vector_load_idx %arg4[%add3A_98, %broadcast_in_dim3A_100] : memref<64x32xi32, #tpu.memory_space<vmem>>[vector<16xi32>, vector<16xi32>], vector<16xi32>,
    %add3A_102 = arith.constant 16 : i32
    %add3A_103 = vector.broadcast %add3A_102 : i32 to vector<16xi32>
    %add3A_104 = arith.addi %broadcast_in_dim3A_100, %add3A_103 : vector<16xi32>
    %gather3A_105 = tpu.vector_load_idx %arg4[%add3A_98, %add3A_104] : memref<64x32xi32, #tpu.memory_space<vmem>>[vector<16xi32>, vector<16xi32>], vector<16xi32>,
    %bitcast3A_106 = vector.bitcast %gather3A_105 : vector<16xi32> to vector<16xf32>
    tpu.vector_store_idx %arg5[%iota3A, %gather3A_101], %bitcast3A_106 {add = true} : memref<16x2048xf32, #tpu.memory_space<vmem>>[vector<16xi32>, vector<16xi32>], vector<16xf32>,
    %add3A_107 = arith.constant 0 : i32
    %add3A_108 = vector.broadcast %add3A_107 : i32 to vector<16xi32>
    %add3A_109 = arith.addi %add3A_108, %iota3A : vector<16xi32>
    %broadcast_in_dim3A_110 = arith.constant 9 : i32
    %broadcast_in_dim3A_111 = vector.broadcast %broadcast_in_dim3A_110 : i32 to vector<16xi32>
    %gather3A_112 = tpu.vector_load_idx %arg4[%add3A_109, %broadcast_in_dim3A_111] : memref<64x32xi32, #tpu.memory_space<vmem>>[vector<16xi32>, vector<16xi32>], vector<16xi32>,
    %add3A_113 = arith.constant 16 : i32
    %add3A_114 = vector.broadcast %add3A_113 : i32 to vector<16xi32>
    %add3A_115 = arith.addi %broadcast_in_dim3A_111, %add3A_114 : vector<16xi32>
    %gather3A_116 = tpu.vector_load_idx %arg4[%add3A_109, %add3A_115] : memref<64x32xi32, #tpu.memory_space<vmem>>[vector<16xi32>, vector<16xi32>], vector<16xi32>,
    %bitcast3A_117 = vector.bitcast %gather3A_116 : vector<16xi32> to vector<16xf32>
    tpu.vector_store_idx %arg5[%iota3A, %gather3A_112], %bitcast3A_117 {add = true} : memref<16x2048xf32, #tpu.memory_space<vmem>>[vector<16xi32>, vector<16xi32>], vector<16xf32>,
    %add3A_118 = arith.constant 0 : i32
    %add3A_119 = vector.broadcast %add3A_118 : i32 to vector<16xi32>
    %add3A_120 = arith.addi %add3A_119, %iota3A : vector<16xi32>
    %broadcast_in_dim3A_121 = arith.constant 10 : i32
    %broadcast_in_dim3A_122 = vector.broadcast %broadcast_in_dim3A_121 : i32 to vector<16xi32>
    %gather3A_123 = tpu.vector_load_idx %arg4[%add3A_120, %broadcast_in_dim3A_122] : memref<64x32xi32, #tpu.memory_space<vmem>>[vector<16xi32>, vector<16xi32>], vector<16xi32>,
    %add3A_124 = arith.constant 16 : i32
    %add3A_125 = vector.broadcast %add3A_124 : i32 to vector<16xi32>
    %add3A_126 = arith.addi %broadcast_in_dim3A_122, %add3A_125 : vector<16xi32>
    %gather3A_127 = tpu.vector_load_idx %arg4[%add3A_120, %add3A_126] : memref<64x32xi32, #tpu.memory_space<vmem>>[vector<16xi32>, vector<16xi32>], vector<16xi32>,
    %bitcast3A_128 = vector.bitcast %gather3A_127 : vector<16xi32> to vector<16xf32>
    tpu.vector_store_idx %arg5[%iota3A, %gather3A_123], %bitcast3A_128 {add = true} : memref<16x2048xf32, #tpu.memory_space<vmem>>[vector<16xi32>, vector<16xi32>], vector<16xf32>,
    %add3A_129 = arith.constant 0 : i32
    %add3A_130 = vector.broadcast %add3A_129 : i32 to vector<16xi32>
    %add3A_131 = arith.addi %add3A_130, %iota3A : vector<16xi32>
    %broadcast_in_dim3A_132 = arith.constant 11 : i32
    %broadcast_in_dim3A_133 = vector.broadcast %broadcast_in_dim3A_132 : i32 to vector<16xi32>
    %gather3A_134 = tpu.vector_load_idx %arg4[%add3A_131, %broadcast_in_dim3A_133] : memref<64x32xi32, #tpu.memory_space<vmem>>[vector<16xi32>, vector<16xi32>], vector<16xi32>,
    %add3A_135 = arith.constant 16 : i32
    %add3A_136 = vector.broadcast %add3A_135 : i32 to vector<16xi32>
    %add3A_137 = arith.addi %broadcast_in_dim3A_133, %add3A_136 : vector<16xi32>
    %gather3A_138 = tpu.vector_load_idx %arg4[%add3A_131, %add3A_137] : memref<64x32xi32, #tpu.memory_space<vmem>>[vector<16xi32>, vector<16xi32>], vector<16xi32>,
    %bitcast3A_139 = vector.bitcast %gather3A_138 : vector<16xi32> to vector<16xf32>
    tpu.vector_store_idx %arg5[%iota3A, %gather3A_134], %bitcast3A_139 {add = true} : memref<16x2048xf32, #tpu.memory_space<vmem>>[vector<16xi32>, vector<16xi32>], vector<16xf32>,
    %add3A_140 = arith.constant 0 : i32
    %add3A_141 = vector.broadcast %add3A_140 : i32 to vector<16xi32>
    %add3A_142 = arith.addi %add3A_141, %iota3A : vector<16xi32>
    %broadcast_in_dim3A_143 = arith.constant 12 : i32
    %broadcast_in_dim3A_144 = vector.broadcast %broadcast_in_dim3A_143 : i32 to vector<16xi32>
    %gather3A_145 = tpu.vector_load_idx %arg4[%add3A_142, %broadcast_in_dim3A_144] : memref<64x32xi32, #tpu.memory_space<vmem>>[vector<16xi32>, vector<16xi32>], vector<16xi32>,
    %add3A_146 = arith.constant 16 : i32
    %add3A_147 = vector.broadcast %add3A_146 : i32 to vector<16xi32>
    %add3A_148 = arith.addi %broadcast_in_dim3A_144, %add3A_147 : vector<16xi32>
    %gather3A_149 = tpu.vector_load_idx %arg4[%add3A_142, %add3A_148] : memref<64x32xi32, #tpu.memory_space<vmem>>[vector<16xi32>, vector<16xi32>], vector<16xi32>,
    %bitcast3A_150 = vector.bitcast %gather3A_149 : vector<16xi32> to vector<16xf32>
    tpu.vector_store_idx %arg5[%iota3A, %gather3A_145], %bitcast3A_150 {add = true} : memref<16x2048xf32, #tpu.memory_space<vmem>>[vector<16xi32>, vector<16xi32>], vector<16xf32>,
    %add3A_151 = arith.constant 0 : i32
    %add3A_152 = vector.broadcast %add3A_151 : i32 to vector<16xi32>
    %add3A_153 = arith.addi %add3A_152, %iota3A : vector<16xi32>
    %broadcast_in_dim3A_154 = arith.constant 13 : i32
    %broadcast_in_dim3A_155 = vector.broadcast %broadcast_in_dim3A_154 : i32 to vector<16xi32>
    %gather3A_156 = tpu.vector_load_idx %arg4[%add3A_153, %broadcast_in_dim3A_155] : memref<64x32xi32, #tpu.memory_space<vmem>>[vector<16xi32>, vector<16xi32>], vector<16xi32>,
    %add3A_157 = arith.constant 16 : i32
    %add3A_158 = vector.broadcast %add3A_157 : i32 to vector<16xi32>
    %add3A_159 = arith.addi %broadcast_in_dim3A_155, %add3A_158 : vector<16xi32>
    %gather3A_160 = tpu.vector_load_idx %arg4[%add3A_153, %add3A_159] : memref<64x32xi32, #tpu.memory_space<vmem>>[vector<16xi32>, vector<16xi32>], vector<16xi32>,
    %bitcast3A_161 = vector.bitcast %gather3A_160 : vector<16xi32> to vector<16xf32>
    tpu.vector_store_idx %arg5[%iota3A, %gather3A_156], %bitcast3A_161 {add = true} : memref<16x2048xf32, #tpu.memory_space<vmem>>[vector<16xi32>, vector<16xi32>], vector<16xf32>,
    %add3A_162 = arith.constant 0 : i32
    %add3A_163 = vector.broadcast %add3A_162 : i32 to vector<16xi32>
    %add3A_164 = arith.addi %add3A_163, %iota3A : vector<16xi32>
    %broadcast_in_dim3A_165 = arith.constant 14 : i32
    %broadcast_in_dim3A_166 = vector.broadcast %broadcast_in_dim3A_165 : i32 to vector<16xi32>
    %gather3A_167 = tpu.vector_load_idx %arg4[%add3A_164, %broadcast_in_dim3A_166] : memref<64x32xi32, #tpu.memory_space<vmem>>[vector<16xi32>, vector<16xi32>], vector<16xi32>,
    %add3A_168 = arith.constant 16 : i32
    %add3A_169 = vector.broadcast %add3A_168 : i32 to vector<16xi32>
    %add3A_170 = arith.addi %broadcast_in_dim3A_166, %add3A_169 : vector<16xi32>
    %gather3A_171 = tpu.vector_load_idx %arg4[%add3A_164, %add3A_170] : memref<64x32xi32, #tpu.memory_space<vmem>>[vector<16xi32>, vector<16xi32>], vector<16xi32>,
    %bitcast3A_172 = vector.bitcast %gather3A_171 : vector<16xi32> to vector<16xf32>
    tpu.vector_store_idx %arg5[%iota3A, %gather3A_167], %bitcast3A_172 {add = true} : memref<16x2048xf32, #tpu.memory_space<vmem>>[vector<16xi32>, vector<16xi32>], vector<16xf32>,
    %add3A_173 = arith.constant 0 : i32
    %add3A_174 = vector.broadcast %add3A_173 : i32 to vector<16xi32>
    %add3A_175 = arith.addi %add3A_174, %iota3A : vector<16xi32>
    %broadcast_in_dim3A_176 = arith.constant 15 : i32
    %broadcast_in_dim3A_177 = vector.broadcast %broadcast_in_dim3A_176 : i32 to vector<16xi32>
    %gather3A_178 = tpu.vector_load_idx %arg4[%add3A_175, %broadcast_in_dim3A_177] : memref<64x32xi32, #tpu.memory_space<vmem>>[vector<16xi32>, vector<16xi32>], vector<16xi32>,
    %add3A_179 = arith.constant 16 : i32
    %add3A_180 = vector.broadcast %add3A_179 : i32 to vector<16xi32>
    %add3A_181 = arith.addi %broadcast_in_dim3A_177, %add3A_180 : vector<16xi32>
    %gather3A_182 = tpu.vector_load_idx %arg4[%add3A_175, %add3A_181] : memref<64x32xi32, #tpu.memory_space<vmem>>[vector<16xi32>, vector<16xi32>], vector<16xi32>,
    %bitcast3A_183 = vector.bitcast %gather3A_182 : vector<16xi32> to vector<16xf32>
    tpu.vector_store_idx %arg5[%iota3A, %gather3A_178], %bitcast3A_183 {add = true} : memref<16x2048xf32, #tpu.memory_space<vmem>>[vector<16xi32>, vector<16xi32>], vector<16xf32>,
    %add3A_184 = arith.constant 0 : i32
    %add3A_185 = arith.addi %mul3A_2, %add3A_184 : i32
    %dma_start3A = arith.constant 0 : i32
    %dma_start3A_186 = tpu.memref_slice %arg3[%add3A_185, %dma_start3A] : memref<2048x2048xf32, #tpu.memory_space<hbm>> -> memref<16x2048xf32, #tpu.memory_space<hbm>>
    %dma_start3A_187 = arith.constant 0 : i32
    %dma_start3A_188 = tpu.memref_slice %arg3[%add3A_185, %dma_start3A_187] : memref<2048x2048xf32, #tpu.memory_space<hbm>> -> memref<16x2048xf32, #tpu.memory_space<hbm>>
    tpu.enqueue_dma source(%arg5 : memref<16x2048xf32, #tpu.memory_space<vmem>>) target(%dma_start3A_188 : memref<16x2048xf32, #tpu.memory_space<hbm>>) target_semaphore(%arg7 : memref<!tpu.dma_semaphore, #tpu.memory_space<semaphore_mem>>)
    %scan3A_189 = arith.constant 0 : i32
    %scan3A_190 = arith.constant 0 : i32
    %scan3A_191 = arith.constant 128 : i32
    %scan3A_192 = arith.addi %scan3A_190, %scan3A_191 : i32
    %scan3A_193 = arith.constant 1 : i32
    %scan3A_194 = scf.for %scan3A_1109 = %scan3A_190 to %scan3A_192 step %scan3A_193 iter_args(%scan3A_1110 = %scan3A_189) -> (i32)  : i32 {
      %mul3A_1111 = arith.constant 16 : i32
      %mul3A_1112 = arith.muli %scan3A_1109, %mul3A_1111 : i32
      %swap3A = arith.constant 0 : i32
      %swap3A_1113 = arith.index_cast %swap3A : i32 to index
      %swap3A_1114 = arith.index_cast %mul3A_1112 : i32 to index
      %swap3A_1115 = tpu.vector_load %arg6[%swap3A_1113, %swap3A_1114] {strides = array<i32>} : memref<16x2048xf32, #tpu.memory_space<vmem>>, vector<16xf32>,
      tpu.vector_store %arg6[%swap3A_1113, %swap3A_1114], %broadcast_in_dim3A_3 {strides = array<i32>} : memref<16x2048xf32, #tpu.memory_space<vmem>>, vector<16xf32>,
      %mul3A_1116 = arith.constant 16 : i32
      %mul3A_1117 = arith.muli %scan3A_1109, %mul3A_1116 : i32
      %swap3A_1118 = arith.constant 1 : i32
      %swap3A_1119 = arith.index_cast %swap3A_1118 : i32 to index
      %swap3A_1120 = arith.index_cast %mul3A_1117 : i32 to index
      %swap3A_1121 = tpu.vector_load %arg6[%swap3A_1119, %swap3A_1120] {strides = array<i32>} : memref<16x2048xf32, #tpu.memory_space<vmem>>, vector<16xf32>,
      tpu.vector_store %arg6[%swap3A_1119, %swap3A_1120], %broadcast_in_dim3A_3 {strides = array<i32>} : memref<16x2048xf32, #tpu.memory_space<vmem>>, vector<16xf32>,
      %mul3A_1122 = arith.constant 16 : i32
      %mul3A_1123 = arith.muli %scan3A_1109, %mul3A_1122 : i32
      %swap3A_1124 = arith.constant 2 : i32
      %swap3A_1125 = arith.index_cast %swap3A_1124 : i32 to index
      %swap3A_1126 = arith.index_cast %mul3A_1123 : i32 to index
      %swap3A_1127 = tpu.vector_load %arg6[%swap3A_1125, %swap3A_1126] {strides = array<i32>} : memref<16x2048xf32, #tpu.memory_space<vmem>>, vector<16xf32>,
      tpu.vector_store %arg6[%swap3A_1125, %swap3A_1126], %broadcast_in_dim3A_3 {strides = array<i32>} : memref<16x2048xf32, #tpu.memory_space<vmem>>, vector<16xf32>,
      %mul3A_1128 = arith.constant 16 : i32
      %mul3A_1129 = arith.muli %scan3A_1109, %mul3A_1128 : i32
      %swap3A_1130 = arith.constant 3 : i32
      %swap3A_1131 = arith.index_cast %swap3A_1130 : i32 to index
      %swap3A_1132 = arith.index_cast %mul3A_1129 : i32 to index
      %swap3A_1133 = tpu.vector_load %arg6[%swap3A_1131, %swap3A_1132] {strides = array<i32>} : memref<16x2048xf32, #tpu.memory_space<vmem>>, vector<16xf32>,
      tpu.vector_store %arg6[%swap3A_1131, %swap3A_1132], %broadcast_in_dim3A_3 {strides = array<i32>} : memref<16x2048xf32, #tpu.memory_space<vmem>>, vector<16xf32>,
      %mul3A_1134 = arith.constant 16 : i32
      %mul3A_1135 = arith.muli %scan3A_1109, %mul3A_1134 : i32
      %swap3A_1136 = arith.constant 4 : i32
      %swap3A_1137 = arith.index_cast %swap3A_1136 : i32 to index
      %swap3A_1138 = arith.index_cast %mul3A_1135 : i32 to index
      %swap3A_1139 = tpu.vector_load %arg6[%swap3A_1137, %swap3A_1138] {strides = array<i32>} : memref<16x2048xf32, #tpu.memory_space<vmem>>, vector<16xf32>,
      tpu.vector_store %arg6[%swap3A_1137, %swap3A_1138], %broadcast_in_dim3A_3 {strides = array<i32>} : memref<16x2048xf32, #tpu.memory_space<vmem>>, vector<16xf32>,
      %mul3A_1140 = arith.constant 16 : i32
      %mul3A_1141 = arith.muli %scan3A_1109, %mul3A_1140 : i32
      %swap3A_1142 = arith.constant 5 : i32
      %swap3A_1143 = arith.index_cast %swap3A_1142 : i32 to index
      %swap3A_1144 = arith.index_cast %mul3A_1141 : i32 to index
      %swap3A_1145 = tpu.vector_load %arg6[%swap3A_1143, %swap3A_1144] {strides = array<i32>} : memref<16x2048xf32, #tpu.memory_space<vmem>>, vector<16xf32>,
      tpu.vector_store %arg6[%swap3A_1143, %swap3A_1144], %broadcast_in_dim3A_3 {strides = array<i32>} : memref<16x2048xf32, #tpu.memory_space<vmem>>, vector<16xf32>,
      %mul3A_1146 = arith.constant 16 : i32
      %mul3A_1147 = arith.muli %scan3A_1109, %mul3A_1146 : i32
      %swap3A_1148 = arith.constant 6 : i32
      %swap3A_1149 = arith.index_cast %swap3A_1148 : i32 to index
      %swap3A_1150 = arith.index_cast %mul3A_1147 : i32 to index
      %swap3A_1151 = tpu.vector_load %arg6[%swap3A_1149, %swap3A_1150] {strides = array<i32>} : memref<16x2048xf32, #tpu.memory_space<vmem>>, vector<16xf32>,
      tpu.vector_store %arg6[%swap3A_1149, %swap3A_1150], %broadcast_in_dim3A_3 {strides = array<i32>} : memref<16x2048xf32, #tpu.memory_space<vmem>>, vector<16xf32>,
      %mul3A_1152 = arith.constant 16 : i32
      %mul3A_1153 = arith.muli %scan3A_1109, %mul3A_1152 : i32
      %swap3A_1154 = arith.constant 7 : i32
      %swap3A_1155 = arith.index_cast %swap3A_1154 : i32 to index
      %swap3A_1156 = arith.index_cast %mul3A_1153 : i32 to index
      %swap3A_1157 = tpu.vector_load %arg6[%swap3A_1155, %swap3A_1156] {strides = array<i32>} : memref<16x2048xf32, #tpu.memory_space<vmem>>, vector<16xf32>,
      tpu.vector_store %arg6[%swap3A_1155, %swap3A_1156], %broadcast_in_dim3A_3 {strides = array<i32>} : memref<16x2048xf32, #tpu.memory_space<vmem>>, vector<16xf32>,
      %mul3A_1158 = arith.constant 16 : i32
      %mul3A_1159 = arith.muli %scan3A_1109, %mul3A_1158 : i32
      %swap3A_1160 = arith.constant 8 : i32
      %swap3A_1161 = arith.index_cast %swap3A_1160 : i32 to index
      %swap3A_1162 = arith.index_cast %mul3A_1159 : i32 to index
      %swap3A_1163 = tpu.vector_load %arg6[%swap3A_1161, %swap3A_1162] {strides = array<i32>} : memref<16x2048xf32, #tpu.memory_space<vmem>>, vector<16xf32>,
      tpu.vector_store %arg6[%swap3A_1161, %swap3A_1162], %broadcast_in_dim3A_3 {strides = array<i32>} : memref<16x2048xf32, #tpu.memory_space<vmem>>, vector<16xf32>,
      %mul3A_1164 = arith.constant 16 : i32
      %mul3A_1165 = arith.muli %scan3A_1109, %mul3A_1164 : i32
      %swap3A_1166 = arith.constant 9 : i32
      %swap3A_1167 = arith.index_cast %swap3A_1166 : i32 to index
      %swap3A_1168 = arith.index_cast %mul3A_1165 : i32 to index
      %swap3A_1169 = tpu.vector_load %arg6[%swap3A_1167, %swap3A_1168] {strides = array<i32>} : memref<16x2048xf32, #tpu.memory_space<vmem>>, vector<16xf32>,
      tpu.vector_store %arg6[%swap3A_1167, %swap3A_1168], %broadcast_in_dim3A_3 {strides = array<i32>} : memref<16x2048xf32, #tpu.memory_space<vmem>>, vector<16xf32>,
      %mul3A_1170 = arith.constant 16 : i32
      %mul3A_1171 = arith.muli %scan3A_1109, %mul3A_1170 : i32
      %swap3A_1172 = arith.constant 10 : i32
      %swap3A_1173 = arith.index_cast %swap3A_1172 : i32 to index
      %swap3A_1174 = arith.index_cast %mul3A_1171 : i32 to index
      %swap3A_1175 = tpu.vector_load %arg6[%swap3A_1173, %swap3A_1174] {strides = array<i32>} : memref<16x2048xf32, #tpu.memory_space<vmem>>, vector<16xf32>,
      tpu.vector_store %arg6[%swap3A_1173, %swap3A_1174], %broadcast_in_dim3A_3 {strides = array<i32>} : memref<16x2048xf32, #tpu.memory_space<vmem>>, vector<16xf32>,
      %mul3A_1176 = arith.constant 16 : i32
      %mul3A_1177 = arith.muli %scan3A_1109, %mul3A_1176 : i32
      %swap3A_1178 = arith.constant 11 : i32
      %swap3A_1179 = arith.index_cast %swap3A_1178 : i32 to index
      %swap3A_1180 = arith.index_cast %mul3A_1177 : i32 to index
      %swap3A_1181 = tpu.vector_load %arg6[%swap3A_1179, %swap3A_1180] {strides = array<i32>} : memref<16x2048xf32, #tpu.memory_space<vmem>>, vector<16xf32>,
      tpu.vector_store %arg6[%swap3A_1179, %swap3A_1180], %broadcast_in_dim3A_3 {strides = array<i32>} : memref<16x2048xf32, #tpu.memory_space<vmem>>, vector<16xf32>,
      %mul3A_1182 = arith.constant 16 : i32
      %mul3A_1183 = arith.muli %scan3A_1109, %mul3A_1182 : i32
      %swap3A_1184 = arith.constant 12 : i32
      %swap3A_1185 = arith.index_cast %swap3A_1184 : i32 to index
      %swap3A_1186 = arith.index_cast %mul3A_1183 : i32 to index
      %swap3A_1187 = tpu.vector_load %arg6[%swap3A_1185, %swap3A_1186] {strides = array<i32>} : memref<16x2048xf32, #tpu.memory_space<vmem>>, vector<16xf32>,
      tpu.vector_store %arg6[%swap3A_1185, %swap3A_1186], %broadcast_in_dim3A_3 {strides = array<i32>} : memref<16x2048xf32, #tpu.memory_space<vmem>>, vector<16xf32>,
      %mul3A_1188 = arith.constant 16 : i32
      %mul3A_1189 = arith.muli %scan3A_1109, %mul3A_1188 : i32
      %swap3A_1190 = arith.constant 13 : i32
      %swap3A_1191 = arith.index_cast %swap3A_1190 : i32 to index
      %swap3A_1192 = arith.index_cast %mul3A_1189 : i32 to index
      %swap3A_1193 = tpu.vector_load %arg6[%swap3A_1191, %swap3A_1192] {strides = array<i32>} : memref<16x2048xf32, #tpu.memory_space<vmem>>, vector<16xf32>,
      tpu.vector_store %arg6[%swap3A_1191, %swap3A_1192], %broadcast_in_dim3A_3 {strides = array<i32>} : memref<16x2048xf32, #tpu.memory_space<vmem>>, vector<16xf32>,
      %mul3A_1194 = arith.constant 16 : i32
      %mul3A_1195 = arith.muli %scan3A_1109, %mul3A_1194 : i32
      %swap3A_1196 = arith.constant 14 : i32
      %swap3A_1197 = arith.index_cast %swap3A_1196 : i32 to index
      %swap3A_1198 = arith.index_cast %mul3A_1195 : i32 to index
      %swap3A_1199 = tpu.vector_load %arg6[%swap3A_1197, %swap3A_1198] {strides = array<i32>} : memref<16x2048xf32, #tpu.memory_space<vmem>>, vector<16xf32>,
      tpu.vector_store %arg6[%swap3A_1197, %swap3A_1198], %broadcast_in_dim3A_3 {strides = array<i32>} : memref<16x2048xf32, #tpu.memory_space<vmem>>, vector<16xf32>,
      %mul3A_1200 = arith.constant 16 : i32
      %mul3A_1201 = arith.muli %scan3A_1109, %mul3A_1200 : i32
      %swap3A_1202 = arith.constant 15 : i32
      %swap3A_1203 = arith.index_cast %swap3A_1202 : i32 to index
      %swap3A_1204 = arith.index_cast %mul3A_1201 : i32 to index
      %swap3A_1205 = tpu.vector_load %arg6[%swap3A_1203, %swap3A_1204] {strides = array<i32>} : memref<16x2048xf32, #tpu.memory_space<vmem>>, vector<16xf32>,
      tpu.vector_store %arg6[%swap3A_1203, %swap3A_1204], %broadcast_in_dim3A_3 {strides = array<i32>} : memref<16x2048xf32, #tpu.memory_space<vmem>>, vector<16xf32>,
      %scan3A_1206 = arith.constant 0 : i32
      scf.yield %scan3A_1206 : i32
    }
    %scan3A_195 = arith.constant 128 : i32
    %add3A_196 = arith.constant 16 : i32
    %add3A_197 = vector.broadcast %add3A_196 : i32 to vector<16xi32>
    %add3A_198 = arith.addi %add3A_197, %iota3A : vector<16xi32>
    %broadcast_in_dim3A_199 = arith.constant 0 : i32
    %broadcast_in_dim3A_200 = vector.broadcast %broadcast_in_dim3A_199 : i32 to vector<16xi32>
    %gather3A_201 = tpu.vector_load_idx %arg4[%add3A_198, %broadcast_in_dim3A_200] : memref<64x32xi32, #tpu.memory_space<vmem>>[vector<16xi32>, vector<16xi32>], vector<16xi32>,
    %add3A_202 = arith.constant 16 : i32
    %add3A_203 = vector.broadcast %add3A_202 : i32 to vector<16xi32>
    %add3A_204 = arith.addi %broadcast_in_dim3A_200, %add3A_203 : vector<16xi32>
    %gather3A_205 = tpu.vector_load_idx %arg4[%add3A_198, %add3A_204] : memref<64x32xi32, #tpu.memory_space<vmem>>[vector<16xi32>, vector<16xi32>], vector<16xi32>,
    %bitcast3A_206 = vector.bitcast %gather3A_205 : vector<16xi32> to vector<16xf32>
    tpu.vector_store_idx %arg6[%iota3A, %gather3A_201], %bitcast3A_206 {add = true} : memref<16x2048xf32, #tpu.memory_space<vmem>>[vector<16xi32>, vector<16xi32>], vector<16xf32>,
    %add3A_207 = arith.constant 16 : i32
    %add3A_208 = vector.broadcast %add3A_207 : i32 to vector<16xi32>
    %add3A_209 = arith.addi %add3A_208, %iota3A : vector<16xi32>
    %broadcast_in_dim3A_210 = arith.constant 1 : i32
    %broadcast_in_dim3A_211 = vector.broadcast %broadcast_in_dim3A_210 : i32 to vector<16xi32>
    %gather3A_212 = tpu.vector_load_idx %arg4[%add3A_209, %broadcast_in_dim3A_211] : memref<64x32xi32, #tpu.memory_space<vmem>>[vector<16xi32>, vector<16xi32>], vector<16xi32>,
    %add3A_213 = arith.constant 16 : i32
    %add3A_214 = vector.broadcast %add3A_213 : i32 to vector<16xi32>
    %add3A_215 = arith.addi %broadcast_in_dim3A_211, %add3A_214 : vector<16xi32>
    %gather3A_216 = tpu.vector_load_idx %arg4[%add3A_209, %add3A_215] : memref<64x32xi32, #tpu.memory_space<vmem>>[vector<16xi32>, vector<16xi32>], vector<16xi32>,
    %bitcast3A_217 = vector.bitcast %gather3A_216 : vector<16xi32> to vector<16xf32>
    tpu.vector_store_idx %arg6[%iota3A, %gather3A_212], %bitcast3A_217 {add = true} : memref<16x2048xf32, #tpu.memory_space<vmem>>[vector<16xi32>, vector<16xi32>], vector<16xf32>,
    %add3A_218 = arith.constant 16 : i32
    %add3A_219 = vector.broadcast %add3A_218 : i32 to vector<16xi32>
    %add3A_220 = arith.addi %add3A_219, %iota3A : vector<16xi32>
    %broadcast_in_dim3A_221 = arith.constant 2 : i32
    %broadcast_in_dim3A_222 = vector.broadcast %broadcast_in_dim3A_221 : i32 to vector<16xi32>
    %gather3A_223 = tpu.vector_load_idx %arg4[%add3A_220, %broadcast_in_dim3A_222] : memref<64x32xi32, #tpu.memory_space<vmem>>[vector<16xi32>, vector<16xi32>], vector<16xi32>,
    %add3A_224 = arith.constant 16 : i32
    %add3A_225 = vector.broadcast %add3A_224 : i32 to vector<16xi32>
    %add3A_226 = arith.addi %broadcast_in_dim3A_222, %add3A_225 : vector<16xi32>
    %gather3A_227 = tpu.vector_load_idx %arg4[%add3A_220, %add3A_226] : memref<64x32xi32, #tpu.memory_space<vmem>>[vector<16xi32>, vector<16xi32>], vector<16xi32>,
    %bitcast3A_228 = vector.bitcast %gather3A_227 : vector<16xi32> to vector<16xf32>
    tpu.vector_store_idx %arg6[%iota3A, %gather3A_223], %bitcast3A_228 {add = true} : memref<16x2048xf32, #tpu.memory_space<vmem>>[vector<16xi32>, vector<16xi32>], vector<16xf32>,
    %add3A_229 = arith.constant 16 : i32
    %add3A_230 = vector.broadcast %add3A_229 : i32 to vector<16xi32>
    %add3A_231 = arith.addi %add3A_230, %iota3A : vector<16xi32>
    %broadcast_in_dim3A_232 = arith.constant 3 : i32
    %broadcast_in_dim3A_233 = vector.broadcast %broadcast_in_dim3A_232 : i32 to vector<16xi32>
    %gather3A_234 = tpu.vector_load_idx %arg4[%add3A_231, %broadcast_in_dim3A_233] : memref<64x32xi32, #tpu.memory_space<vmem>>[vector<16xi32>, vector<16xi32>], vector<16xi32>,
    %add3A_235 = arith.constant 16 : i32
    %add3A_236 = vector.broadcast %add3A_235 : i32 to vector<16xi32>
    %add3A_237 = arith.addi %broadcast_in_dim3A_233, %add3A_236 : vector<16xi32>
    %gather3A_238 = tpu.vector_load_idx %arg4[%add3A_231, %add3A_237] : memref<64x32xi32, #tpu.memory_space<vmem>>[vector<16xi32>, vector<16xi32>], vector<16xi32>,
    %bitcast3A_239 = vector.bitcast %gather3A_238 : vector<16xi32> to vector<16xf32>
    tpu.vector_store_idx %arg6[%iota3A, %gather3A_234], %bitcast3A_239 {add = true} : memref<16x2048xf32, #tpu.memory_space<vmem>>[vector<16xi32>, vector<16xi32>], vector<16xf32>,
    %add3A_240 = arith.constant 16 : i32
    %add3A_241 = vector.broadcast %add3A_240 : i32 to vector<16xi32>
    %add3A_242 = arith.addi %add3A_241, %iota3A : vector<16xi32>
    %broadcast_in_dim3A_243 = arith.constant 4 : i32
    %broadcast_in_dim3A_244 = vector.broadcast %broadcast_in_dim3A_243 : i32 to vector<16xi32>
    %gather3A_245 = tpu.vector_load_idx %arg4[%add3A_242, %broadcast_in_dim3A_244] : memref<64x32xi32, #tpu.memory_space<vmem>>[vector<16xi32>, vector<16xi32>], vector<16xi32>,
    %add3A_246 = arith.constant 16 : i32
    %add3A_247 = vector.broadcast %add3A_246 : i32 to vector<16xi32>
    %add3A_248 = arith.addi %broadcast_in_dim3A_244, %add3A_247 : vector<16xi32>
    %gather3A_249 = tpu.vector_load_idx %arg4[%add3A_242, %add3A_248] : memref<64x32xi32, #tpu.memory_space<vmem>>[vector<16xi32>, vector<16xi32>], vector<16xi32>,
    %bitcast3A_250 = vector.bitcast %gather3A_249 : vector<16xi32> to vector<16xf32>
    tpu.vector_store_idx %arg6[%iota3A, %gather3A_245], %bitcast3A_250 {add = true} : memref<16x2048xf32, #tpu.memory_space<vmem>>[vector<16xi32>, vector<16xi32>], vector<16xf32>,
    %add3A_251 = arith.constant 16 : i32
    %add3A_252 = vector.broadcast %add3A_251 : i32 to vector<16xi32>
    %add3A_253 = arith.addi %add3A_252, %iota3A : vector<16xi32>
    %broadcast_in_dim3A_254 = arith.constant 5 : i32
    %broadcast_in_dim3A_255 = vector.broadcast %broadcast_in_dim3A_254 : i32 to vector<16xi32>
    %gather3A_256 = tpu.vector_load_idx %arg4[%add3A_253, %broadcast_in_dim3A_255] : memref<64x32xi32, #tpu.memory_space<vmem>>[vector<16xi32>, vector<16xi32>], vector<16xi32>,
    %add3A_257 = arith.constant 16 : i32
    %add3A_258 = vector.broadcast %add3A_257 : i32 to vector<16xi32>
    %add3A_259 = arith.addi %broadcast_in_dim3A_255, %add3A_258 : vector<16xi32>
    %gather3A_260 = tpu.vector_load_idx %arg4[%add3A_253, %add3A_259] : memref<64x32xi32, #tpu.memory_space<vmem>>[vector<16xi32>, vector<16xi32>], vector<16xi32>,
    %bitcast3A_261 = vector.bitcast %gather3A_260 : vector<16xi32> to vector<16xf32>
    tpu.vector_store_idx %arg6[%iota3A, %gather3A_256], %bitcast3A_261 {add = true} : memref<16x2048xf32, #tpu.memory_space<vmem>>[vector<16xi32>, vector<16xi32>], vector<16xf32>,
    %add3A_262 = arith.constant 16 : i32
    %add3A_263 = vector.broadcast %add3A_262 : i32 to vector<16xi32>
    %add3A_264 = arith.addi %add3A_263, %iota3A : vector<16xi32>
    %broadcast_in_dim3A_265 = arith.constant 6 : i32
    %broadcast_in_dim3A_266 = vector.broadcast %broadcast_in_dim3A_265 : i32 to vector<16xi32>
    %gather3A_267 = tpu.vector_load_idx %arg4[%add3A_264, %broadcast_in_dim3A_266] : memref<64x32xi32, #tpu.memory_space<vmem>>[vector<16xi32>, vector<16xi32>], vector<16xi32>,
    %add3A_268 = arith.constant 16 : i32
    %add3A_269 = vector.broadcast %add3A_268 : i32 to vector<16xi32>
    %add3A_270 = arith.addi %broadcast_in_dim3A_266, %add3A_269 : vector<16xi32>
    %gather3A_271 = tpu.vector_load_idx %arg4[%add3A_264, %add3A_270] : memref<64x32xi32, #tpu.memory_space<vmem>>[vector<16xi32>, vector<16xi32>], vector<16xi32>,
    %bitcast3A_272 = vector.bitcast %gather3A_271 : vector<16xi32> to vector<16xf32>
    tpu.vector_store_idx %arg6[%iota3A, %gather3A_267], %bitcast3A_272 {add = true} : memref<16x2048xf32, #tpu.memory_space<vmem>>[vector<16xi32>, vector<16xi32>], vector<16xf32>,
    %add3A_273 = arith.constant 16 : i32
    %add3A_274 = vector.broadcast %add3A_273 : i32 to vector<16xi32>
    %add3A_275 = arith.addi %add3A_274, %iota3A : vector<16xi32>
    %broadcast_in_dim3A_276 = arith.constant 7 : i32
    %broadcast_in_dim3A_277 = vector.broadcast %broadcast_in_dim3A_276 : i32 to vector<16xi32>
    %gather3A_278 = tpu.vector_load_idx %arg4[%add3A_275, %broadcast_in_dim3A_277] : memref<64x32xi32, #tpu.memory_space<vmem>>[vector<16xi32>, vector<16xi32>], vector<16xi32>,
    %add3A_279 = arith.constant 16 : i32
    %add3A_280 = vector.broadcast %add3A_279 : i32 to vector<16xi32>
    %add3A_281 = arith.addi %broadcast_in_dim3A_277, %add3A_280 : vector<16xi32>
    %gather3A_282 = tpu.vector_load_idx %arg4[%add3A_275, %add3A_281] : memref<64x32xi32, #tpu.memory_space<vmem>>[vector<16xi32>, vector<16xi32>], vector<16xi32>,
    %bitcast3A_283 = vector.bitcast %gather3A_282 : vector<16xi32> to vector<16xf32>
    tpu.vector_store_idx %arg6[%iota3A, %gather3A_278], %bitcast3A_283 {add = true} : memref<16x2048xf32, #tpu.memory_space<vmem>>[vector<16xi32>, vector<16xi32>], vector<16xf32>,
    %add3A_284 = arith.constant 16 : i32
    %add3A_285 = vector.broadcast %add3A_284 : i32 to vector<16xi32>
    %add3A_286 = arith.addi %add3A_285, %iota3A : vector<16xi32>
    %broadcast_in_dim3A_287 = arith.constant 8 : i32
    %broadcast_in_dim3A_288 = vector.broadcast %broadcast_in_dim3A_287 : i32 to vector<16xi32>
    %gather3A_289 = tpu.vector_load_idx %arg4[%add3A_286, %broadcast_in_dim3A_288] : memref<64x32xi32, #tpu.memory_space<vmem>>[vector<16xi32>, vector<16xi32>], vector<16xi32>,
    %add3A_290 = arith.constant 16 : i32
    %add3A_291 = vector.broadcast %add3A_290 : i32 to vector<16xi32>
    %add3A_292 = arith.addi %broadcast_in_dim3A_288, %add3A_291 : vector<16xi32>
    %gather3A_293 = tpu.vector_load_idx %arg4[%add3A_286, %add3A_292] : memref<64x32xi32, #tpu.memory_space<vmem>>[vector<16xi32>, vector<16xi32>], vector<16xi32>,
    %bitcast3A_294 = vector.bitcast %gather3A_293 : vector<16xi32> to vector<16xf32>
    tpu.vector_store_idx %arg6[%iota3A, %gather3A_289], %bitcast3A_294 {add = true} : memref<16x2048xf32, #tpu.memory_space<vmem>>[vector<16xi32>, vector<16xi32>], vector<16xf32>,
    %add3A_295 = arith.constant 16 : i32
    %add3A_296 = vector.broadcast %add3A_295 : i32 to vector<16xi32>
    %add3A_297 = arith.addi %add3A_296, %iota3A : vector<16xi32>
    %broadcast_in_dim3A_298 = arith.constant 9 : i32
    %broadcast_in_dim3A_299 = vector.broadcast %broadcast_in_dim3A_298 : i32 to vector<16xi32>
    %gather3A_300 = tpu.vector_load_idx %arg4[%add3A_297, %broadcast_in_dim3A_299] : memref<64x32xi32, #tpu.memory_space<vmem>>[vector<16xi32>, vector<16xi32>], vector<16xi32>,
    %add3A_301 = arith.constant 16 : i32
    %add3A_302 = vector.broadcast %add3A_301 : i32 to vector<16xi32>
    %add3A_303 = arith.addi %broadcast_in_dim3A_299, %add3A_302 : vector<16xi32>
    %gather3A_304 = tpu.vector_load_idx %arg4[%add3A_297, %add3A_303] : memref<64x32xi32, #tpu.memory_space<vmem>>[vector<16xi32>, vector<16xi32>], vector<16xi32>,
    %bitcast3A_305 = vector.bitcast %gather3A_304 : vector<16xi32> to vector<16xf32>
    tpu.vector_store_idx %arg6[%iota3A, %gather3A_300], %bitcast3A_305 {add = true} : memref<16x2048xf32, #tpu.memory_space<vmem>>[vector<16xi32>, vector<16xi32>], vector<16xf32>,
    %add3A_306 = arith.constant 16 : i32
    %add3A_307 = vector.broadcast %add3A_306 : i32 to vector<16xi32>
    %add3A_308 = arith.addi %add3A_307, %iota3A : vector<16xi32>
    %broadcast_in_dim3A_309 = arith.constant 10 : i32
    %broadcast_in_dim3A_310 = vector.broadcast %broadcast_in_dim3A_309 : i32 to vector<16xi32>
    %gather3A_311 = tpu.vector_load_idx %arg4[%add3A_308, %broadcast_in_dim3A_310] : memref<64x32xi32, #tpu.memory_space<vmem>>[vector<16xi32>, vector<16xi32>], vector<16xi32>,
    %add3A_312 = arith.constant 16 : i32
    %add3A_313 = vector.broadcast %add3A_312 : i32 to vector<16xi32>
    %add3A_314 = arith.addi %broadcast_in_dim3A_310, %add3A_313 : vector<16xi32>
    %gather3A_315 = tpu.vector_load_idx %arg4[%add3A_308, %add3A_314] : memref<64x32xi32, #tpu.memory_space<vmem>>[vector<16xi32>, vector<16xi32>], vector<16xi32>,
    %bitcast3A_316 = vector.bitcast %gather3A_315 : vector<16xi32> to vector<16xf32>
    tpu.vector_store_idx %arg6[%iota3A, %gather3A_311], %bitcast3A_316 {add = true} : memref<16x2048xf32, #tpu.memory_space<vmem>>[vector<16xi32>, vector<16xi32>], vector<16xf32>,
    %add3A_317 = arith.constant 16 : i32
    %add3A_318 = vector.broadcast %add3A_317 : i32 to vector<16xi32>
    %add3A_319 = arith.addi %add3A_318, %iota3A : vector<16xi32>
    %broadcast_in_dim3A_320 = arith.constant 11 : i32
    %broadcast_in_dim3A_321 = vector.broadcast %broadcast_in_dim3A_320 : i32 to vector<16xi32>
    %gather3A_322 = tpu.vector_load_idx %arg4[%add3A_319, %broadcast_in_dim3A_321] : memref<64x32xi32, #tpu.memory_space<vmem>>[vector<16xi32>, vector<16xi32>], vector<16xi32>,
    %add3A_323 = arith.constant 16 : i32
    %add3A_324 = vector.broadcast %add3A_323 : i32 to vector<16xi32>
    %add3A_325 = arith.addi %broadcast_in_dim3A_321, %add3A_324 : vector<16xi32>
    %gather3A_326 = tpu.vector_load_idx %arg4[%add3A_319, %add3A_325] : memref<64x32xi32, #tpu.memory_space<vmem>>[vector<16xi32>, vector<16xi32>], vector<16xi32>,
    %bitcast3A_327 = vector.bitcast %gather3A_326 : vector<16xi32> to vector<16xf32>
    tpu.vector_store_idx %arg6[%iota3A, %gather3A_322], %bitcast3A_327 {add = true} : memref<16x2048xf32, #tpu.memory_space<vmem>>[vector<16xi32>, vector<16xi32>], vector<16xf32>,
    %add3A_328 = arith.constant 16 : i32
    %add3A_329 = vector.broadcast %add3A_328 : i32 to vector<16xi32>
    %add3A_330 = arith.addi %add3A_329, %iota3A : vector<16xi32>
    %broadcast_in_dim3A_331 = arith.constant 12 : i32
    %broadcast_in_dim3A_332 = vector.broadcast %broadcast_in_dim3A_331 : i32 to vector<16xi32>
    %gather3A_333 = tpu.vector_load_idx %arg4[%add3A_330, %broadcast_in_dim3A_332] : memref<64x32xi32, #tpu.memory_space<vmem>>[vector<16xi32>, vector<16xi32>], vector<16xi32>,
    %add3A_334 = arith.constant 16 : i32
    %add3A_335 = vector.broadcast %add3A_334 : i32 to vector<16xi32>
    %add3A_336 = arith.addi %broadcast_in_dim3A_332, %add3A_335 : vector<16xi32>
    %gather3A_337 = tpu.vector_load_idx %arg4[%add3A_330, %add3A_336] : memref<64x32xi32, #tpu.memory_space<vmem>>[vector<16xi32>, vector<16xi32>], vector<16xi32>,
    %bitcast3A_338 = vector.bitcast %gather3A_337 : vector<16xi32> to vector<16xf32>
    tpu.vector_store_idx %arg6[%iota3A, %gather3A_333], %bitcast3A_338 {add = true} : memref<16x2048xf32, #tpu.memory_space<vmem>>[vector<16xi32>, vector<16xi32>], vector<16xf32>,
    %add3A_339 = arith.constant 16 : i32
    %add3A_340 = vector.broadcast %add3A_339 : i32 to vector<16xi32>
    %add3A_341 = arith.addi %add3A_340, %iota3A : vector<16xi32>
    %broadcast_in_dim3A_342 = arith.constant 13 : i32
    %broadcast_in_dim3A_343 = vector.broadcast %broadcast_in_dim3A_342 : i32 to vector<16xi32>
    %gather3A_344 = tpu.vector_load_idx %arg4[%add3A_341, %broadcast_in_dim3A_343] : memref<64x32xi32, #tpu.memory_space<vmem>>[vector<16xi32>, vector<16xi32>], vector<16xi32>,
    %add3A_345 = arith.constant 16 : i32
    %add3A_346 = vector.broadcast %add3A_345 : i32 to vector<16xi32>
    %add3A_347 = arith.addi %broadcast_in_dim3A_343, %add3A_346 : vector<16xi32>
    %gather3A_348 = tpu.vector_load_idx %arg4[%add3A_341, %add3A_347] : memref<64x32xi32, #tpu.memory_space<vmem>>[vector<16xi32>, vector<16xi32>], vector<16xi32>,
    %bitcast3A_349 = vector.bitcast %gather3A_348 : vector<16xi32> to vector<16xf32>
    tpu.vector_store_idx %arg6[%iota3A, %gather3A_344], %bitcast3A_349 {add = true} : memref<16x2048xf32, #tpu.memory_space<vmem>>[vector<16xi32>, vector<16xi32>], vector<16xf32>,
    %add3A_350 = arith.constant 16 : i32
    %add3A_351 = vector.broadcast %add3A_350 : i32 to vector<16xi32>
    %add3A_352 = arith.addi %add3A_351, %iota3A : vector<16xi32>
    %broadcast_in_dim3A_353 = arith.constant 14 : i32
    %broadcast_in_dim3A_354 = vector.broadcast %broadcast_in_dim3A_353 : i32 to vector<16xi32>
    %gather3A_355 = tpu.vector_load_idx %arg4[%add3A_352, %broadcast_in_dim3A_354] : memref<64x32xi32, #tpu.memory_space<vmem>>[vector<16xi32>, vector<16xi32>], vector<16xi32>,
    %add3A_356 = arith.constant 16 : i32
    %add3A_357 = vector.broadcast %add3A_356 : i32 to vector<16xi32>
    %add3A_358 = arith.addi %broadcast_in_dim3A_354, %add3A_357 : vector<16xi32>
    %gather3A_359 = tpu.vector_load_idx %arg4[%add3A_352, %add3A_358] : memref<64x32xi32, #tpu.memory_space<vmem>>[vector<16xi32>, vector<16xi32>], vector<16xi32>,
    %bitcast3A_360 = vector.bitcast %gather3A_359 : vector<16xi32> to vector<16xf32>
    tpu.vector_store_idx %arg6[%iota3A, %gather3A_355], %bitcast3A_360 {add = true} : memref<16x2048xf32, #tpu.memory_space<vmem>>[vector<16xi32>, vector<16xi32>], vector<16xf32>,
    %add3A_361 = arith.constant 16 : i32
    %add3A_362 = vector.broadcast %add3A_361 : i32 to vector<16xi32>
    %add3A_363 = arith.addi %add3A_362, %iota3A : vector<16xi32>
    %broadcast_in_dim3A_364 = arith.constant 15 : i32
    %broadcast_in_dim3A_365 = vector.broadcast %broadcast_in_dim3A_364 : i32 to vector<16xi32>
    %gather3A_366 = tpu.vector_load_idx %arg4[%add3A_363, %broadcast_in_dim3A_365] : memref<64x32xi32, #tpu.memory_space<vmem>>[vector<16xi32>, vector<16xi32>], vector<16xi32>,
    %add3A_367 = arith.constant 16 : i32
    %add3A_368 = vector.broadcast %add3A_367 : i32 to vector<16xi32>
    %add3A_369 = arith.addi %broadcast_in_dim3A_365, %add3A_368 : vector<16xi32>
    %gather3A_370 = tpu.vector_load_idx %arg4[%add3A_363, %add3A_369] : memref<64x32xi32, #tpu.memory_space<vmem>>[vector<16xi32>, vector<16xi32>], vector<16xi32>,
    %bitcast3A_371 = vector.bitcast %gather3A_370 : vector<16xi32> to vector<16xf32>
    tpu.vector_store_idx %arg6[%iota3A, %gather3A_366], %bitcast3A_371 {add = true} : memref<16x2048xf32, #tpu.memory_space<vmem>>[vector<16xi32>, vector<16xi32>], vector<16xf32>,
    %add3A_372 = arith.constant 16 : i32
    %add3A_373 = arith.addi %mul3A_2, %add3A_372 : i32
    %dma_start3A_374 = arith.constant 0 : i32
    %dma_start3A_375 = tpu.memref_slice %arg3[%add3A_373, %dma_start3A_374] : memref<2048x2048xf32, #tpu.memory_space<hbm>> -> memref<16x2048xf32, #tpu.memory_space<hbm>>
    %dma_start3A_376 = arith.constant 0 : i32
    %dma_start3A_377 = tpu.memref_slice %arg3[%add3A_373, %dma_start3A_376] : memref<2048x2048xf32, #tpu.memory_space<hbm>> -> memref<16x2048xf32, #tpu.memory_space<hbm>>
    tpu.enqueue_dma source(%arg6 : memref<16x2048xf32, #tpu.memory_space<vmem>>) target(%dma_start3A_377 : memref<16x2048xf32, #tpu.memory_space<hbm>>) target_semaphore(%arg8 : memref<!tpu.dma_semaphore, #tpu.memory_space<semaphore_mem>>)
    %dma_wait3A = arith.constant 0 : i32
    %dma_wait3A_378 = tpu.memref_slice %arg3[%add3A_185, %dma_wait3A] : memref<2048x2048xf32, #tpu.memory_space<hbm>> -> memref<16x2048xf32, #tpu.memory_space<hbm>>
    %dma_wait3A_379 = arith.constant 0 : i32
    %dma_wait3A_380 = tpu.memref_slice %arg3[%add3A_185, %dma_wait3A_379] : memref<2048x2048xf32, #tpu.memory_space<hbm>> -> memref<16x2048xf32, #tpu.memory_space<hbm>>
    tpu.wait_dma2 semaphore(%arg7 : memref<!tpu.dma_semaphore, #tpu.memory_space<semaphore_mem>>) src(%arg5 : memref<16x2048xf32, #tpu.memory_space<vmem>>) dst(%dma_wait3A_380 : memref<16x2048xf32, #tpu.memory_space<hbm>>)
    %add3A_381 = arith.constant 0 : i32
    %add3A_382 = vector.broadcast %add3A_381 : i32 to vector<16xi32>
    %add3A_383 = arith.addi %add3A_382, %iota3A : vector<16xi32>
    %broadcast_in_dim3A_384 = arith.constant 0 : i32
    %broadcast_in_dim3A_385 = vector.broadcast %broadcast_in_dim3A_384 : i32 to vector<16xi32>
    %gather3A_386 = tpu.vector_load_idx %arg4[%add3A_383, %broadcast_in_dim3A_385] : memref<64x32xi32, #tpu.memory_space<vmem>>[vector<16xi32>, vector<16xi32>], vector<16xi32>,
    %add3A_387 = arith.constant 16 : i32
    %add3A_388 = vector.broadcast %add3A_387 : i32 to vector<16xi32>
    %add3A_389 = arith.addi %broadcast_in_dim3A_385, %add3A_388 : vector<16xi32>
    %gather3A_390 = tpu.vector_load_idx %arg4[%add3A_383, %add3A_389] : memref<64x32xi32, #tpu.memory_space<vmem>>[vector<16xi32>, vector<16xi32>], vector<16xi32>,
    %bitcast3A_391 = vector.bitcast %gather3A_390 : vector<16xi32> to vector<16xf32>
    tpu.vector_store_idx %arg5[%iota3A, %gather3A_386], %broadcast_in_dim3A_3 : memref<16x2048xf32, #tpu.memory_space<vmem>>[vector<16xi32>, vector<16xi32>], vector<16xf32>,
    %add3A_392 = arith.constant 0 : i32
    %add3A_393 = vector.broadcast %add3A_392 : i32 to vector<16xi32>
    %add3A_394 = arith.addi %add3A_393, %iota3A : vector<16xi32>
    %broadcast_in_dim3A_395 = arith.constant 1 : i32
    %broadcast_in_dim3A_396 = vector.broadcast %broadcast_in_dim3A_395 : i32 to vector<16xi32>
    %gather3A_397 = tpu.vector_load_idx %arg4[%add3A_394, %broadcast_in_dim3A_396] : memref<64x32xi32, #tpu.memory_space<vmem>>[vector<16xi32>, vector<16xi32>], vector<16xi32>,
    %add3A_398 = arith.constant 16 : i32
    %add3A_399 = vector.broadcast %add3A_398 : i32 to vector<16xi32>
    %add3A_400 = arith.addi %broadcast_in_dim3A_396, %add3A_399 : vector<16xi32>
    %gather3A_401 = tpu.vector_load_idx %arg4[%add3A_394, %add3A_400] : memref<64x32xi32, #tpu.memory_space<vmem>>[vector<16xi32>, vector<16xi32>], vector<16xi32>,
    %bitcast3A_402 = vector.bitcast %gather3A_401 : vector<16xi32> to vector<16xf32>
    tpu.vector_store_idx %arg5[%iota3A, %gather3A_397], %broadcast_in_dim3A_3 : memref<16x2048xf32, #tpu.memory_space<vmem>>[vector<16xi32>, vector<16xi32>], vector<16xf32>,
    %add3A_403 = arith.constant 0 : i32
    %add3A_404 = vector.broadcast %add3A_403 : i32 to vector<16xi32>
    %add3A_405 = arith.addi %add3A_404, %iota3A : vector<16xi32>
    %broadcast_in_dim3A_406 = arith.constant 2 : i32
    %broadcast_in_dim3A_407 = vector.broadcast %broadcast_in_dim3A_406 : i32 to vector<16xi32>
    %gather3A_408 = tpu.vector_load_idx %arg4[%add3A_405, %broadcast_in_dim3A_407] : memref<64x32xi32, #tpu.memory_space<vmem>>[vector<16xi32>, vector<16xi32>], vector<16xi32>,
    %add3A_409 = arith.constant 16 : i32
    %add3A_410 = vector.broadcast %add3A_409 : i32 to vector<16xi32>
    %add3A_411 = arith.addi %broadcast_in_dim3A_407, %add3A_410 : vector<16xi32>
    %gather3A_412 = tpu.vector_load_idx %arg4[%add3A_405, %add3A_411] : memref<64x32xi32, #tpu.memory_space<vmem>>[vector<16xi32>, vector<16xi32>], vector<16xi32>,
    %bitcast3A_413 = vector.bitcast %gather3A_412 : vector<16xi32> to vector<16xf32>
    tpu.vector_store_idx %arg5[%iota3A, %gather3A_408], %broadcast_in_dim3A_3 : memref<16x2048xf32, #tpu.memory_space<vmem>>[vector<16xi32>, vector<16xi32>], vector<16xf32>,
    %add3A_414 = arith.constant 0 : i32
    %add3A_415 = vector.broadcast %add3A_414 : i32 to vector<16xi32>
    %add3A_416 = arith.addi %add3A_415, %iota3A : vector<16xi32>
    %broadcast_in_dim3A_417 = arith.constant 3 : i32
    %broadcast_in_dim3A_418 = vector.broadcast %broadcast_in_dim3A_417 : i32 to vector<16xi32>
    %gather3A_419 = tpu.vector_load_idx %arg4[%add3A_416, %broadcast_in_dim3A_418] : memref<64x32xi32, #tpu.memory_space<vmem>>[vector<16xi32>, vector<16xi32>], vector<16xi32>,
    %add3A_420 = arith.constant 16 : i32
    %add3A_421 = vector.broadcast %add3A_420 : i32 to vector<16xi32>
    %add3A_422 = arith.addi %broadcast_in_dim3A_418, %add3A_421 : vector<16xi32>
    %gather3A_423 = tpu.vector_load_idx %arg4[%add3A_416, %add3A_422] : memref<64x32xi32, #tpu.memory_space<vmem>>[vector<16xi32>, vector<16xi32>], vector<16xi32>,
    %bitcast3A_424 = vector.bitcast %gather3A_423 : vector<16xi32> to vector<16xf32>
    tpu.vector_store_idx %arg5[%iota3A, %gather3A_419], %broadcast_in_dim3A_3 : memref<16x2048xf32, #tpu.memory_space<vmem>>[vector<16xi32>, vector<16xi32>], vector<16xf32>,
    %add3A_425 = arith.constant 0 : i32
    %add3A_426 = vector.broadcast %add3A_425 : i32 to vector<16xi32>
    %add3A_427 = arith.addi %add3A_426, %iota3A : vector<16xi32>
    %broadcast_in_dim3A_428 = arith.constant 4 : i32
    %broadcast_in_dim3A_429 = vector.broadcast %broadcast_in_dim3A_428 : i32 to vector<16xi32>
    %gather3A_430 = tpu.vector_load_idx %arg4[%add3A_427, %broadcast_in_dim3A_429] : memref<64x32xi32, #tpu.memory_space<vmem>>[vector<16xi32>, vector<16xi32>], vector<16xi32>,
    %add3A_431 = arith.constant 16 : i32
    %add3A_432 = vector.broadcast %add3A_431 : i32 to vector<16xi32>
    %add3A_433 = arith.addi %broadcast_in_dim3A_429, %add3A_432 : vector<16xi32>
    %gather3A_434 = tpu.vector_load_idx %arg4[%add3A_427, %add3A_433] : memref<64x32xi32, #tpu.memory_space<vmem>>[vector<16xi32>, vector<16xi32>], vector<16xi32>,
    %bitcast3A_435 = vector.bitcast %gather3A_434 : vector<16xi32> to vector<16xf32>
    tpu.vector_store_idx %arg5[%iota3A, %gather3A_430], %broadcast_in_dim3A_3 : memref<16x2048xf32, #tpu.memory_space<vmem>>[vector<16xi32>, vector<16xi32>], vector<16xf32>,
    %add3A_436 = arith.constant 0 : i32
    %add3A_437 = vector.broadcast %add3A_436 : i32 to vector<16xi32>
    %add3A_438 = arith.addi %add3A_437, %iota3A : vector<16xi32>
    %broadcast_in_dim3A_439 = arith.constant 5 : i32
    %broadcast_in_dim3A_440 = vector.broadcast %broadcast_in_dim3A_439 : i32 to vector<16xi32>
    %gather3A_441 = tpu.vector_load_idx %arg4[%add3A_438, %broadcast_in_dim3A_440] : memref<64x32xi32, #tpu.memory_space<vmem>>[vector<16xi32>, vector<16xi32>], vector<16xi32>,
    %add3A_442 = arith.constant 16 : i32
    %add3A_443 = vector.broadcast %add3A_442 : i32 to vector<16xi32>
    %add3A_444 = arith.addi %broadcast_in_dim3A_440, %add3A_443 : vector<16xi32>
    %gather3A_445 = tpu.vector_load_idx %arg4[%add3A_438, %add3A_444] : memref<64x32xi32, #tpu.memory_space<vmem>>[vector<16xi32>, vector<16xi32>], vector<16xi32>,
    %bitcast3A_446 = vector.bitcast %gather3A_445 : vector<16xi32> to vector<16xf32>
    tpu.vector_store_idx %arg5[%iota3A, %gather3A_441], %broadcast_in_dim3A_3 : memref<16x2048xf32, #tpu.memory_space<vmem>>[vector<16xi32>, vector<16xi32>], vector<16xf32>,
    %add3A_447 = arith.constant 0 : i32
    %add3A_448 = vector.broadcast %add3A_447 : i32 to vector<16xi32>
    %add3A_449 = arith.addi %add3A_448, %iota3A : vector<16xi32>
    %broadcast_in_dim3A_450 = arith.constant 6 : i32
    %broadcast_in_dim3A_451 = vector.broadcast %broadcast_in_dim3A_450 : i32 to vector<16xi32>
    %gather3A_452 = tpu.vector_load_idx %arg4[%add3A_449, %broadcast_in_dim3A_451] : memref<64x32xi32, #tpu.memory_space<vmem>>[vector<16xi32>, vector<16xi32>], vector<16xi32>,
    %add3A_453 = arith.constant 16 : i32
    %add3A_454 = vector.broadcast %add3A_453 : i32 to vector<16xi32>
    %add3A_455 = arith.addi %broadcast_in_dim3A_451, %add3A_454 : vector<16xi32>
    %gather3A_456 = tpu.vector_load_idx %arg4[%add3A_449, %add3A_455] : memref<64x32xi32, #tpu.memory_space<vmem>>[vector<16xi32>, vector<16xi32>], vector<16xi32>,
    %bitcast3A_457 = vector.bitcast %gather3A_456 : vector<16xi32> to vector<16xf32>
    tpu.vector_store_idx %arg5[%iota3A, %gather3A_452], %broadcast_in_dim3A_3 : memref<16x2048xf32, #tpu.memory_space<vmem>>[vector<16xi32>, vector<16xi32>], vector<16xf32>,
    %add3A_458 = arith.constant 0 : i32
    %add3A_459 = vector.broadcast %add3A_458 : i32 to vector<16xi32>
    %add3A_460 = arith.addi %add3A_459, %iota3A : vector<16xi32>
    %broadcast_in_dim3A_461 = arith.constant 7 : i32
    %broadcast_in_dim3A_462 = vector.broadcast %broadcast_in_dim3A_461 : i32 to vector<16xi32>
    %gather3A_463 = tpu.vector_load_idx %arg4[%add3A_460, %broadcast_in_dim3A_462] : memref<64x32xi32, #tpu.memory_space<vmem>>[vector<16xi32>, vector<16xi32>], vector<16xi32>,
    %add3A_464 = arith.constant 16 : i32
    %add3A_465 = vector.broadcast %add3A_464 : i32 to vector<16xi32>
    %add3A_466 = arith.addi %broadcast_in_dim3A_462, %add3A_465 : vector<16xi32>
    %gather3A_467 = tpu.vector_load_idx %arg4[%add3A_460, %add3A_466] : memref<64x32xi32, #tpu.memory_space<vmem>>[vector<16xi32>, vector<16xi32>], vector<16xi32>,
    %bitcast3A_468 = vector.bitcast %gather3A_467 : vector<16xi32> to vector<16xf32>
    tpu.vector_store_idx %arg5[%iota3A, %gather3A_463], %broadcast_in_dim3A_3 : memref<16x2048xf32, #tpu.memory_space<vmem>>[vector<16xi32>, vector<16xi32>], vector<16xf32>,
    %add3A_469 = arith.constant 0 : i32
    %add3A_470 = vector.broadcast %add3A_469 : i32 to vector<16xi32>
    %add3A_471 = arith.addi %add3A_470, %iota3A : vector<16xi32>
    %broadcast_in_dim3A_472 = arith.constant 8 : i32
    %broadcast_in_dim3A_473 = vector.broadcast %broadcast_in_dim3A_472 : i32 to vector<16xi32>
    %gather3A_474 = tpu.vector_load_idx %arg4[%add3A_471, %broadcast_in_dim3A_473] : memref<64x32xi32, #tpu.memory_space<vmem>>[vector<16xi32>, vector<16xi32>], vector<16xi32>,
    %add3A_475 = arith.constant 16 : i32
    %add3A_476 = vector.broadcast %add3A_475 : i32 to vector<16xi32>
    %add3A_477 = arith.addi %broadcast_in_dim3A_473, %add3A_476 : vector<16xi32>
    %gather3A_478 = tpu.vector_load_idx %arg4[%add3A_471, %add3A_477] : memref<64x32xi32, #tpu.memory_space<vmem>>[vector<16xi32>, vector<16xi32>], vector<16xi32>,
    %bitcast3A_479 = vector.bitcast %gather3A_478 : vector<16xi32> to vector<16xf32>
    tpu.vector_store_idx %arg5[%iota3A, %gather3A_474], %broadcast_in_dim3A_3 : memref<16x2048xf32, #tpu.memory_space<vmem>>[vector<16xi32>, vector<16xi32>], vector<16xf32>,
    %add3A_480 = arith.constant 0 : i32
    %add3A_481 = vector.broadcast %add3A_480 : i32 to vector<16xi32>
    %add3A_482 = arith.addi %add3A_481, %iota3A : vector<16xi32>
    %broadcast_in_dim3A_483 = arith.constant 9 : i32
    %broadcast_in_dim3A_484 = vector.broadcast %broadcast_in_dim3A_483 : i32 to vector<16xi32>
    %gather3A_485 = tpu.vector_load_idx %arg4[%add3A_482, %broadcast_in_dim3A_484] : memref<64x32xi32, #tpu.memory_space<vmem>>[vector<16xi32>, vector<16xi32>], vector<16xi32>,
    %add3A_486 = arith.constant 16 : i32
    %add3A_487 = vector.broadcast %add3A_486 : i32 to vector<16xi32>
    %add3A_488 = arith.addi %broadcast_in_dim3A_484, %add3A_487 : vector<16xi32>
    %gather3A_489 = tpu.vector_load_idx %arg4[%add3A_482, %add3A_488] : memref<64x32xi32, #tpu.memory_space<vmem>>[vector<16xi32>, vector<16xi32>], vector<16xi32>,
    %bitcast3A_490 = vector.bitcast %gather3A_489 : vector<16xi32> to vector<16xf32>
    tpu.vector_store_idx %arg5[%iota3A, %gather3A_485], %broadcast_in_dim3A_3 : memref<16x2048xf32, #tpu.memory_space<vmem>>[vector<16xi32>, vector<16xi32>], vector<16xf32>,
    %add3A_491 = arith.constant 0 : i32
    %add3A_492 = vector.broadcast %add3A_491 : i32 to vector<16xi32>
    %add3A_493 = arith.addi %add3A_492, %iota3A : vector<16xi32>
    %broadcast_in_dim3A_494 = arith.constant 10 : i32
    %broadcast_in_dim3A_495 = vector.broadcast %broadcast_in_dim3A_494 : i32 to vector<16xi32>
    %gather3A_496 = tpu.vector_load_idx %arg4[%add3A_493, %broadcast_in_dim3A_495] : memref<64x32xi32, #tpu.memory_space<vmem>>[vector<16xi32>, vector<16xi32>], vector<16xi32>,
    %add3A_497 = arith.constant 16 : i32
    %add3A_498 = vector.broadcast %add3A_497 : i32 to vector<16xi32>
    %add3A_499 = arith.addi %broadcast_in_dim3A_495, %add3A_498 : vector<16xi32>
    %gather3A_500 = tpu.vector_load_idx %arg4[%add3A_493, %add3A_499] : memref<64x32xi32, #tpu.memory_space<vmem>>[vector<16xi32>, vector<16xi32>], vector<16xi32>,
    %bitcast3A_501 = vector.bitcast %gather3A_500 : vector<16xi32> to vector<16xf32>
    tpu.vector_store_idx %arg5[%iota3A, %gather3A_496], %broadcast_in_dim3A_3 : memref<16x2048xf32, #tpu.memory_space<vmem>>[vector<16xi32>, vector<16xi32>], vector<16xf32>,
    %add3A_502 = arith.constant 0 : i32
    %add3A_503 = vector.broadcast %add3A_502 : i32 to vector<16xi32>
    %add3A_504 = arith.addi %add3A_503, %iota3A : vector<16xi32>
    %broadcast_in_dim3A_505 = arith.constant 11 : i32
    %broadcast_in_dim3A_506 = vector.broadcast %broadcast_in_dim3A_505 : i32 to vector<16xi32>
    %gather3A_507 = tpu.vector_load_idx %arg4[%add3A_504, %broadcast_in_dim3A_506] : memref<64x32xi32, #tpu.memory_space<vmem>>[vector<16xi32>, vector<16xi32>], vector<16xi32>,
    %add3A_508 = arith.constant 16 : i32
    %add3A_509 = vector.broadcast %add3A_508 : i32 to vector<16xi32>
    %add3A_510 = arith.addi %broadcast_in_dim3A_506, %add3A_509 : vector<16xi32>
    %gather3A_511 = tpu.vector_load_idx %arg4[%add3A_504, %add3A_510] : memref<64x32xi32, #tpu.memory_space<vmem>>[vector<16xi32>, vector<16xi32>], vector<16xi32>,
    %bitcast3A_512 = vector.bitcast %gather3A_511 : vector<16xi32> to vector<16xf32>
    tpu.vector_store_idx %arg5[%iota3A, %gather3A_507], %broadcast_in_dim3A_3 : memref<16x2048xf32, #tpu.memory_space<vmem>>[vector<16xi32>, vector<16xi32>], vector<16xf32>,
    %add3A_513 = arith.constant 0 : i32
    %add3A_514 = vector.broadcast %add3A_513 : i32 to vector<16xi32>
    %add3A_515 = arith.addi %add3A_514, %iota3A : vector<16xi32>
    %broadcast_in_dim3A_516 = arith.constant 12 : i32
    %broadcast_in_dim3A_517 = vector.broadcast %broadcast_in_dim3A_516 : i32 to vector<16xi32>
    %gather3A_518 = tpu.vector_load_idx %arg4[%add3A_515, %broadcast_in_dim3A_517] : memref<64x32xi32, #tpu.memory_space<vmem>>[vector<16xi32>, vector<16xi32>], vector<16xi32>,
    %add3A_519 = arith.constant 16 : i32
    %add3A_520 = vector.broadcast %add3A_519 : i32 to vector<16xi32>
    %add3A_521 = arith.addi %broadcast_in_dim3A_517, %add3A_520 : vector<16xi32>
    %gather3A_522 = tpu.vector_load_idx %arg4[%add3A_515, %add3A_521] : memref<64x32xi32, #tpu.memory_space<vmem>>[vector<16xi32>, vector<16xi32>], vector<16xi32>,
    %bitcast3A_523 = vector.bitcast %gather3A_522 : vector<16xi32> to vector<16xf32>
    tpu.vector_store_idx %arg5[%iota3A, %gather3A_518], %broadcast_in_dim3A_3 : memref<16x2048xf32, #tpu.memory_space<vmem>>[vector<16xi32>, vector<16xi32>], vector<16xf32>,
    %add3A_524 = arith.constant 0 : i32
    %add3A_525 = vector.broadcast %add3A_524 : i32 to vector<16xi32>
    %add3A_526 = arith.addi %add3A_525, %iota3A : vector<16xi32>
    %broadcast_in_dim3A_527 = arith.constant 13 : i32
    %broadcast_in_dim3A_528 = vector.broadcast %broadcast_in_dim3A_527 : i32 to vector<16xi32>
    %gather3A_529 = tpu.vector_load_idx %arg4[%add3A_526, %broadcast_in_dim3A_528] : memref<64x32xi32, #tpu.memory_space<vmem>>[vector<16xi32>, vector<16xi32>], vector<16xi32>,
    %add3A_530 = arith.constant 16 : i32
    %add3A_531 = vector.broadcast %add3A_530 : i32 to vector<16xi32>
    %add3A_532 = arith.addi %broadcast_in_dim3A_528, %add3A_531 : vector<16xi32>
    %gather3A_533 = tpu.vector_load_idx %arg4[%add3A_526, %add3A_532] : memref<64x32xi32, #tpu.memory_space<vmem>>[vector<16xi32>, vector<16xi32>], vector<16xi32>,
    %bitcast3A_534 = vector.bitcast %gather3A_533 : vector<16xi32> to vector<16xf32>
    tpu.vector_store_idx %arg5[%iota3A, %gather3A_529], %broadcast_in_dim3A_3 : memref<16x2048xf32, #tpu.memory_space<vmem>>[vector<16xi32>, vector<16xi32>], vector<16xf32>,
    %add3A_535 = arith.constant 0 : i32
    %add3A_536 = vector.broadcast %add3A_535 : i32 to vector<16xi32>
    %add3A_537 = arith.addi %add3A_536, %iota3A : vector<16xi32>
    %broadcast_in_dim3A_538 = arith.constant 14 : i32
    %broadcast_in_dim3A_539 = vector.broadcast %broadcast_in_dim3A_538 : i32 to vector<16xi32>
    %gather3A_540 = tpu.vector_load_idx %arg4[%add3A_537, %broadcast_in_dim3A_539] : memref<64x32xi32, #tpu.memory_space<vmem>>[vector<16xi32>, vector<16xi32>], vector<16xi32>,
    %add3A_541 = arith.constant 16 : i32
    %add3A_542 = vector.broadcast %add3A_541 : i32 to vector<16xi32>
    %add3A_543 = arith.addi %broadcast_in_dim3A_539, %add3A_542 : vector<16xi32>
    %gather3A_544 = tpu.vector_load_idx %arg4[%add3A_537, %add3A_543] : memref<64x32xi32, #tpu.memory_space<vmem>>[vector<16xi32>, vector<16xi32>], vector<16xi32>,
    %bitcast3A_545 = vector.bitcast %gather3A_544 : vector<16xi32> to vector<16xf32>
    tpu.vector_store_idx %arg5[%iota3A, %gather3A_540], %broadcast_in_dim3A_3 : memref<16x2048xf32, #tpu.memory_space<vmem>>[vector<16xi32>, vector<16xi32>], vector<16xf32>,
    %add3A_546 = arith.constant 0 : i32
    %add3A_547 = vector.broadcast %add3A_546 : i32 to vector<16xi32>
    %add3A_548 = arith.addi %add3A_547, %iota3A : vector<16xi32>
    %broadcast_in_dim3A_549 = arith.constant 15 : i32
    %broadcast_in_dim3A_550 = vector.broadcast %broadcast_in_dim3A_549 : i32 to vector<16xi32>
    %gather3A_551 = tpu.vector_load_idx %arg4[%add3A_548, %broadcast_in_dim3A_550] : memref<64x32xi32, #tpu.memory_space<vmem>>[vector<16xi32>, vector<16xi32>], vector<16xi32>,
    %add3A_552 = arith.constant 16 : i32
    %add3A_553 = vector.broadcast %add3A_552 : i32 to vector<16xi32>
    %add3A_554 = arith.addi %broadcast_in_dim3A_550, %add3A_553 : vector<16xi32>
    %gather3A_555 = tpu.vector_load_idx %arg4[%add3A_548, %add3A_554] : memref<64x32xi32, #tpu.memory_space<vmem>>[vector<16xi32>, vector<16xi32>], vector<16xi32>,
    %bitcast3A_556 = vector.bitcast %gather3A_555 : vector<16xi32> to vector<16xf32>
    tpu.vector_store_idx %arg5[%iota3A, %gather3A_551], %broadcast_in_dim3A_3 : memref<16x2048xf32, #tpu.memory_space<vmem>>[vector<16xi32>, vector<16xi32>], vector<16xf32>,
    %add3A_557 = arith.constant 32 : i32
    %add3A_558 = vector.broadcast %add3A_557 : i32 to vector<16xi32>
    %add3A_559 = arith.addi %add3A_558, %iota3A : vector<16xi32>
    %broadcast_in_dim3A_560 = arith.constant 0 : i32
    %broadcast_in_dim3A_561 = vector.broadcast %broadcast_in_dim3A_560 : i32 to vector<16xi32>
    %gather3A_562 = tpu.vector_load_idx %arg4[%add3A_559, %broadcast_in_dim3A_561] : memref<64x32xi32, #tpu.memory_space<vmem>>[vector<16xi32>, vector<16xi32>], vector<16xi32>,
    %add3A_563 = arith.constant 16 : i32
    %add3A_564 = vector.broadcast %add3A_563 : i32 to vector<16xi32>
    %add3A_565 = arith.addi %broadcast_in_dim3A_561, %add3A_564 : vector<16xi32>
    %gather3A_566 = tpu.vector_load_idx %arg4[%add3A_559, %add3A_565] : memref<64x32xi32, #tpu.memory_space<vmem>>[vector<16xi32>, vector<16xi32>], vector<16xi32>,
    %bitcast3A_567 = vector.bitcast %gather3A_566 : vector<16xi32> to vector<16xf32>
    tpu.vector_store_idx %arg5[%iota3A, %gather3A_562], %bitcast3A_567 {add = true} : memref<16x2048xf32, #tpu.memory_space<vmem>>[vector<16xi32>, vector<16xi32>], vector<16xf32>,
    %add3A_568 = arith.constant 32 : i32
    %add3A_569 = vector.broadcast %add3A_568 : i32 to vector<16xi32>
    %add3A_570 = arith.addi %add3A_569, %iota3A : vector<16xi32>
    %broadcast_in_dim3A_571 = arith.constant 1 : i32
    %broadcast_in_dim3A_572 = vector.broadcast %broadcast_in_dim3A_571 : i32 to vector<16xi32>
    %gather3A_573 = tpu.vector_load_idx %arg4[%add3A_570, %broadcast_in_dim3A_572] : memref<64x32xi32, #tpu.memory_space<vmem>>[vector<16xi32>, vector<16xi32>], vector<16xi32>,
    %add3A_574 = arith.constant 16 : i32
    %add3A_575 = vector.broadcast %add3A_574 : i32 to vector<16xi32>
    %add3A_576 = arith.addi %broadcast_in_dim3A_572, %add3A_575 : vector<16xi32>
    %gather3A_577 = tpu.vector_load_idx %arg4[%add3A_570, %add3A_576] : memref<64x32xi32, #tpu.memory_space<vmem>>[vector<16xi32>, vector<16xi32>], vector<16xi32>,
    %bitcast3A_578 = vector.bitcast %gather3A_577 : vector<16xi32> to vector<16xf32>
    tpu.vector_store_idx %arg5[%iota3A, %gather3A_573], %bitcast3A_578 {add = true} : memref<16x2048xf32, #tpu.memory_space<vmem>>[vector<16xi32>, vector<16xi32>], vector<16xf32>,
    %add3A_579 = arith.constant 32 : i32
    %add3A_580 = vector.broadcast %add3A_579 : i32 to vector<16xi32>
    %add3A_581 = arith.addi %add3A_580, %iota3A : vector<16xi32>
    %broadcast_in_dim3A_582 = arith.constant 2 : i32
    %broadcast_in_dim3A_583 = vector.broadcast %broadcast_in_dim3A_582 : i32 to vector<16xi32>
    %gather3A_584 = tpu.vector_load_idx %arg4[%add3A_581, %broadcast_in_dim3A_583] : memref<64x32xi32, #tpu.memory_space<vmem>>[vector<16xi32>, vector<16xi32>], vector<16xi32>,
    %add3A_585 = arith.constant 16 : i32
    %add3A_586 = vector.broadcast %add3A_585 : i32 to vector<16xi32>
    %add3A_587 = arith.addi %broadcast_in_dim3A_583, %add3A_586 : vector<16xi32>
    %gather3A_588 = tpu.vector_load_idx %arg4[%add3A_581, %add3A_587] : memref<64x32xi32, #tpu.memory_space<vmem>>[vector<16xi32>, vector<16xi32>], vector<16xi32>,
    %bitcast3A_589 = vector.bitcast %gather3A_588 : vector<16xi32> to vector<16xf32>
    tpu.vector_store_idx %arg5[%iota3A, %gather3A_584], %bitcast3A_589 {add = true} : memref<16x2048xf32, #tpu.memory_space<vmem>>[vector<16xi32>, vector<16xi32>], vector<16xf32>,
    %add3A_590 = arith.constant 32 : i32
    %add3A_591 = vector.broadcast %add3A_590 : i32 to vector<16xi32>
    %add3A_592 = arith.addi %add3A_591, %iota3A : vector<16xi32>
    %broadcast_in_dim3A_593 = arith.constant 3 : i32
    %broadcast_in_dim3A_594 = vector.broadcast %broadcast_in_dim3A_593 : i32 to vector<16xi32>
    %gather3A_595 = tpu.vector_load_idx %arg4[%add3A_592, %broadcast_in_dim3A_594] : memref<64x32xi32, #tpu.memory_space<vmem>>[vector<16xi32>, vector<16xi32>], vector<16xi32>,
    %add3A_596 = arith.constant 16 : i32
    %add3A_597 = vector.broadcast %add3A_596 : i32 to vector<16xi32>
    %add3A_598 = arith.addi %broadcast_in_dim3A_594, %add3A_597 : vector<16xi32>
    %gather3A_599 = tpu.vector_load_idx %arg4[%add3A_592, %add3A_598] : memref<64x32xi32, #tpu.memory_space<vmem>>[vector<16xi32>, vector<16xi32>], vector<16xi32>,
    %bitcast3A_600 = vector.bitcast %gather3A_599 : vector<16xi32> to vector<16xf32>
    tpu.vector_store_idx %arg5[%iota3A, %gather3A_595], %bitcast3A_600 {add = true} : memref<16x2048xf32, #tpu.memory_space<vmem>>[vector<16xi32>, vector<16xi32>], vector<16xf32>,
    %add3A_601 = arith.constant 32 : i32
    %add3A_602 = vector.broadcast %add3A_601 : i32 to vector<16xi32>
    %add3A_603 = arith.addi %add3A_602, %iota3A : vector<16xi32>
    %broadcast_in_dim3A_604 = arith.constant 4 : i32
    %broadcast_in_dim3A_605 = vector.broadcast %broadcast_in_dim3A_604 : i32 to vector<16xi32>
    %gather3A_606 = tpu.vector_load_idx %arg4[%add3A_603, %broadcast_in_dim3A_605] : memref<64x32xi32, #tpu.memory_space<vmem>>[vector<16xi32>, vector<16xi32>], vector<16xi32>,
    %add3A_607 = arith.constant 16 : i32
    %add3A_608 = vector.broadcast %add3A_607 : i32 to vector<16xi32>
    %add3A_609 = arith.addi %broadcast_in_dim3A_605, %add3A_608 : vector<16xi32>
    %gather3A_610 = tpu.vector_load_idx %arg4[%add3A_603, %add3A_609] : memref<64x32xi32, #tpu.memory_space<vmem>>[vector<16xi32>, vector<16xi32>], vector<16xi32>,
    %bitcast3A_611 = vector.bitcast %gather3A_610 : vector<16xi32> to vector<16xf32>
    tpu.vector_store_idx %arg5[%iota3A, %gather3A_606], %bitcast3A_611 {add = true} : memref<16x2048xf32, #tpu.memory_space<vmem>>[vector<16xi32>, vector<16xi32>], vector<16xf32>,
    %add3A_612 = arith.constant 32 : i32
    %add3A_613 = vector.broadcast %add3A_612 : i32 to vector<16xi32>
    %add3A_614 = arith.addi %add3A_613, %iota3A : vector<16xi32>
    %broadcast_in_dim3A_615 = arith.constant 5 : i32
    %broadcast_in_dim3A_616 = vector.broadcast %broadcast_in_dim3A_615 : i32 to vector<16xi32>
    %gather3A_617 = tpu.vector_load_idx %arg4[%add3A_614, %broadcast_in_dim3A_616] : memref<64x32xi32, #tpu.memory_space<vmem>>[vector<16xi32>, vector<16xi32>], vector<16xi32>,
    %add3A_618 = arith.constant 16 : i32
    %add3A_619 = vector.broadcast %add3A_618 : i32 to vector<16xi32>
    %add3A_620 = arith.addi %broadcast_in_dim3A_616, %add3A_619 : vector<16xi32>
    %gather3A_621 = tpu.vector_load_idx %arg4[%add3A_614, %add3A_620] : memref<64x32xi32, #tpu.memory_space<vmem>>[vector<16xi32>, vector<16xi32>], vector<16xi32>,
    %bitcast3A_622 = vector.bitcast %gather3A_621 : vector<16xi32> to vector<16xf32>
    tpu.vector_store_idx %arg5[%iota3A, %gather3A_617], %bitcast3A_622 {add = true} : memref<16x2048xf32, #tpu.memory_space<vmem>>[vector<16xi32>, vector<16xi32>], vector<16xf32>,
    %add3A_623 = arith.constant 32 : i32
    %add3A_624 = vector.broadcast %add3A_623 : i32 to vector<16xi32>
    %add3A_625 = arith.addi %add3A_624, %iota3A : vector<16xi32>
    %broadcast_in_dim3A_626 = arith.constant 6 : i32
    %broadcast_in_dim3A_627 = vector.broadcast %broadcast_in_dim3A_626 : i32 to vector<16xi32>
    %gather3A_628 = tpu.vector_load_idx %arg4[%add3A_625, %broadcast_in_dim3A_627] : memref<64x32xi32, #tpu.memory_space<vmem>>[vector<16xi32>, vector<16xi32>], vector<16xi32>,
    %add3A_629 = arith.constant 16 : i32
    %add3A_630 = vector.broadcast %add3A_629 : i32 to vector<16xi32>
    %add3A_631 = arith.addi %broadcast_in_dim3A_627, %add3A_630 : vector<16xi32>
    %gather3A_632 = tpu.vector_load_idx %arg4[%add3A_625, %add3A_631] : memref<64x32xi32, #tpu.memory_space<vmem>>[vector<16xi32>, vector<16xi32>], vector<16xi32>,
    %bitcast3A_633 = vector.bitcast %gather3A_632 : vector<16xi32> to vector<16xf32>
    tpu.vector_store_idx %arg5[%iota3A, %gather3A_628], %bitcast3A_633 {add = true} : memref<16x2048xf32, #tpu.memory_space<vmem>>[vector<16xi32>, vector<16xi32>], vector<16xf32>,
    %add3A_634 = arith.constant 32 : i32
    %add3A_635 = vector.broadcast %add3A_634 : i32 to vector<16xi32>
    %add3A_636 = arith.addi %add3A_635, %iota3A : vector<16xi32>
    %broadcast_in_dim3A_637 = arith.constant 7 : i32
    %broadcast_in_dim3A_638 = vector.broadcast %broadcast_in_dim3A_637 : i32 to vector<16xi32>
    %gather3A_639 = tpu.vector_load_idx %arg4[%add3A_636, %broadcast_in_dim3A_638] : memref<64x32xi32, #tpu.memory_space<vmem>>[vector<16xi32>, vector<16xi32>], vector<16xi32>,
    %add3A_640 = arith.constant 16 : i32
    %add3A_641 = vector.broadcast %add3A_640 : i32 to vector<16xi32>
    %add3A_642 = arith.addi %broadcast_in_dim3A_638, %add3A_641 : vector<16xi32>
    %gather3A_643 = tpu.vector_load_idx %arg4[%add3A_636, %add3A_642] : memref<64x32xi32, #tpu.memory_space<vmem>>[vector<16xi32>, vector<16xi32>], vector<16xi32>,
    %bitcast3A_644 = vector.bitcast %gather3A_643 : vector<16xi32> to vector<16xf32>
    tpu.vector_store_idx %arg5[%iota3A, %gather3A_639], %bitcast3A_644 {add = true} : memref<16x2048xf32, #tpu.memory_space<vmem>>[vector<16xi32>, vector<16xi32>], vector<16xf32>,
    %add3A_645 = arith.constant 32 : i32
    %add3A_646 = vector.broadcast %add3A_645 : i32 to vector<16xi32>
    %add3A_647 = arith.addi %add3A_646, %iota3A : vector<16xi32>
    %broadcast_in_dim3A_648 = arith.constant 8 : i32
    %broadcast_in_dim3A_649 = vector.broadcast %broadcast_in_dim3A_648 : i32 to vector<16xi32>
    %gather3A_650 = tpu.vector_load_idx %arg4[%add3A_647, %broadcast_in_dim3A_649] : memref<64x32xi32, #tpu.memory_space<vmem>>[vector<16xi32>, vector<16xi32>], vector<16xi32>,
    %add3A_651 = arith.constant 16 : i32
    %add3A_652 = vector.broadcast %add3A_651 : i32 to vector<16xi32>
    %add3A_653 = arith.addi %broadcast_in_dim3A_649, %add3A_652 : vector<16xi32>
    %gather3A_654 = tpu.vector_load_idx %arg4[%add3A_647, %add3A_653] : memref<64x32xi32, #tpu.memory_space<vmem>>[vector<16xi32>, vector<16xi32>], vector<16xi32>,
    %bitcast3A_655 = vector.bitcast %gather3A_654 : vector<16xi32> to vector<16xf32>
    tpu.vector_store_idx %arg5[%iota3A, %gather3A_650], %bitcast3A_655 {add = true} : memref<16x2048xf32, #tpu.memory_space<vmem>>[vector<16xi32>, vector<16xi32>], vector<16xf32>,
    %add3A_656 = arith.constant 32 : i32
    %add3A_657 = vector.broadcast %add3A_656 : i32 to vector<16xi32>
    %add3A_658 = arith.addi %add3A_657, %iota3A : vector<16xi32>
    %broadcast_in_dim3A_659 = arith.constant 9 : i32
    %broadcast_in_dim3A_660 = vector.broadcast %broadcast_in_dim3A_659 : i32 to vector<16xi32>
    %gather3A_661 = tpu.vector_load_idx %arg4[%add3A_658, %broadcast_in_dim3A_660] : memref<64x32xi32, #tpu.memory_space<vmem>>[vector<16xi32>, vector<16xi32>], vector<16xi32>,
    %add3A_662 = arith.constant 16 : i32
    %add3A_663 = vector.broadcast %add3A_662 : i32 to vector<16xi32>
    %add3A_664 = arith.addi %broadcast_in_dim3A_660, %add3A_663 : vector<16xi32>
    %gather3A_665 = tpu.vector_load_idx %arg4[%add3A_658, %add3A_664] : memref<64x32xi32, #tpu.memory_space<vmem>>[vector<16xi32>, vector<16xi32>], vector<16xi32>,
    %bitcast3A_666 = vector.bitcast %gather3A_665 : vector<16xi32> to vector<16xf32>
    tpu.vector_store_idx %arg5[%iota3A, %gather3A_661], %bitcast3A_666 {add = true} : memref<16x2048xf32, #tpu.memory_space<vmem>>[vector<16xi32>, vector<16xi32>], vector<16xf32>,
    %add3A_667 = arith.constant 32 : i32
    %add3A_668 = vector.broadcast %add3A_667 : i32 to vector<16xi32>
    %add3A_669 = arith.addi %add3A_668, %iota3A : vector<16xi32>
    %broadcast_in_dim3A_670 = arith.constant 10 : i32
    %broadcast_in_dim3A_671 = vector.broadcast %broadcast_in_dim3A_670 : i32 to vector<16xi32>
    %gather3A_672 = tpu.vector_load_idx %arg4[%add3A_669, %broadcast_in_dim3A_671] : memref<64x32xi32, #tpu.memory_space<vmem>>[vector<16xi32>, vector<16xi32>], vector<16xi32>,
    %add3A_673 = arith.constant 16 : i32
    %add3A_674 = vector.broadcast %add3A_673 : i32 to vector<16xi32>
    %add3A_675 = arith.addi %broadcast_in_dim3A_671, %add3A_674 : vector<16xi32>
    %gather3A_676 = tpu.vector_load_idx %arg4[%add3A_669, %add3A_675] : memref<64x32xi32, #tpu.memory_space<vmem>>[vector<16xi32>, vector<16xi32>], vector<16xi32>,
    %bitcast3A_677 = vector.bitcast %gather3A_676 : vector<16xi32> to vector<16xf32>
    tpu.vector_store_idx %arg5[%iota3A, %gather3A_672], %bitcast3A_677 {add = true} : memref<16x2048xf32, #tpu.memory_space<vmem>>[vector<16xi32>, vector<16xi32>], vector<16xf32>,
    %add3A_678 = arith.constant 32 : i32
    %add3A_679 = vector.broadcast %add3A_678 : i32 to vector<16xi32>
    %add3A_680 = arith.addi %add3A_679, %iota3A : vector<16xi32>
    %broadcast_in_dim3A_681 = arith.constant 11 : i32
    %broadcast_in_dim3A_682 = vector.broadcast %broadcast_in_dim3A_681 : i32 to vector<16xi32>
    %gather3A_683 = tpu.vector_load_idx %arg4[%add3A_680, %broadcast_in_dim3A_682] : memref<64x32xi32, #tpu.memory_space<vmem>>[vector<16xi32>, vector<16xi32>], vector<16xi32>,
    %add3A_684 = arith.constant 16 : i32
    %add3A_685 = vector.broadcast %add3A_684 : i32 to vector<16xi32>
    %add3A_686 = arith.addi %broadcast_in_dim3A_682, %add3A_685 : vector<16xi32>
    %gather3A_687 = tpu.vector_load_idx %arg4[%add3A_680, %add3A_686] : memref<64x32xi32, #tpu.memory_space<vmem>>[vector<16xi32>, vector<16xi32>], vector<16xi32>,
    %bitcast3A_688 = vector.bitcast %gather3A_687 : vector<16xi32> to vector<16xf32>
    tpu.vector_store_idx %arg5[%iota3A, %gather3A_683], %bitcast3A_688 {add = true} : memref<16x2048xf32, #tpu.memory_space<vmem>>[vector<16xi32>, vector<16xi32>], vector<16xf32>,
    %add3A_689 = arith.constant 32 : i32
    %add3A_690 = vector.broadcast %add3A_689 : i32 to vector<16xi32>
    %add3A_691 = arith.addi %add3A_690, %iota3A : vector<16xi32>
    %broadcast_in_dim3A_692 = arith.constant 12 : i32
    %broadcast_in_dim3A_693 = vector.broadcast %broadcast_in_dim3A_692 : i32 to vector<16xi32>
    %gather3A_694 = tpu.vector_load_idx %arg4[%add3A_691, %broadcast_in_dim3A_693] : memref<64x32xi32, #tpu.memory_space<vmem>>[vector<16xi32>, vector<16xi32>], vector<16xi32>,
    %add3A_695 = arith.constant 16 : i32
    %add3A_696 = vector.broadcast %add3A_695 : i32 to vector<16xi32>
    %add3A_697 = arith.addi %broadcast_in_dim3A_693, %add3A_696 : vector<16xi32>
    %gather3A_698 = tpu.vector_load_idx %arg4[%add3A_691, %add3A_697] : memref<64x32xi32, #tpu.memory_space<vmem>>[vector<16xi32>, vector<16xi32>], vector<16xi32>,
    %bitcast3A_699 = vector.bitcast %gather3A_698 : vector<16xi32> to vector<16xf32>
    tpu.vector_store_idx %arg5[%iota3A, %gather3A_694], %bitcast3A_699 {add = true} : memref<16x2048xf32, #tpu.memory_space<vmem>>[vector<16xi32>, vector<16xi32>], vector<16xf32>,
    %add3A_700 = arith.constant 32 : i32
    %add3A_701 = vector.broadcast %add3A_700 : i32 to vector<16xi32>
    %add3A_702 = arith.addi %add3A_701, %iota3A : vector<16xi32>
    %broadcast_in_dim3A_703 = arith.constant 13 : i32
    %broadcast_in_dim3A_704 = vector.broadcast %broadcast_in_dim3A_703 : i32 to vector<16xi32>
    %gather3A_705 = tpu.vector_load_idx %arg4[%add3A_702, %broadcast_in_dim3A_704] : memref<64x32xi32, #tpu.memory_space<vmem>>[vector<16xi32>, vector<16xi32>], vector<16xi32>,
    %add3A_706 = arith.constant 16 : i32
    %add3A_707 = vector.broadcast %add3A_706 : i32 to vector<16xi32>
    %add3A_708 = arith.addi %broadcast_in_dim3A_704, %add3A_707 : vector<16xi32>
    %gather3A_709 = tpu.vector_load_idx %arg4[%add3A_702, %add3A_708] : memref<64x32xi32, #tpu.memory_space<vmem>>[vector<16xi32>, vector<16xi32>], vector<16xi32>,
    %bitcast3A_710 = vector.bitcast %gather3A_709 : vector<16xi32> to vector<16xf32>
    tpu.vector_store_idx %arg5[%iota3A, %gather3A_705], %bitcast3A_710 {add = true} : memref<16x2048xf32, #tpu.memory_space<vmem>>[vector<16xi32>, vector<16xi32>], vector<16xf32>,
    %add3A_711 = arith.constant 32 : i32
    %add3A_712 = vector.broadcast %add3A_711 : i32 to vector<16xi32>
    %add3A_713 = arith.addi %add3A_712, %iota3A : vector<16xi32>
    %broadcast_in_dim3A_714 = arith.constant 14 : i32
    %broadcast_in_dim3A_715 = vector.broadcast %broadcast_in_dim3A_714 : i32 to vector<16xi32>
    %gather3A_716 = tpu.vector_load_idx %arg4[%add3A_713, %broadcast_in_dim3A_715] : memref<64x32xi32, #tpu.memory_space<vmem>>[vector<16xi32>, vector<16xi32>], vector<16xi32>,
    %add3A_717 = arith.constant 16 : i32
    %add3A_718 = vector.broadcast %add3A_717 : i32 to vector<16xi32>
    %add3A_719 = arith.addi %broadcast_in_dim3A_715, %add3A_718 : vector<16xi32>
    %gather3A_720 = tpu.vector_load_idx %arg4[%add3A_713, %add3A_719] : memref<64x32xi32, #tpu.memory_space<vmem>>[vector<16xi32>, vector<16xi32>], vector<16xi32>,
    %bitcast3A_721 = vector.bitcast %gather3A_720 : vector<16xi32> to vector<16xf32>
    tpu.vector_store_idx %arg5[%iota3A, %gather3A_716], %bitcast3A_721 {add = true} : memref<16x2048xf32, #tpu.memory_space<vmem>>[vector<16xi32>, vector<16xi32>], vector<16xf32>,
    %add3A_722 = arith.constant 32 : i32
    %add3A_723 = vector.broadcast %add3A_722 : i32 to vector<16xi32>
    %add3A_724 = arith.addi %add3A_723, %iota3A : vector<16xi32>
    %broadcast_in_dim3A_725 = arith.constant 15 : i32
    %broadcast_in_dim3A_726 = vector.broadcast %broadcast_in_dim3A_725 : i32 to vector<16xi32>
    %gather3A_727 = tpu.vector_load_idx %arg4[%add3A_724, %broadcast_in_dim3A_726] : memref<64x32xi32, #tpu.memory_space<vmem>>[vector<16xi32>, vector<16xi32>], vector<16xi32>,
    %add3A_728 = arith.constant 16 : i32
    %add3A_729 = vector.broadcast %add3A_728 : i32 to vector<16xi32>
    %add3A_730 = arith.addi %broadcast_in_dim3A_726, %add3A_729 : vector<16xi32>
    %gather3A_731 = tpu.vector_load_idx %arg4[%add3A_724, %add3A_730] : memref<64x32xi32, #tpu.memory_space<vmem>>[vector<16xi32>, vector<16xi32>], vector<16xi32>,
    %bitcast3A_732 = vector.bitcast %gather3A_731 : vector<16xi32> to vector<16xf32>
    tpu.vector_store_idx %arg5[%iota3A, %gather3A_727], %bitcast3A_732 {add = true} : memref<16x2048xf32, #tpu.memory_space<vmem>>[vector<16xi32>, vector<16xi32>], vector<16xf32>,
    %add3A_733 = arith.constant 32 : i32
    %add3A_734 = arith.addi %mul3A_2, %add3A_733 : i32
    %dma_start3A_735 = arith.constant 0 : i32
    %dma_start3A_736 = tpu.memref_slice %arg3[%add3A_734, %dma_start3A_735] : memref<2048x2048xf32, #tpu.memory_space<hbm>> -> memref<16x2048xf32, #tpu.memory_space<hbm>>
    %dma_start3A_737 = arith.constant 0 : i32
    %dma_start3A_738 = tpu.memref_slice %arg3[%add3A_734, %dma_start3A_737] : memref<2048x2048xf32, #tpu.memory_space<hbm>> -> memref<16x2048xf32, #tpu.memory_space<hbm>>
    tpu.enqueue_dma source(%arg5 : memref<16x2048xf32, #tpu.memory_space<vmem>>) target(%dma_start3A_738 : memref<16x2048xf32, #tpu.memory_space<hbm>>) target_semaphore(%arg7 : memref<!tpu.dma_semaphore, #tpu.memory_space<semaphore_mem>>)
    %dma_wait3A_739 = arith.constant 0 : i32
    %dma_wait3A_740 = tpu.memref_slice %arg3[%add3A_373, %dma_wait3A_739] : memref<2048x2048xf32, #tpu.memory_space<hbm>> -> memref<16x2048xf32, #tpu.memory_space<hbm>>
    %dma_wait3A_741 = arith.constant 0 : i32
    %dma_wait3A_742 = tpu.memref_slice %arg3[%add3A_373, %dma_wait3A_741] : memref<2048x2048xf32, #tpu.memory_space<hbm>> -> memref<16x2048xf32, #tpu.memory_space<hbm>>
    tpu.wait_dma2 semaphore(%arg8 : memref<!tpu.dma_semaphore, #tpu.memory_space<semaphore_mem>>) src(%arg6 : memref<16x2048xf32, #tpu.memory_space<vmem>>) dst(%dma_wait3A_742 : memref<16x2048xf32, #tpu.memory_space<hbm>>)
    %add3A_743 = arith.constant 16 : i32
    %add3A_744 = vector.broadcast %add3A_743 : i32 to vector<16xi32>
    %add3A_745 = arith.addi %add3A_744, %iota3A : vector<16xi32>
    %broadcast_in_dim3A_746 = arith.constant 0 : i32
    %broadcast_in_dim3A_747 = vector.broadcast %broadcast_in_dim3A_746 : i32 to vector<16xi32>
    %gather3A_748 = tpu.vector_load_idx %arg4[%add3A_745, %broadcast_in_dim3A_747] : memref<64x32xi32, #tpu.memory_space<vmem>>[vector<16xi32>, vector<16xi32>], vector<16xi32>,
    %add3A_749 = arith.constant 16 : i32
    %add3A_750 = vector.broadcast %add3A_749 : i32 to vector<16xi32>
    %add3A_751 = arith.addi %broadcast_in_dim3A_747, %add3A_750 : vector<16xi32>
    %gather3A_752 = tpu.vector_load_idx %arg4[%add3A_745, %add3A_751] : memref<64x32xi32, #tpu.memory_space<vmem>>[vector<16xi32>, vector<16xi32>], vector<16xi32>,
    %bitcast3A_753 = vector.bitcast %gather3A_752 : vector<16xi32> to vector<16xf32>
    tpu.vector_store_idx %arg6[%iota3A, %gather3A_748], %broadcast_in_dim3A_3 : memref<16x2048xf32, #tpu.memory_space<vmem>>[vector<16xi32>, vector<16xi32>], vector<16xf32>,
    %add3A_754 = arith.constant 16 : i32
    %add3A_755 = vector.broadcast %add3A_754 : i32 to vector<16xi32>
    %add3A_756 = arith.addi %add3A_755, %iota3A : vector<16xi32>
    %broadcast_in_dim3A_757 = arith.constant 1 : i32
    %broadcast_in_dim3A_758 = vector.broadcast %broadcast_in_dim3A_757 : i32 to vector<16xi32>
    %gather3A_759 = tpu.vector_load_idx %arg4[%add3A_756, %broadcast_in_dim3A_758] : memref<64x32xi32, #tpu.memory_space<vmem>>[vector<16xi32>, vector<16xi32>], vector<16xi32>,
    %add3A_760 = arith.constant 16 : i32
    %add3A_761 = vector.broadcast %add3A_760 : i32 to vector<16xi32>
    %add3A_762 = arith.addi %broadcast_in_dim3A_758, %add3A_761 : vector<16xi32>
    %gather3A_763 = tpu.vector_load_idx %arg4[%add3A_756, %add3A_762] : memref<64x32xi32, #tpu.memory_space<vmem>>[vector<16xi32>, vector<16xi32>], vector<16xi32>,
    %bitcast3A_764 = vector.bitcast %gather3A_763 : vector<16xi32> to vector<16xf32>
    tpu.vector_store_idx %arg6[%iota3A, %gather3A_759], %broadcast_in_dim3A_3 : memref<16x2048xf32, #tpu.memory_space<vmem>>[vector<16xi32>, vector<16xi32>], vector<16xf32>,
    %add3A_765 = arith.constant 16 : i32
    %add3A_766 = vector.broadcast %add3A_765 : i32 to vector<16xi32>
    %add3A_767 = arith.addi %add3A_766, %iota3A : vector<16xi32>
    %broadcast_in_dim3A_768 = arith.constant 2 : i32
    %broadcast_in_dim3A_769 = vector.broadcast %broadcast_in_dim3A_768 : i32 to vector<16xi32>
    %gather3A_770 = tpu.vector_load_idx %arg4[%add3A_767, %broadcast_in_dim3A_769] : memref<64x32xi32, #tpu.memory_space<vmem>>[vector<16xi32>, vector<16xi32>], vector<16xi32>,
    %add3A_771 = arith.constant 16 : i32
    %add3A_772 = vector.broadcast %add3A_771 : i32 to vector<16xi32>
    %add3A_773 = arith.addi %broadcast_in_dim3A_769, %add3A_772 : vector<16xi32>
    %gather3A_774 = tpu.vector_load_idx %arg4[%add3A_767, %add3A_773] : memref<64x32xi32, #tpu.memory_space<vmem>>[vector<16xi32>, vector<16xi32>], vector<16xi32>,
    %bitcast3A_775 = vector.bitcast %gather3A_774 : vector<16xi32> to vector<16xf32>
    tpu.vector_store_idx %arg6[%iota3A, %gather3A_770], %broadcast_in_dim3A_3 : memref<16x2048xf32, #tpu.memory_space<vmem>>[vector<16xi32>, vector<16xi32>], vector<16xf32>,
    %add3A_776 = arith.constant 16 : i32
    %add3A_777 = vector.broadcast %add3A_776 : i32 to vector<16xi32>
    %add3A_778 = arith.addi %add3A_777, %iota3A : vector<16xi32>
    %broadcast_in_dim3A_779 = arith.constant 3 : i32
    %broadcast_in_dim3A_780 = vector.broadcast %broadcast_in_dim3A_779 : i32 to vector<16xi32>
    %gather3A_781 = tpu.vector_load_idx %arg4[%add3A_778, %broadcast_in_dim3A_780] : memref<64x32xi32, #tpu.memory_space<vmem>>[vector<16xi32>, vector<16xi32>], vector<16xi32>,
    %add3A_782 = arith.constant 16 : i32
    %add3A_783 = vector.broadcast %add3A_782 : i32 to vector<16xi32>
    %add3A_784 = arith.addi %broadcast_in_dim3A_780, %add3A_783 : vector<16xi32>
    %gather3A_785 = tpu.vector_load_idx %arg4[%add3A_778, %add3A_784] : memref<64x32xi32, #tpu.memory_space<vmem>>[vector<16xi32>, vector<16xi32>], vector<16xi32>,
    %bitcast3A_786 = vector.bitcast %gather3A_785 : vector<16xi32> to vector<16xf32>
    tpu.vector_store_idx %arg6[%iota3A, %gather3A_781], %broadcast_in_dim3A_3 : memref<16x2048xf32, #tpu.memory_space<vmem>>[vector<16xi32>, vector<16xi32>], vector<16xf32>,
    %add3A_787 = arith.constant 16 : i32
    %add3A_788 = vector.broadcast %add3A_787 : i32 to vector<16xi32>
    %add3A_789 = arith.addi %add3A_788, %iota3A : vector<16xi32>
    %broadcast_in_dim3A_790 = arith.constant 4 : i32
    %broadcast_in_dim3A_791 = vector.broadcast %broadcast_in_dim3A_790 : i32 to vector<16xi32>
    %gather3A_792 = tpu.vector_load_idx %arg4[%add3A_789, %broadcast_in_dim3A_791] : memref<64x32xi32, #tpu.memory_space<vmem>>[vector<16xi32>, vector<16xi32>], vector<16xi32>,
    %add3A_793 = arith.constant 16 : i32
    %add3A_794 = vector.broadcast %add3A_793 : i32 to vector<16xi32>
    %add3A_795 = arith.addi %broadcast_in_dim3A_791, %add3A_794 : vector<16xi32>
    %gather3A_796 = tpu.vector_load_idx %arg4[%add3A_789, %add3A_795] : memref<64x32xi32, #tpu.memory_space<vmem>>[vector<16xi32>, vector<16xi32>], vector<16xi32>,
    %bitcast3A_797 = vector.bitcast %gather3A_796 : vector<16xi32> to vector<16xf32>
    tpu.vector_store_idx %arg6[%iota3A, %gather3A_792], %broadcast_in_dim3A_3 : memref<16x2048xf32, #tpu.memory_space<vmem>>[vector<16xi32>, vector<16xi32>], vector<16xf32>,
    %add3A_798 = arith.constant 16 : i32
    %add3A_799 = vector.broadcast %add3A_798 : i32 to vector<16xi32>
    %add3A_800 = arith.addi %add3A_799, %iota3A : vector<16xi32>
    %broadcast_in_dim3A_801 = arith.constant 5 : i32
    %broadcast_in_dim3A_802 = vector.broadcast %broadcast_in_dim3A_801 : i32 to vector<16xi32>
    %gather3A_803 = tpu.vector_load_idx %arg4[%add3A_800, %broadcast_in_dim3A_802] : memref<64x32xi32, #tpu.memory_space<vmem>>[vector<16xi32>, vector<16xi32>], vector<16xi32>,
    %add3A_804 = arith.constant 16 : i32
    %add3A_805 = vector.broadcast %add3A_804 : i32 to vector<16xi32>
    %add3A_806 = arith.addi %broadcast_in_dim3A_802, %add3A_805 : vector<16xi32>
    %gather3A_807 = tpu.vector_load_idx %arg4[%add3A_800, %add3A_806] : memref<64x32xi32, #tpu.memory_space<vmem>>[vector<16xi32>, vector<16xi32>], vector<16xi32>,
    %bitcast3A_808 = vector.bitcast %gather3A_807 : vector<16xi32> to vector<16xf32>
    tpu.vector_store_idx %arg6[%iota3A, %gather3A_803], %broadcast_in_dim3A_3 : memref<16x2048xf32, #tpu.memory_space<vmem>>[vector<16xi32>, vector<16xi32>], vector<16xf32>,
    %add3A_809 = arith.constant 16 : i32
    %add3A_810 = vector.broadcast %add3A_809 : i32 to vector<16xi32>
    %add3A_811 = arith.addi %add3A_810, %iota3A : vector<16xi32>
    %broadcast_in_dim3A_812 = arith.constant 6 : i32
    %broadcast_in_dim3A_813 = vector.broadcast %broadcast_in_dim3A_812 : i32 to vector<16xi32>
    %gather3A_814 = tpu.vector_load_idx %arg4[%add3A_811, %broadcast_in_dim3A_813] : memref<64x32xi32, #tpu.memory_space<vmem>>[vector<16xi32>, vector<16xi32>], vector<16xi32>,
    %add3A_815 = arith.constant 16 : i32
    %add3A_816 = vector.broadcast %add3A_815 : i32 to vector<16xi32>
    %add3A_817 = arith.addi %broadcast_in_dim3A_813, %add3A_816 : vector<16xi32>
    %gather3A_818 = tpu.vector_load_idx %arg4[%add3A_811, %add3A_817] : memref<64x32xi32, #tpu.memory_space<vmem>>[vector<16xi32>, vector<16xi32>], vector<16xi32>,
    %bitcast3A_819 = vector.bitcast %gather3A_818 : vector<16xi32> to vector<16xf32>
    tpu.vector_store_idx %arg6[%iota3A, %gather3A_814], %broadcast_in_dim3A_3 : memref<16x2048xf32, #tpu.memory_space<vmem>>[vector<16xi32>, vector<16xi32>], vector<16xf32>,
    %add3A_820 = arith.constant 16 : i32
    %add3A_821 = vector.broadcast %add3A_820 : i32 to vector<16xi32>
    %add3A_822 = arith.addi %add3A_821, %iota3A : vector<16xi32>
    %broadcast_in_dim3A_823 = arith.constant 7 : i32
    %broadcast_in_dim3A_824 = vector.broadcast %broadcast_in_dim3A_823 : i32 to vector<16xi32>
    %gather3A_825 = tpu.vector_load_idx %arg4[%add3A_822, %broadcast_in_dim3A_824] : memref<64x32xi32, #tpu.memory_space<vmem>>[vector<16xi32>, vector<16xi32>], vector<16xi32>,
    %add3A_826 = arith.constant 16 : i32
    %add3A_827 = vector.broadcast %add3A_826 : i32 to vector<16xi32>
    %add3A_828 = arith.addi %broadcast_in_dim3A_824, %add3A_827 : vector<16xi32>
    %gather3A_829 = tpu.vector_load_idx %arg4[%add3A_822, %add3A_828] : memref<64x32xi32, #tpu.memory_space<vmem>>[vector<16xi32>, vector<16xi32>], vector<16xi32>,
    %bitcast3A_830 = vector.bitcast %gather3A_829 : vector<16xi32> to vector<16xf32>
    tpu.vector_store_idx %arg6[%iota3A, %gather3A_825], %broadcast_in_dim3A_3 : memref<16x2048xf32, #tpu.memory_space<vmem>>[vector<16xi32>, vector<16xi32>], vector<16xf32>,
    %add3A_831 = arith.constant 16 : i32
    %add3A_832 = vector.broadcast %add3A_831 : i32 to vector<16xi32>
    %add3A_833 = arith.addi %add3A_832, %iota3A : vector<16xi32>
    %broadcast_in_dim3A_834 = arith.constant 8 : i32
    %broadcast_in_dim3A_835 = vector.broadcast %broadcast_in_dim3A_834 : i32 to vector<16xi32>
    %gather3A_836 = tpu.vector_load_idx %arg4[%add3A_833, %broadcast_in_dim3A_835] : memref<64x32xi32, #tpu.memory_space<vmem>>[vector<16xi32>, vector<16xi32>], vector<16xi32>,
    %add3A_837 = arith.constant 16 : i32
    %add3A_838 = vector.broadcast %add3A_837 : i32 to vector<16xi32>
    %add3A_839 = arith.addi %broadcast_in_dim3A_835, %add3A_838 : vector<16xi32>
    %gather3A_840 = tpu.vector_load_idx %arg4[%add3A_833, %add3A_839] : memref<64x32xi32, #tpu.memory_space<vmem>>[vector<16xi32>, vector<16xi32>], vector<16xi32>,
    %bitcast3A_841 = vector.bitcast %gather3A_840 : vector<16xi32> to vector<16xf32>
    tpu.vector_store_idx %arg6[%iota3A, %gather3A_836], %broadcast_in_dim3A_3 : memref<16x2048xf32, #tpu.memory_space<vmem>>[vector<16xi32>, vector<16xi32>], vector<16xf32>,
    %add3A_842 = arith.constant 16 : i32
    %add3A_843 = vector.broadcast %add3A_842 : i32 to vector<16xi32>
    %add3A_844 = arith.addi %add3A_843, %iota3A : vector<16xi32>
    %broadcast_in_dim3A_845 = arith.constant 9 : i32
    %broadcast_in_dim3A_846 = vector.broadcast %broadcast_in_dim3A_845 : i32 to vector<16xi32>
    %gather3A_847 = tpu.vector_load_idx %arg4[%add3A_844, %broadcast_in_dim3A_846] : memref<64x32xi32, #tpu.memory_space<vmem>>[vector<16xi32>, vector<16xi32>], vector<16xi32>,
    %add3A_848 = arith.constant 16 : i32
    %add3A_849 = vector.broadcast %add3A_848 : i32 to vector<16xi32>
    %add3A_850 = arith.addi %broadcast_in_dim3A_846, %add3A_849 : vector<16xi32>
    %gather3A_851 = tpu.vector_load_idx %arg4[%add3A_844, %add3A_850] : memref<64x32xi32, #tpu.memory_space<vmem>>[vector<16xi32>, vector<16xi32>], vector<16xi32>,
    %bitcast3A_852 = vector.bitcast %gather3A_851 : vector<16xi32> to vector<16xf32>
    tpu.vector_store_idx %arg6[%iota3A, %gather3A_847], %broadcast_in_dim3A_3 : memref<16x2048xf32, #tpu.memory_space<vmem>>[vector<16xi32>, vector<16xi32>], vector<16xf32>,
    %add3A_853 = arith.constant 16 : i32
    %add3A_854 = vector.broadcast %add3A_853 : i32 to vector<16xi32>
    %add3A_855 = arith.addi %add3A_854, %iota3A : vector<16xi32>
    %broadcast_in_dim3A_856 = arith.constant 10 : i32
    %broadcast_in_dim3A_857 = vector.broadcast %broadcast_in_dim3A_856 : i32 to vector<16xi32>
    %gather3A_858 = tpu.vector_load_idx %arg4[%add3A_855, %broadcast_in_dim3A_857] : memref<64x32xi32, #tpu.memory_space<vmem>>[vector<16xi32>, vector<16xi32>], vector<16xi32>,
    %add3A_859 = arith.constant 16 : i32
    %add3A_860 = vector.broadcast %add3A_859 : i32 to vector<16xi32>
    %add3A_861 = arith.addi %broadcast_in_dim3A_857, %add3A_860 : vector<16xi32>
    %gather3A_862 = tpu.vector_load_idx %arg4[%add3A_855, %add3A_861] : memref<64x32xi32, #tpu.memory_space<vmem>>[vector<16xi32>, vector<16xi32>], vector<16xi32>,
    %bitcast3A_863 = vector.bitcast %gather3A_862 : vector<16xi32> to vector<16xf32>
    tpu.vector_store_idx %arg6[%iota3A, %gather3A_858], %broadcast_in_dim3A_3 : memref<16x2048xf32, #tpu.memory_space<vmem>>[vector<16xi32>, vector<16xi32>], vector<16xf32>,
    %add3A_864 = arith.constant 16 : i32
    %add3A_865 = vector.broadcast %add3A_864 : i32 to vector<16xi32>
    %add3A_866 = arith.addi %add3A_865, %iota3A : vector<16xi32>
    %broadcast_in_dim3A_867 = arith.constant 11 : i32
    %broadcast_in_dim3A_868 = vector.broadcast %broadcast_in_dim3A_867 : i32 to vector<16xi32>
    %gather3A_869 = tpu.vector_load_idx %arg4[%add3A_866, %broadcast_in_dim3A_868] : memref<64x32xi32, #tpu.memory_space<vmem>>[vector<16xi32>, vector<16xi32>], vector<16xi32>,
    %add3A_870 = arith.constant 16 : i32
    %add3A_871 = vector.broadcast %add3A_870 : i32 to vector<16xi32>
    %add3A_872 = arith.addi %broadcast_in_dim3A_868, %add3A_871 : vector<16xi32>
    %gather3A_873 = tpu.vector_load_idx %arg4[%add3A_866, %add3A_872] : memref<64x32xi32, #tpu.memory_space<vmem>>[vector<16xi32>, vector<16xi32>], vector<16xi32>,
    %bitcast3A_874 = vector.bitcast %gather3A_873 : vector<16xi32> to vector<16xf32>
    tpu.vector_store_idx %arg6[%iota3A, %gather3A_869], %broadcast_in_dim3A_3 : memref<16x2048xf32, #tpu.memory_space<vmem>>[vector<16xi32>, vector<16xi32>], vector<16xf32>,
    %add3A_875 = arith.constant 16 : i32
    %add3A_876 = vector.broadcast %add3A_875 : i32 to vector<16xi32>
    %add3A_877 = arith.addi %add3A_876, %iota3A : vector<16xi32>
    %broadcast_in_dim3A_878 = arith.constant 12 : i32
    %broadcast_in_dim3A_879 = vector.broadcast %broadcast_in_dim3A_878 : i32 to vector<16xi32>
    %gather3A_880 = tpu.vector_load_idx %arg4[%add3A_877, %broadcast_in_dim3A_879] : memref<64x32xi32, #tpu.memory_space<vmem>>[vector<16xi32>, vector<16xi32>], vector<16xi32>,
    %add3A_881 = arith.constant 16 : i32
    %add3A_882 = vector.broadcast %add3A_881 : i32 to vector<16xi32>
    %add3A_883 = arith.addi %broadcast_in_dim3A_879, %add3A_882 : vector<16xi32>
    %gather3A_884 = tpu.vector_load_idx %arg4[%add3A_877, %add3A_883] : memref<64x32xi32, #tpu.memory_space<vmem>>[vector<16xi32>, vector<16xi32>], vector<16xi32>,
    %bitcast3A_885 = vector.bitcast %gather3A_884 : vector<16xi32> to vector<16xf32>
    tpu.vector_store_idx %arg6[%iota3A, %gather3A_880], %broadcast_in_dim3A_3 : memref<16x2048xf32, #tpu.memory_space<vmem>>[vector<16xi32>, vector<16xi32>], vector<16xf32>,
    %add3A_886 = arith.constant 16 : i32
    %add3A_887 = vector.broadcast %add3A_886 : i32 to vector<16xi32>
    %add3A_888 = arith.addi %add3A_887, %iota3A : vector<16xi32>
    %broadcast_in_dim3A_889 = arith.constant 13 : i32
    %broadcast_in_dim3A_890 = vector.broadcast %broadcast_in_dim3A_889 : i32 to vector<16xi32>
    %gather3A_891 = tpu.vector_load_idx %arg4[%add3A_888, %broadcast_in_dim3A_890] : memref<64x32xi32, #tpu.memory_space<vmem>>[vector<16xi32>, vector<16xi32>], vector<16xi32>,
    %add3A_892 = arith.constant 16 : i32
    %add3A_893 = vector.broadcast %add3A_892 : i32 to vector<16xi32>
    %add3A_894 = arith.addi %broadcast_in_dim3A_890, %add3A_893 : vector<16xi32>
    %gather3A_895 = tpu.vector_load_idx %arg4[%add3A_888, %add3A_894] : memref<64x32xi32, #tpu.memory_space<vmem>>[vector<16xi32>, vector<16xi32>], vector<16xi32>,
    %bitcast3A_896 = vector.bitcast %gather3A_895 : vector<16xi32> to vector<16xf32>
    tpu.vector_store_idx %arg6[%iota3A, %gather3A_891], %broadcast_in_dim3A_3 : memref<16x2048xf32, #tpu.memory_space<vmem>>[vector<16xi32>, vector<16xi32>], vector<16xf32>,
    %add3A_897 = arith.constant 16 : i32
    %add3A_898 = vector.broadcast %add3A_897 : i32 to vector<16xi32>
    %add3A_899 = arith.addi %add3A_898, %iota3A : vector<16xi32>
    %broadcast_in_dim3A_900 = arith.constant 14 : i32
    %broadcast_in_dim3A_901 = vector.broadcast %broadcast_in_dim3A_900 : i32 to vector<16xi32>
    %gather3A_902 = tpu.vector_load_idx %arg4[%add3A_899, %broadcast_in_dim3A_901] : memref<64x32xi32, #tpu.memory_space<vmem>>[vector<16xi32>, vector<16xi32>], vector<16xi32>,
    %add3A_903 = arith.constant 16 : i32
    %add3A_904 = vector.broadcast %add3A_903 : i32 to vector<16xi32>
    %add3A_905 = arith.addi %broadcast_in_dim3A_901, %add3A_904 : vector<16xi32>
    %gather3A_906 = tpu.vector_load_idx %arg4[%add3A_899, %add3A_905] : memref<64x32xi32, #tpu.memory_space<vmem>>[vector<16xi32>, vector<16xi32>], vector<16xi32>,
    %bitcast3A_907 = vector.bitcast %gather3A_906 : vector<16xi32> to vector<16xf32>
    tpu.vector_store_idx %arg6[%iota3A, %gather3A_902], %broadcast_in_dim3A_3 : memref<16x2048xf32, #tpu.memory_space<vmem>>[vector<16xi32>, vector<16xi32>], vector<16xf32>,
    %add3A_908 = arith.constant 16 : i32
    %add3A_909 = vector.broadcast %add3A_908 : i32 to vector<16xi32>
    %add3A_910 = arith.addi %add3A_909, %iota3A : vector<16xi32>
    %broadcast_in_dim3A_911 = arith.constant 15 : i32
    %broadcast_in_dim3A_912 = vector.broadcast %broadcast_in_dim3A_911 : i32 to vector<16xi32>
    %gather3A_913 = tpu.vector_load_idx %arg4[%add3A_910, %broadcast_in_dim3A_912] : memref<64x32xi32, #tpu.memory_space<vmem>>[vector<16xi32>, vector<16xi32>], vector<16xi32>,
    %add3A_914 = arith.constant 16 : i32
    %add3A_915 = vector.broadcast %add3A_914 : i32 to vector<16xi32>
    %add3A_916 = arith.addi %broadcast_in_dim3A_912, %add3A_915 : vector<16xi32>
    %gather3A_917 = tpu.vector_load_idx %arg4[%add3A_910, %add3A_916] : memref<64x32xi32, #tpu.memory_space<vmem>>[vector<16xi32>, vector<16xi32>], vector<16xi32>,
    %bitcast3A_918 = vector.bitcast %gather3A_917 : vector<16xi32> to vector<16xf32>
    tpu.vector_store_idx %arg6[%iota3A, %gather3A_913], %broadcast_in_dim3A_3 : memref<16x2048xf32, #tpu.memory_space<vmem>>[vector<16xi32>, vector<16xi32>], vector<16xf32>,
    %add3A_919 = arith.constant 48 : i32
    %add3A_920 = vector.broadcast %add3A_919 : i32 to vector<16xi32>
    %add3A_921 = arith.addi %add3A_920, %iota3A : vector<16xi32>
    %broadcast_in_dim3A_922 = arith.constant 0 : i32
    %broadcast_in_dim3A_923 = vector.broadcast %broadcast_in_dim3A_922 : i32 to vector<16xi32>
    %gather3A_924 = tpu.vector_load_idx %arg4[%add3A_921, %broadcast_in_dim3A_923] : memref<64x32xi32, #tpu.memory_space<vmem>>[vector<16xi32>, vector<16xi32>], vector<16xi32>,
    %add3A_925 = arith.constant 16 : i32
    %add3A_926 = vector.broadcast %add3A_925 : i32 to vector<16xi32>
    %add3A_927 = arith.addi %broadcast_in_dim3A_923, %add3A_926 : vector<16xi32>
    %gather3A_928 = tpu.vector_load_idx %arg4[%add3A_921, %add3A_927] : memref<64x32xi32, #tpu.memory_space<vmem>>[vector<16xi32>, vector<16xi32>], vector<16xi32>,
    %bitcast3A_929 = vector.bitcast %gather3A_928 : vector<16xi32> to vector<16xf32>
    tpu.vector_store_idx %arg6[%iota3A, %gather3A_924], %bitcast3A_929 {add = true} : memref<16x2048xf32, #tpu.memory_space<vmem>>[vector<16xi32>, vector<16xi32>], vector<16xf32>,
    %add3A_930 = arith.constant 48 : i32
    %add3A_931 = vector.broadcast %add3A_930 : i32 to vector<16xi32>
    %add3A_932 = arith.addi %add3A_931, %iota3A : vector<16xi32>
    %broadcast_in_dim3A_933 = arith.constant 1 : i32
    %broadcast_in_dim3A_934 = vector.broadcast %broadcast_in_dim3A_933 : i32 to vector<16xi32>
    %gather3A_935 = tpu.vector_load_idx %arg4[%add3A_932, %broadcast_in_dim3A_934] : memref<64x32xi32, #tpu.memory_space<vmem>>[vector<16xi32>, vector<16xi32>], vector<16xi32>,
    %add3A_936 = arith.constant 16 : i32
    %add3A_937 = vector.broadcast %add3A_936 : i32 to vector<16xi32>
    %add3A_938 = arith.addi %broadcast_in_dim3A_934, %add3A_937 : vector<16xi32>
    %gather3A_939 = tpu.vector_load_idx %arg4[%add3A_932, %add3A_938] : memref<64x32xi32, #tpu.memory_space<vmem>>[vector<16xi32>, vector<16xi32>], vector<16xi32>,
    %bitcast3A_940 = vector.bitcast %gather3A_939 : vector<16xi32> to vector<16xf32>
    tpu.vector_store_idx %arg6[%iota3A, %gather3A_935], %bitcast3A_940 {add = true} : memref<16x2048xf32, #tpu.memory_space<vmem>>[vector<16xi32>, vector<16xi32>], vector<16xf32>,
    %add3A_941 = arith.constant 48 : i32
    %add3A_942 = vector.broadcast %add3A_941 : i32 to vector<16xi32>
    %add3A_943 = arith.addi %add3A_942, %iota3A : vector<16xi32>
    %broadcast_in_dim3A_944 = arith.constant 2 : i32
    %broadcast_in_dim3A_945 = vector.broadcast %broadcast_in_dim3A_944 : i32 to vector<16xi32>
    %gather3A_946 = tpu.vector_load_idx %arg4[%add3A_943, %broadcast_in_dim3A_945] : memref<64x32xi32, #tpu.memory_space<vmem>>[vector<16xi32>, vector<16xi32>], vector<16xi32>,
    %add3A_947 = arith.constant 16 : i32
    %add3A_948 = vector.broadcast %add3A_947 : i32 to vector<16xi32>
    %add3A_949 = arith.addi %broadcast_in_dim3A_945, %add3A_948 : vector<16xi32>
    %gather3A_950 = tpu.vector_load_idx %arg4[%add3A_943, %add3A_949] : memref<64x32xi32, #tpu.memory_space<vmem>>[vector<16xi32>, vector<16xi32>], vector<16xi32>,
    %bitcast3A_951 = vector.bitcast %gather3A_950 : vector<16xi32> to vector<16xf32>
    tpu.vector_store_idx %arg6[%iota3A, %gather3A_946], %bitcast3A_951 {add = true} : memref<16x2048xf32, #tpu.memory_space<vmem>>[vector<16xi32>, vector<16xi32>], vector<16xf32>,
    %add3A_952 = arith.constant 48 : i32
    %add3A_953 = vector.broadcast %add3A_952 : i32 to vector<16xi32>
    %add3A_954 = arith.addi %add3A_953, %iota3A : vector<16xi32>
    %broadcast_in_dim3A_955 = arith.constant 3 : i32
    %broadcast_in_dim3A_956 = vector.broadcast %broadcast_in_dim3A_955 : i32 to vector<16xi32>
    %gather3A_957 = tpu.vector_load_idx %arg4[%add3A_954, %broadcast_in_dim3A_956] : memref<64x32xi32, #tpu.memory_space<vmem>>[vector<16xi32>, vector<16xi32>], vector<16xi32>,
    %add3A_958 = arith.constant 16 : i32
    %add3A_959 = vector.broadcast %add3A_958 : i32 to vector<16xi32>
    %add3A_960 = arith.addi %broadcast_in_dim3A_956, %add3A_959 : vector<16xi32>
    %gather3A_961 = tpu.vector_load_idx %arg4[%add3A_954, %add3A_960] : memref<64x32xi32, #tpu.memory_space<vmem>>[vector<16xi32>, vector<16xi32>], vector<16xi32>,
    %bitcast3A_962 = vector.bitcast %gather3A_961 : vector<16xi32> to vector<16xf32>
    tpu.vector_store_idx %arg6[%iota3A, %gather3A_957], %bitcast3A_962 {add = true} : memref<16x2048xf32, #tpu.memory_space<vmem>>[vector<16xi32>, vector<16xi32>], vector<16xf32>,
    %add3A_963 = arith.constant 48 : i32
    %add3A_964 = vector.broadcast %add3A_963 : i32 to vector<16xi32>
    %add3A_965 = arith.addi %add3A_964, %iota3A : vector<16xi32>
    %broadcast_in_dim3A_966 = arith.constant 4 : i32
    %broadcast_in_dim3A_967 = vector.broadcast %broadcast_in_dim3A_966 : i32 to vector<16xi32>
    %gather3A_968 = tpu.vector_load_idx %arg4[%add3A_965, %broadcast_in_dim3A_967] : memref<64x32xi32, #tpu.memory_space<vmem>>[vector<16xi32>, vector<16xi32>], vector<16xi32>,
    %add3A_969 = arith.constant 16 : i32
    %add3A_970 = vector.broadcast %add3A_969 : i32 to vector<16xi32>
    %add3A_971 = arith.addi %broadcast_in_dim3A_967, %add3A_970 : vector<16xi32>
    %gather3A_972 = tpu.vector_load_idx %arg4[%add3A_965, %add3A_971] : memref<64x32xi32, #tpu.memory_space<vmem>>[vector<16xi32>, vector<16xi32>], vector<16xi32>,
    %bitcast3A_973 = vector.bitcast %gather3A_972 : vector<16xi32> to vector<16xf32>
    tpu.vector_store_idx %arg6[%iota3A, %gather3A_968], %bitcast3A_973 {add = true} : memref<16x2048xf32, #tpu.memory_space<vmem>>[vector<16xi32>, vector<16xi32>], vector<16xf32>,
    %add3A_974 = arith.constant 48 : i32
    %add3A_975 = vector.broadcast %add3A_974 : i32 to vector<16xi32>
    %add3A_976 = arith.addi %add3A_975, %iota3A : vector<16xi32>
    %broadcast_in_dim3A_977 = arith.constant 5 : i32
    %broadcast_in_dim3A_978 = vector.broadcast %broadcast_in_dim3A_977 : i32 to vector<16xi32>
    %gather3A_979 = tpu.vector_load_idx %arg4[%add3A_976, %broadcast_in_dim3A_978] : memref<64x32xi32, #tpu.memory_space<vmem>>[vector<16xi32>, vector<16xi32>], vector<16xi32>,
    %add3A_980 = arith.constant 16 : i32
    %add3A_981 = vector.broadcast %add3A_980 : i32 to vector<16xi32>
    %add3A_982 = arith.addi %broadcast_in_dim3A_978, %add3A_981 : vector<16xi32>
    %gather3A_983 = tpu.vector_load_idx %arg4[%add3A_976, %add3A_982] : memref<64x32xi32, #tpu.memory_space<vmem>>[vector<16xi32>, vector<16xi32>], vector<16xi32>,
    %bitcast3A_984 = vector.bitcast %gather3A_983 : vector<16xi32> to vector<16xf32>
    tpu.vector_store_idx %arg6[%iota3A, %gather3A_979], %bitcast3A_984 {add = true} : memref<16x2048xf32, #tpu.memory_space<vmem>>[vector<16xi32>, vector<16xi32>], vector<16xf32>,
    %add3A_985 = arith.constant 48 : i32
    %add3A_986 = vector.broadcast %add3A_985 : i32 to vector<16xi32>
    %add3A_987 = arith.addi %add3A_986, %iota3A : vector<16xi32>
    %broadcast_in_dim3A_988 = arith.constant 6 : i32
    %broadcast_in_dim3A_989 = vector.broadcast %broadcast_in_dim3A_988 : i32 to vector<16xi32>
    %gather3A_990 = tpu.vector_load_idx %arg4[%add3A_987, %broadcast_in_dim3A_989] : memref<64x32xi32, #tpu.memory_space<vmem>>[vector<16xi32>, vector<16xi32>], vector<16xi32>,
    %add3A_991 = arith.constant 16 : i32
    %add3A_992 = vector.broadcast %add3A_991 : i32 to vector<16xi32>
    %add3A_993 = arith.addi %broadcast_in_dim3A_989, %add3A_992 : vector<16xi32>
    %gather3A_994 = tpu.vector_load_idx %arg4[%add3A_987, %add3A_993] : memref<64x32xi32, #tpu.memory_space<vmem>>[vector<16xi32>, vector<16xi32>], vector<16xi32>,
    %bitcast3A_995 = vector.bitcast %gather3A_994 : vector<16xi32> to vector<16xf32>
    tpu.vector_store_idx %arg6[%iota3A, %gather3A_990], %bitcast3A_995 {add = true} : memref<16x2048xf32, #tpu.memory_space<vmem>>[vector<16xi32>, vector<16xi32>], vector<16xf32>,
    %add3A_996 = arith.constant 48 : i32
    %add3A_997 = vector.broadcast %add3A_996 : i32 to vector<16xi32>
    %add3A_998 = arith.addi %add3A_997, %iota3A : vector<16xi32>
    %broadcast_in_dim3A_999 = arith.constant 7 : i32
    %broadcast_in_dim3A_1000 = vector.broadcast %broadcast_in_dim3A_999 : i32 to vector<16xi32>
    %gather3A_1001 = tpu.vector_load_idx %arg4[%add3A_998, %broadcast_in_dim3A_1000] : memref<64x32xi32, #tpu.memory_space<vmem>>[vector<16xi32>, vector<16xi32>], vector<16xi32>,
    %add3A_1002 = arith.constant 16 : i32
    %add3A_1003 = vector.broadcast %add3A_1002 : i32 to vector<16xi32>
    %add3A_1004 = arith.addi %broadcast_in_dim3A_1000, %add3A_1003 : vector<16xi32>
    %gather3A_1005 = tpu.vector_load_idx %arg4[%add3A_998, %add3A_1004] : memref<64x32xi32, #tpu.memory_space<vmem>>[vector<16xi32>, vector<16xi32>], vector<16xi32>,
    %bitcast3A_1006 = vector.bitcast %gather3A_1005 : vector<16xi32> to vector<16xf32>
    tpu.vector_store_idx %arg6[%iota3A, %gather3A_1001], %bitcast3A_1006 {add = true} : memref<16x2048xf32, #tpu.memory_space<vmem>>[vector<16xi32>, vector<16xi32>], vector<16xf32>,
    %add3A_1007 = arith.constant 48 : i32
    %add3A_1008 = vector.broadcast %add3A_1007 : i32 to vector<16xi32>
    %add3A_1009 = arith.addi %add3A_1008, %iota3A : vector<16xi32>
    %broadcast_in_dim3A_1010 = arith.constant 8 : i32
    %broadcast_in_dim3A_1011 = vector.broadcast %broadcast_in_dim3A_1010 : i32 to vector<16xi32>
    %gather3A_1012 = tpu.vector_load_idx %arg4[%add3A_1009, %broadcast_in_dim3A_1011] : memref<64x32xi32, #tpu.memory_space<vmem>>[vector<16xi32>, vector<16xi32>], vector<16xi32>,
    %add3A_1013 = arith.constant 16 : i32
    %add3A_1014 = vector.broadcast %add3A_1013 : i32 to vector<16xi32>
    %add3A_1015 = arith.addi %broadcast_in_dim3A_1011, %add3A_1014 : vector<16xi32>
    %gather3A_1016 = tpu.vector_load_idx %arg4[%add3A_1009, %add3A_1015] : memref<64x32xi32, #tpu.memory_space<vmem>>[vector<16xi32>, vector<16xi32>], vector<16xi32>,
    %bitcast3A_1017 = vector.bitcast %gather3A_1016 : vector<16xi32> to vector<16xf32>
    tpu.vector_store_idx %arg6[%iota3A, %gather3A_1012], %bitcast3A_1017 {add = true} : memref<16x2048xf32, #tpu.memory_space<vmem>>[vector<16xi32>, vector<16xi32>], vector<16xf32>,
    %add3A_1018 = arith.constant 48 : i32
    %add3A_1019 = vector.broadcast %add3A_1018 : i32 to vector<16xi32>
    %add3A_1020 = arith.addi %add3A_1019, %iota3A : vector<16xi32>
    %broadcast_in_dim3A_1021 = arith.constant 9 : i32
    %broadcast_in_dim3A_1022 = vector.broadcast %broadcast_in_dim3A_1021 : i32 to vector<16xi32>
    %gather3A_1023 = tpu.vector_load_idx %arg4[%add3A_1020, %broadcast_in_dim3A_1022] : memref<64x32xi32, #tpu.memory_space<vmem>>[vector<16xi32>, vector<16xi32>], vector<16xi32>,
    %add3A_1024 = arith.constant 16 : i32
    %add3A_1025 = vector.broadcast %add3A_1024 : i32 to vector<16xi32>
    %add3A_1026 = arith.addi %broadcast_in_dim3A_1022, %add3A_1025 : vector<16xi32>
    %gather3A_1027 = tpu.vector_load_idx %arg4[%add3A_1020, %add3A_1026] : memref<64x32xi32, #tpu.memory_space<vmem>>[vector<16xi32>, vector<16xi32>], vector<16xi32>,
    %bitcast3A_1028 = vector.bitcast %gather3A_1027 : vector<16xi32> to vector<16xf32>
    tpu.vector_store_idx %arg6[%iota3A, %gather3A_1023], %bitcast3A_1028 {add = true} : memref<16x2048xf32, #tpu.memory_space<vmem>>[vector<16xi32>, vector<16xi32>], vector<16xf32>,
    %add3A_1029 = arith.constant 48 : i32
    %add3A_1030 = vector.broadcast %add3A_1029 : i32 to vector<16xi32>
    %add3A_1031 = arith.addi %add3A_1030, %iota3A : vector<16xi32>
    %broadcast_in_dim3A_1032 = arith.constant 10 : i32
    %broadcast_in_dim3A_1033 = vector.broadcast %broadcast_in_dim3A_1032 : i32 to vector<16xi32>
    %gather3A_1034 = tpu.vector_load_idx %arg4[%add3A_1031, %broadcast_in_dim3A_1033] : memref<64x32xi32, #tpu.memory_space<vmem>>[vector<16xi32>, vector<16xi32>], vector<16xi32>,
    %add3A_1035 = arith.constant 16 : i32
    %add3A_1036 = vector.broadcast %add3A_1035 : i32 to vector<16xi32>
    %add3A_1037 = arith.addi %broadcast_in_dim3A_1033, %add3A_1036 : vector<16xi32>
    %gather3A_1038 = tpu.vector_load_idx %arg4[%add3A_1031, %add3A_1037] : memref<64x32xi32, #tpu.memory_space<vmem>>[vector<16xi32>, vector<16xi32>], vector<16xi32>,
    %bitcast3A_1039 = vector.bitcast %gather3A_1038 : vector<16xi32> to vector<16xf32>
    tpu.vector_store_idx %arg6[%iota3A, %gather3A_1034], %bitcast3A_1039 {add = true} : memref<16x2048xf32, #tpu.memory_space<vmem>>[vector<16xi32>, vector<16xi32>], vector<16xf32>,
    %add3A_1040 = arith.constant 48 : i32
    %add3A_1041 = vector.broadcast %add3A_1040 : i32 to vector<16xi32>
    %add3A_1042 = arith.addi %add3A_1041, %iota3A : vector<16xi32>
    %broadcast_in_dim3A_1043 = arith.constant 11 : i32
    %broadcast_in_dim3A_1044 = vector.broadcast %broadcast_in_dim3A_1043 : i32 to vector<16xi32>
    %gather3A_1045 = tpu.vector_load_idx %arg4[%add3A_1042, %broadcast_in_dim3A_1044] : memref<64x32xi32, #tpu.memory_space<vmem>>[vector<16xi32>, vector<16xi32>], vector<16xi32>,
    %add3A_1046 = arith.constant 16 : i32
    %add3A_1047 = vector.broadcast %add3A_1046 : i32 to vector<16xi32>
    %add3A_1048 = arith.addi %broadcast_in_dim3A_1044, %add3A_1047 : vector<16xi32>
    %gather3A_1049 = tpu.vector_load_idx %arg4[%add3A_1042, %add3A_1048] : memref<64x32xi32, #tpu.memory_space<vmem>>[vector<16xi32>, vector<16xi32>], vector<16xi32>,
    %bitcast3A_1050 = vector.bitcast %gather3A_1049 : vector<16xi32> to vector<16xf32>
    tpu.vector_store_idx %arg6[%iota3A, %gather3A_1045], %bitcast3A_1050 {add = true} : memref<16x2048xf32, #tpu.memory_space<vmem>>[vector<16xi32>, vector<16xi32>], vector<16xf32>,
    %add3A_1051 = arith.constant 48 : i32
    %add3A_1052 = vector.broadcast %add3A_1051 : i32 to vector<16xi32>
    %add3A_1053 = arith.addi %add3A_1052, %iota3A : vector<16xi32>
    %broadcast_in_dim3A_1054 = arith.constant 12 : i32
    %broadcast_in_dim3A_1055 = vector.broadcast %broadcast_in_dim3A_1054 : i32 to vector<16xi32>
    %gather3A_1056 = tpu.vector_load_idx %arg4[%add3A_1053, %broadcast_in_dim3A_1055] : memref<64x32xi32, #tpu.memory_space<vmem>>[vector<16xi32>, vector<16xi32>], vector<16xi32>,
    %add3A_1057 = arith.constant 16 : i32
    %add3A_1058 = vector.broadcast %add3A_1057 : i32 to vector<16xi32>
    %add3A_1059 = arith.addi %broadcast_in_dim3A_1055, %add3A_1058 : vector<16xi32>
    %gather3A_1060 = tpu.vector_load_idx %arg4[%add3A_1053, %add3A_1059] : memref<64x32xi32, #tpu.memory_space<vmem>>[vector<16xi32>, vector<16xi32>], vector<16xi32>,
    %bitcast3A_1061 = vector.bitcast %gather3A_1060 : vector<16xi32> to vector<16xf32>
    tpu.vector_store_idx %arg6[%iota3A, %gather3A_1056], %bitcast3A_1061 {add = true} : memref<16x2048xf32, #tpu.memory_space<vmem>>[vector<16xi32>, vector<16xi32>], vector<16xf32>,
    %add3A_1062 = arith.constant 48 : i32
    %add3A_1063 = vector.broadcast %add3A_1062 : i32 to vector<16xi32>
    %add3A_1064 = arith.addi %add3A_1063, %iota3A : vector<16xi32>
    %broadcast_in_dim3A_1065 = arith.constant 13 : i32
    %broadcast_in_dim3A_1066 = vector.broadcast %broadcast_in_dim3A_1065 : i32 to vector<16xi32>
    %gather3A_1067 = tpu.vector_load_idx %arg4[%add3A_1064, %broadcast_in_dim3A_1066] : memref<64x32xi32, #tpu.memory_space<vmem>>[vector<16xi32>, vector<16xi32>], vector<16xi32>,
    %add3A_1068 = arith.constant 16 : i32
    %add3A_1069 = vector.broadcast %add3A_1068 : i32 to vector<16xi32>
    %add3A_1070 = arith.addi %broadcast_in_dim3A_1066, %add3A_1069 : vector<16xi32>
    %gather3A_1071 = tpu.vector_load_idx %arg4[%add3A_1064, %add3A_1070] : memref<64x32xi32, #tpu.memory_space<vmem>>[vector<16xi32>, vector<16xi32>], vector<16xi32>,
    %bitcast3A_1072 = vector.bitcast %gather3A_1071 : vector<16xi32> to vector<16xf32>
    tpu.vector_store_idx %arg6[%iota3A, %gather3A_1067], %bitcast3A_1072 {add = true} : memref<16x2048xf32, #tpu.memory_space<vmem>>[vector<16xi32>, vector<16xi32>], vector<16xf32>,
    %add3A_1073 = arith.constant 48 : i32
    %add3A_1074 = vector.broadcast %add3A_1073 : i32 to vector<16xi32>
    %add3A_1075 = arith.addi %add3A_1074, %iota3A : vector<16xi32>
    %broadcast_in_dim3A_1076 = arith.constant 14 : i32
    %broadcast_in_dim3A_1077 = vector.broadcast %broadcast_in_dim3A_1076 : i32 to vector<16xi32>
    %gather3A_1078 = tpu.vector_load_idx %arg4[%add3A_1075, %broadcast_in_dim3A_1077] : memref<64x32xi32, #tpu.memory_space<vmem>>[vector<16xi32>, vector<16xi32>], vector<16xi32>,
    %add3A_1079 = arith.constant 16 : i32
    %add3A_1080 = vector.broadcast %add3A_1079 : i32 to vector<16xi32>
    %add3A_1081 = arith.addi %broadcast_in_dim3A_1077, %add3A_1080 : vector<16xi32>
    %gather3A_1082 = tpu.vector_load_idx %arg4[%add3A_1075, %add3A_1081] : memref<64x32xi32, #tpu.memory_space<vmem>>[vector<16xi32>, vector<16xi32>], vector<16xi32>,
    %bitcast3A_1083 = vector.bitcast %gather3A_1082 : vector<16xi32> to vector<16xf32>
    tpu.vector_store_idx %arg6[%iota3A, %gather3A_1078], %bitcast3A_1083 {add = true} : memref<16x2048xf32, #tpu.memory_space<vmem>>[vector<16xi32>, vector<16xi32>], vector<16xf32>,
    %add3A_1084 = arith.constant 48 : i32
    %add3A_1085 = vector.broadcast %add3A_1084 : i32 to vector<16xi32>
    %add3A_1086 = arith.addi %add3A_1085, %iota3A : vector<16xi32>
    %broadcast_in_dim3A_1087 = arith.constant 15 : i32
    %broadcast_in_dim3A_1088 = vector.broadcast %broadcast_in_dim3A_1087 : i32 to vector<16xi32>
    %gather3A_1089 = tpu.vector_load_idx %arg4[%add3A_1086, %broadcast_in_dim3A_1088] : memref<64x32xi32, #tpu.memory_space<vmem>>[vector<16xi32>, vector<16xi32>], vector<16xi32>,
    %add3A_1090 = arith.constant 16 : i32
    %add3A_1091 = vector.broadcast %add3A_1090 : i32 to vector<16xi32>
    %add3A_1092 = arith.addi %broadcast_in_dim3A_1088, %add3A_1091 : vector<16xi32>
    %gather3A_1093 = tpu.vector_load_idx %arg4[%add3A_1086, %add3A_1092] : memref<64x32xi32, #tpu.memory_space<vmem>>[vector<16xi32>, vector<16xi32>], vector<16xi32>,
    %bitcast3A_1094 = vector.bitcast %gather3A_1093 : vector<16xi32> to vector<16xf32>
    tpu.vector_store_idx %arg6[%iota3A, %gather3A_1089], %bitcast3A_1094 {add = true} : memref<16x2048xf32, #tpu.memory_space<vmem>>[vector<16xi32>, vector<16xi32>], vector<16xf32>,
    %add3A_1095 = arith.constant 48 : i32
    %add3A_1096 = arith.addi %mul3A_2, %add3A_1095 : i32
    %dma_start3A_1097 = arith.constant 0 : i32
    %dma_start3A_1098 = tpu.memref_slice %arg3[%add3A_1096, %dma_start3A_1097] : memref<2048x2048xf32, #tpu.memory_space<hbm>> -> memref<16x2048xf32, #tpu.memory_space<hbm>>
    %dma_start3A_1099 = arith.constant 0 : i32
    %dma_start3A_1100 = tpu.memref_slice %arg3[%add3A_1096, %dma_start3A_1099] : memref<2048x2048xf32, #tpu.memory_space<hbm>> -> memref<16x2048xf32, #tpu.memory_space<hbm>>
    tpu.enqueue_dma source(%arg6 : memref<16x2048xf32, #tpu.memory_space<vmem>>) target(%dma_start3A_1100 : memref<16x2048xf32, #tpu.memory_space<hbm>>) target_semaphore(%arg8 : memref<!tpu.dma_semaphore, #tpu.memory_space<semaphore_mem>>)
    %dma_wait3A_1101 = arith.constant 0 : i32
    %dma_wait3A_1102 = tpu.memref_slice %arg3[%add3A_734, %dma_wait3A_1101] : memref<2048x2048xf32, #tpu.memory_space<hbm>> -> memref<16x2048xf32, #tpu.memory_space<hbm>>
    %dma_wait3A_1103 = arith.constant 0 : i32
    %dma_wait3A_1104 = tpu.memref_slice %arg3[%add3A_734, %dma_wait3A_1103] : memref<2048x2048xf32, #tpu.memory_space<hbm>> -> memref<16x2048xf32, #tpu.memory_space<hbm>>
    tpu.wait_dma2 semaphore(%arg7 : memref<!tpu.dma_semaphore, #tpu.memory_space<semaphore_mem>>) src(%arg5 : memref<16x2048xf32, #tpu.memory_space<vmem>>) dst(%dma_wait3A_1104 : memref<16x2048xf32, #tpu.memory_space<hbm>>)
    %dma_wait3A_1105 = arith.constant 0 : i32
    %dma_wait3A_1106 = tpu.memref_slice %arg3[%add3A_1096, %dma_wait3A_1105] : memref<2048x2048xf32, #tpu.memory_space<hbm>> -> memref<16x2048xf32, #tpu.memory_space<hbm>>
    %dma_wait3A_1107 = arith.constant 0 : i32
    %dma_wait3A_1108 = tpu.memref_slice %arg3[%add3A_1096, %dma_wait3A_1107] : memref<2048x2048xf32, #tpu.memory_space<hbm>> -> memref<16x2048xf32, #tpu.memory_space<hbm>>
    tpu.wait_dma2 semaphore(%arg8 : memref<!tpu.dma_semaphore, #tpu.memory_space<semaphore_mem>>) src(%arg6 : memref<16x2048xf32, #tpu.memory_space<vmem>>) dst(%dma_wait3A_1108 : memref<16x2048xf32, #tpu.memory_space<hbm>>)
    return
  }
}

module attributes {stable_mosaic.version = 14 : i64} {
  func.func @mm(%arg0: i32, %arg1: memref<2048x2048xbf16, #tpu.memory_space<vmem>>, %arg2: memref<512x2048xf32, #tpu.memory_space<vmem>>, %arg3: memref<2048x512xf32, #tpu.memory_space<vmem>>) attributes {dimension_semantics = [#tpu.dimension_semantics<arbitrary>], iteration_bounds = array<i64: 4>, scalar_prefetch = 0 : i64, scratch_operands = 0 : i64, tpu.core_type = #tpu.core_type<tc>, window_params = [{pipeline_mode = #tpu.pipeline_mode<synchronous>, transform_indices = @transform_0, window_bounds = array<i64: 2048, 2048>}, {transform_indices = @transform_1, window_bounds = array<i64: 512, 2048>}, {transform_indices = @transform_2, window_bounds = array<i64: 2048, 512>}]} {
    %get3A = arith.constant 0 : index
    %get3A_0 = arith.constant 0 : index
    %get3A_1 = vector.load %arg2[%get3A, %get3A_0] : memref<512x2048xf32, #tpu.memory_space<vmem>>, vector<512x2048xf32>
    %convert_element_type3A = arith.truncf %get3A_1 : vector<512x2048xf32> to vector<512x2048xbf16>
    %get3A_2 = arith.constant 0 : index
    %get3A_3 = arith.constant 0 : index
    %get3A_4 = vector.load %arg1[%get3A_2, %get3A_3] : memref<2048x2048xbf16, #tpu.memory_space<vmem>>, vector<2048x2048xbf16>
    %dot_general3A = arith.constant dense<0.000000e+00> : vector<2048x512xf32>
    %dot_general3A_5 = tpu.matmul %get3A_4, %convert_element_type3A, %dot_general3A {dimension_numbers = #tpu.dot_dimension_numbers<[1], [1], [0], [0], [0, 0, 1, 0], [], []>, transpose_lhs_hint = false} : vector<2048x2048xbf16>, vector<512x2048xbf16>, vector<2048x512xf32> -> vector<2048x512xf32>
    %swap3A = arith.constant 0 : index
    %swap3A_6 = arith.constant 0 : index
    %swap3A_7 = vector.load %arg3[%swap3A, %swap3A_6] : memref<2048x512xf32, #tpu.memory_space<vmem>>, vector<2048x512xf32>
    tpu.vector_store %arg3[%swap3A, %swap3A_6], %dot_general3A_5 {strides = array<i32>} : memref<2048x512xf32, #tpu.memory_space<vmem>>, vector<2048x512xf32>,
    return
  }
  func.func @transform_0(%arg0: i32) -> (i32, i32) {
    %c0_i32 = arith.constant 0 : i32
    %c0_i32_0 = arith.constant 0 : i32
    %c0_i32_1 = arith.constant 0 : i32
    return %c0_i32, %c0_i32_0 : i32, i32
  }
  func.func @transform_1(%arg0: i32) -> (i32, i32) {
    %c0_i32 = arith.constant 0 : i32
    %c0_i32_0 = arith.constant 0 : i32
    return %arg0, %c0_i32 : i32, i32
  }
  func.func @transform_2(%arg0: i32) -> (i32, i32) {
    %c0_i32 = arith.constant 0 : i32
    %c0_i32_0 = arith.constant 0 : i32
    return %c0_i32, %arg0 : i32, i32
  }
}

</mosaic_0001>

<sc_bundles>
// kernel: kernel.4.cloned.1.call-start
scs
__scs_entry_jumppad:
0x0: {  	(pc) =	sbr.rel $0x88, $3  }
0x1: {  	(tag) =	ssettag $0x0;
	lr =	simm.s32 $0x1  }
0x2: {  	[smem:$0x3F9E] =	sst lr;
	_ =	strace $0xD0000000  }
0x3: {  	_ = 	snop  }
0x4: {  	_ = 	snop  }
0x5: {  	_ = 	snop  }
0x6: {  	_ = 	snop  }
0x7: {  	_ = 	snop  }
__scs_overlays_trampoline_lowered:
0x8: {  	[smem:$0x3FAD] =	sst s0  }
0x9: {  	[smem:$0x3FAE] =	sst s1  }
0xa: {  	[smem:$0x3FAF] =	sst s2  }
0xb: {  	[smem:$0x3FB0] =	sst s3  }
0xc: {  	[smem:$0x3FB1] =	sst s4  }
0xd: {  	[smem:$0x3FB2] =	sst s5  }
0xe: {  	[smem:$0x3FB3] =	sst s6  }
0xf: {  	[smem:$0x3FB4] =	sst s7  }
0x10: {  	[smem:$0x3FB5] =	sst s8  }
0x11: {  	[smem:$0x3FB6] =	sst s9;
	s0 =	simm.s32 @!p0 $0x0  }
0x12: {  	s1 =	sld [smem:$0x3F9C];
	s0 =	simm.s32 @p0 $0x1  }
0x13: {  	[smem:$0x3FB7] =	sst s0;
	s0 =	simm.s32 @!p1 $0x0  }
0x14: {  	s2 =	sld [smem:$0x3F9B];
	s0 =	simm.s32 @p1 $0x1  }
0x15: {  	[smem:$0x3FB8] =	sst s0;
	s0 =	simm.s32 @!p2 $0x0  }
0x16: {  	s3 =	sld [smem:$0x3FDB];
	s0 =	simm.s32 @p2 $0x1  }
0x17: {  	s4 =	simm.s32 $0x1BF5;
	[smem:$0x3FBA] =	sst s0  }
0x18: {  	s0 =	sld [smem:$0x3F9D];
	_ =	swait.ge [sflag:s4], $0x0  }
0x19: {  	s7 =	sld [smem:$0x3F9E]  }
0x1a: {  	s8 =	sadd.s32 $0xFFFFE003, lr  }
0x1b: {  	s9 =	sadd.s32 $0xFFFFFEF7, lr;
	s5 =	simm.s32 $0xFFFFFFFF;
	p2 =	slt.u32 s8, $0xFFFFF086  }
0x1c: {  	p1 =	slt.u32 s9, $0xF7A;
	s5 =	simm.s32 @!p2 $0x0  }
0x1d: {  	s5 =	simm.s32 @p1 $0x1;
	p0 =	seq.s32 s7, s2  }
0x1e: {  	s7 =	smul.u32 @!p0 $0xF7A, s2;
	p2 =	seq.s32 @!p0 s5, $0x0  }
0x1f: {  	s9 =	smul.u32 $0xF7A, s1;
	s8 =	simm.s32 @!p0 $0x1BF5;
	p2 =	por !p2, p0  }
0x20: {  	[sflag:s8] =	ssyncset.s32 @!p0 $0xFFFFF086;
	s6 =	sadd.s32 @!p0 s3, s7;
	s7 =	simm.s32 @!p0 $0x108  }
0x21: {  	s3 =	sadd.s32 s3, s9;
	s6 =	sadd.s32 @!p0 $0x88, s6;
	s7 =	simm.s32 @p2 $0x1082  }
0x22: {  	[simem:s7], [sflag:s8] =	dma.local @!p0 [hbm:s6], $0xF7A  }
0x23: {  	s9 =	sor.u32 $0xD0000000, s2;
	s6 =	simm.s32 $0x108;
	_ =	swait.ge @!p0 [sflag:s8], $0x0  }
0x24: {  	s3 =	sadd.s32 $0x88, s3;
	s6 =	simm.s32 @!p1 $0x1082;
	[sflag:s4] =	ssyncset.s32 $0xFFFFF086  }
0x25: {  	[simem:s6], [sflag:s4] =	dma.local [hbm:s3], $0xF7A  }
0x26: {  	[smem:$0x3F9E] =	sst s1;
	(tag) =	ssettag s2;
	_ =	strace s9  }
0x27: {  	s1 =	sld [smem:$0x3FAE]  }
0x28: {  	s2 =	sld [smem:$0x3FAF]  }
0x29: {  	s4 =	sld [smem:$0x3FB1]  }
0x2a: {  	p0 =	seq.s32 s5, $0x0;
	s5 =	sld [smem:$0x3FB2]  }
0x2b: {  	s6 =	sld [smem:$0x3FB3]  }
0x2c: {  	s7 =	sld [smem:$0x3FB4]  }
0x2d: {  	s3 =	simm.s32 $0x108;
	s8 =	sld [smem:$0x3FB5]  }
0x2e: {  	s3 =	simm.s32 @!p0 $0x1082;
	s9 =	sld [smem:$0x3FB6]  }
0x2f: {  	lr =	sadd.s32 s0, s3;
	s0 =	sld [smem:$0x3FAD]  }
0x30: {  	s3 =	sld [smem:$0x3FB0]  }
0x31: {  	[smem:$0x3FB9] =	sst s10  }
0x32: {  	s10 =	sld [smem:$0x3FB7];
	_ =	sdelay $0x3  }
0x33: {  	p0 =	seq.s32 s10, $0x1;
	s10 =	sld [smem:$0x3FB9];
	_ =	sdelay $0x3  }
0x34: {  	[smem:$0x3FB9] =	sst s10  }
0x35: {  	s10 =	sld [smem:$0x3FB8];
	_ =	sdelay $0x3  }
0x36: {  	p1 =	seq.s32 s10, $0x1;
	s10 =	sld [smem:$0x3FB9];
	_ =	sdelay $0x3  }
0x37: {  	[smem:$0x3FB9] =	sst s10  }
0x38: {  	s10 =	sld [smem:$0x3FBA]  }
0x39: {  	_ = 	snop;
	(pc) =	sbr.ind lr, $3  }
0x3a: {  	_ = 	snop  }
0x3b: {  	_ = 	snop  }
0x3c: {  	p2 =	seq.s32 s10, $0x1;
	s10 =	sld [smem:$0x3FB9]  }
0x3d: {  	_ =	shalt  }
0x3e: {  	_ =	shalt  }
0x3f: {  	_ =	shalt  }
0x40: {  	_ =	shalt  }
0x41: {  	_ =	shalt  }
0x42: {  	_ =	shalt  }
0x43: {  	_ =	shalt  }
0x44: {  	_ =	shalt  }
0x45: {  	_ =	shalt  }
0x46: {  	_ =	shalt  }
0x47: {  	_ =	shalt  }
0x48: {  	_ =	shalt  }
0x49: {  	_ =	shalt  }
0x4a: {  	_ =	shalt  }
0x4b: {  	_ =	shalt  }
0x4c: {  	_ =	shalt  }
0x4d: {  	_ =	shalt  }
0x4e: {  	_ =	shalt  }
0x4f: {  	_ =	shalt  }
0x50: {  	_ =	shalt  }
0x51: {  	_ =	shalt  }
0x52: {  	_ =	shalt  }
0x53: {  	_ =	shalt  }
0x54: {  	_ =	shalt  }
0x55: {  	_ =	shalt  }
0x56: {  	_ =	shalt  }
0x57: {  	_ =	shalt  }
0x58: {  	_ =	shalt  }
0x59: {  	_ =	shalt  }
0x5a: {  	_ =	shalt  }
0x5b: {  	_ =	shalt  }
0x5c: {  	_ =	shalt  }
0x5d: {  	_ =	shalt  }
0x5e: {  	_ =	shalt  }
0x5f: {  	_ =	shalt  }
0x60: {  	_ =	shalt  }
0x61: {  	_ =	shalt  }
0x62: {  	_ =	shalt  }
0x63: {  	_ =	shalt  }
0x64: {  	_ =	shalt  }
0x65: {  	_ =	shalt  }
0x66: {  	_ =	shalt  }
0x67: {  	_ =	shalt  }
0x68: {  	_ =	shalt  }
0x69: {  	_ =	shalt  }
0x6a: {  	_ =	shalt  }
0x6b: {  	_ =	shalt  }
0x6c: {  	_ =	shalt  }
0x6d: {  	_ =	shalt  }
0x6e: {  	_ =	shalt  }
0x6f: {  	_ =	shalt  }
0x70: {  	_ =	shalt  }
0x71: {  	_ =	shalt  }
0x72: {  	_ =	shalt  }
0x73: {  	_ =	shalt  }
0x74: {  	_ =	shalt  }
0x75: {  	_ =	shalt  }
0x76: {  	_ =	shalt  }
0x77: {  	_ =	shalt  }
0x78: {  	_ =	shalt  }
0x79: {  	_ =	shalt  }
0x7a: {  	_ =	shalt  }
0x7b: {  	_ =	shalt  }
0x7c: {  	_ =	shalt  }
0x7d: {  	_ =	shalt  }
0x7e: {  	_ =	shalt  }
0x7f: {  	_ =	shalt  }
0x80: {  	_ =	shalt  }
0x81: {  	_ =	shalt  }
0x82: {  	_ =	shalt  }
0x83: {  	_ =	shalt  }
0x84: {  	_ =	shalt  }
0x85: {  	_ =	shalt  }
0x86: {  	_ =	shalt  }
0x87: {  	_ =	shalt  }
.Lfunc_end0:
.L_simem_size_0:
called_computation_lowered:
.L_overlay_start_0:
0x88: {  	s2 =	sld [smem:$0x3FD9]  }
0x89: {  	s3 =	sld [smem:$0x3FFE];
	_ =	sdelay $0x1  }
0x8a: {  	s1 =	srdreg.scid  }
0x8b: {  	s0 =	sand.u32 $0x1, s1  }
0x8c: {  	s17 =	sshll.u32 s0, $0xA;
	s2 =	sadd.s32 s3, s2  }
0x8d: {  	s2 =	sadd.s32 s2, s17  }
0x8e: {  	[smem:$0x3FC5] =	sst s2  }
0x8f: {  	_ = 	snop  }
0x90: {  	s2 =	sld [smem:$0x3FD0];
	(tm) =	ssettm $0x1  }
0x91: {  	s18 =	sld [smem:$0x3FFB];
	_ =	sdelay $0x3  }
0x92: {  	_ =	strace s18  }
0x93: {  	s3 =	sld [smem:$0x3FFC];
	_ =	sdelay $0x3  }
0x94: {  	_ =	strace s3  }
0x95: {  	s3 =	sld [smem:$0x3FFD];
	_ =	sdelay $0x3  }
0x96: {  	_ =	strace s3  }
0x97: {  	_ =	strace $0x8FFFFFFF  }
0x98: {  	s19 =	sld [smem:$0x3FDB];
	_ =	sdelay $0x1  }
0x99: {  	s4 =	simm.s32 $_scs_section_size  }
0x9a: {  	s5 =	simm.s32 $_size__tile_overlayer_lowered;
	s6 =	simm.s32 $_tile_overlayer_lowered  }
0x9b: {  	s22 =	simm.s32 $0x1BFF;
	s21 =	sshll.u32 s6, $0x1;
	s3 =	sadd.s32 s4, s19  }
0x9c: {  	s7 =	simm.s32 $0x0;
	s20 =	sshll.u32 s5, $0x1;
	s5 =	sadd.s32 s21, s3  }
0x9d: {  	[timem:s7], [sflag:s22] =	dma.local [hbm:s5], s20  }
0x9e: {  	_ =	swait.ge [sflag:s22], s20  }
0x9f: {  	s4 =	ssub.s32 $0x0, s20;
	[sflag:s22] =	ssyncset.done $0x0  }
0xa0: {  	[sflag:s22] =	ssyncadd.s32 s4;
	_ =	sdelay $0x1  }
0xa1: {  	s23 =	simm.s32 $0x1B8B  }
0xa2: {  	_ =	swait.ge [sflag:s23], $0x1  }
0xa3: {  	[sflag:s23] =	ssyncset.done $0x0  }
0xa4: {  	s25 =	simm.s32 $0x1B8E;
	s24 =	sld [smem:$0x3FFE];
	[sflag:s23] =	ssyncadd.s32 $0xFFFFFFFF  }
0xa5: {  	s26 =	simm.s32 $execute0_lowered;
	[smem:$0x3FD2] =	sst s25  }
0xa6: {  	s5 =	sshll.u32 s26, $0x1;
	_ =	strace $0x80000046;
	[dreg:$0x1] =	wrdreg $0xFFFFFFFF  }
0xa7: {  	s28 =	simm.s32 $_size_execute0_lowered;
	s3 =	sadd.s32 s3, s5;
	[dreg:$0x0] =	wrdreg $0x0  }
0xa8: {  	s5 =	sshll.u32 s28, $0x1;
	[dreg:$0x2] =	wrdreg s3  }
0xa9: {  	[dreg:$0x3] =	wrdreg s5  }
0xaa: {  	[dreg:$0x4] =	wrdreg $0xC0  }
0xab: {  	_ =	task [dreg:s7], $0x5FFFF  }
0xac: {  	[dreg:$0x1] =	wrdreg $0xFFFFFFFF  }
0xad: {  	[dreg:$0x0] =	wrdreg $0x60  }
0xae: {  	[dreg:$0x2] =	wrdreg s2  }
0xaf: {  	[dreg:$0x3] =	wrdreg s24  }
0xb0: {  	[dreg:$0x4] =	wrdreg $0x9  }
0xb1: {  	_ =	task.clear_ibuf [dreg:s7], $0x5FFFF;
	_ =	strace $0x90000046  }
0xb2: {  	s29 =	simm.s32 $0x9;
	_ =	strace $0x80000048  }
0xb3: {  	_ =	swait.ge [sflag:s29], $0x1  }
0xb4: {  	[sflag:s29] =	ssyncadd.s32 $0xFFFFFFFF  }
0xb5: {  	_ =	strace $0x90000048  }
0xb6: {  	_ =	sfence  }
0xb7: {  	s30 =	sld [smem:$0x0];
	_ =	sdelay $0x2  }
0xb8: {  	s31 =	sshll.u32 s1, $0xD;
	s1 =	sshrl.u32 s1, $0x2  }
0xb9: {  	s3 =	sand.u32 $0x4000, s31;
	s1 =	sadd.s32 s1, s30  }
0xba: {  	s0 =	sor.u32 s3, s0;
	s1 =	sshll.u32 s1, $0x11  }
0xbb: {  	s0 =	sor.u32 s1, s0  }
0xbc: {  	s0 =	sadd.s32 $0x8F2B, s0  }
0xbd: {  	[sflag:s0] =	ssyncadd.remote.s32 $0x1  }
0xbe: {  	_ =	sfence.sel $0xFFFF  }
0xbf: {  	[dreg:$0x0] =	wrdreg $0xFFFFFFFF;
	(pc) =	sbr.abs _section_cstart, $3  }
0xc0: {  	[dreg:$0x1] =	wrdreg $0xFFFFFFFF  }
0xc1: {  	_ =	task.clear_ibuf [dreg:s7], $0x2FFFF;
	_ =	strace $0x9FFFFFFF  }
0xc2: {  	(tm) =	ssettm $0x7FFFFFFF  }
0xc3: {  	_ =	shalt  }
tec
execute0_lowered:
.L_overlay_start_1:
0x0: {  	(tag) =	ssettag $0x1  }
0x1: {  	v0 =	vimm.s32 $0x4380;
	vm0 =	vcmask $0x300  }
0x2: {  	vm14 =	vcmask $0x704;
	v0 =	vsel vm0, $0x0, v0  }
0x3: {  	vm15 =	vcmask $0xB08;
	v0 =	vsel vm14, $0x80, v0  }
0x4: {  	vm4 =	vcmask $0xF0C;
	v0 =	vsel vm15, $0x100, v0  }
0x5: {  	vm5 =	vcmask $0x1310;
	v0 =	vsel vm4, $0x180, v0  }
0x6: {  	vm6 =	vcmask $0x1714;
	v0 =	vsel vm5, $0x200, v0  }
0x7: {  	vm7 =	vcmask $0x1B18;
	v0 =	vsel vm6, $0x280, v0  }
0x8: {  	vm8 =	vcmask $0x1F1C;
	v0 =	vsel vm7, $0x300, v0  }
0x9: {  	vm9 =	vcmask $0x2320;
	v0 =	vsel vm8, $0x380, v0  }
0xa: {  	vm10 =	vcmask $0x2724;
	v0 =	vsel vm9, $0x4000, v0  }
0xb: {  	vm11 =	vcmask $0x2B28;
	v0 =	vsel vm10, $0x4080, v0  }
0xc: {  	vm12 =	vcmask $0x2F2C;
	v0 =	vsel vm11, $0x4100, v0  }
0xd: {  	v1 =	vlaneseq.u32;
	vm13 =	vcmask $0x3330;
	v2 =	vsel vm12, $0x4180, v0  }
0xe: {  	vm14 =	vcmask $0x3734;
	v0 =	vmul.u32 $0x80, v1;
	v1 =	vsel vm13, $0x4200, v2  }
0xf: {  	vm15 =	vcmask $0x3B38;
	v2 =	vsel vm14, $0x4280, v1  }
0x10: {  	v1 =	vimm.f32 $0.0e+00;
	v3 =	vor.u32 $0x10, v0;
	v4 =	vor.u32 $0x1, v0  }
0x11: {  	v6 =	vor.u32 $0x2, v0;
	v8 =	vor.u32 $0x3, v0;
	v10 =	vor.u32 $0x4, v0  }
0x12: {  	v11 =	vor.u32 $0x14, v0;
	v12 =	vor.u32 $0x5, v0;
	v13 =	vor.u32 $0x15, v0  }
0x13: {  	v14 =	vor.u32 $0x6, v0;
	v15 =	vor.u32 $0x16, v0;
	v16 =	vor.u32 $0x7, v0  }
0x14: {  	v17 =	vor.u32 $0x17, v0;
	v18 =	vor.u32 $0x8, v0;
	v19 =	vor.u32 $0x18, v0  }
0x15: {  	v20 =	vor.u32 $0x9, v0;
	v21 =	vor.u32 $0x19, v0;
	v22 =	vor.u32 $0xA, v0  }
0x16: {  	v23 =	vor.u32 $0x1A, v0;
	v24 =	vor.u32 $0xB, v0;
	v25 =	vor.u32 $0x1B, v0  }
0x17: {  	v26 =	vor.u32 $0xC, v0;
	v27 =	vor.u32 $0x1C, v0;
	v28 =	vor.u32 $0xD, v0  }
0x18: {  	v29 =	vor.u32 $0x1D, v0;
	v30 =	vor.u32 $0xE, v0;
	v31 =	vor.u32 $0x1E, v0  }
0x19: {  	v32 =	vor.u32 $0xF, v0;
	v33 =	vor.u32 $0x1F, v0;
	v34 =	vor.u32 $0x800, v0  }
0x1a: {  	s3 =	rddreg [dreg:$0x0];
	v35 =	vor.u32 $0x810, v0;
	v36 =	vor.u32 $0x801, v0;
	v37 =	vor.u32 $0x811, v0  }
0x1b: {  	s4 =	rddreg [dreg:$0x1];
	s2 =	srdreg.scid;
	v38 =	vor.u32 $0x802, v0;
	v39 =	vor.u32 $0x812, v0;
	v40 =	vor.u32 $0x803, v0  }
0x1c: {  	s0 =	rddreg [dreg:$0x2];
	s1 =	stileid.u32;
	s9 =	simm.s32 $0x3;
	v41 =	vor.u32 $0x813, v0;
	v42 =	vor.u32 $0x804, v0;
	v43 =	vor.u32 $0x814, v0  }
0x1d: {  	s10 =	simm.s32 $0x2000;
	s11 =	simm.s32 $0xA000;
	s5 =	sand.u32 $0x1, s2;
	v44 =	vor.u32 $0x805, v0;
	v45 =	vor.u32 $0x815, v0;
	v46 =	vor.u32 $0x806, v0  }
0x1e: {  	s12 =	simm.s32 $0x1;
	s6 =	sshll.u32 s1, $0x7;
	s7 =	sshll.u32 s5, $0x6;
	v47 =	vor.u32 $0x816, v0;
	v48 =	vor.u32 $0x807, v0;
	v49 =	vor.u32 $0x817, v0  }
0x1f: {  	s13 =	simm.s32 $0x2;
	s14 =	simm.s32 $0x0;
	s6 =	sor.u32 s7, s6;
	v50 =	vor.u32 $0x808, v0;
	v51 =	vor.u32 $0x818, v0;
	v52 =	vor.u32 $0x809, v0  }
0x20: {  	s2 =	simm.s32 $0x0;
	s5 =	ssub.s32 $0x2, s5;
	s7 =	sshll.u32 s6, $0x8;
	v53 =	vor.u32 $0x819, v0;
	[tilespmem:$0x1FFC0] =	vst v3;
	v3 =	vsel vm15, $0x4300, v2;
	v2 =	vor.u32 $0x11, v0  }
0x21: {  	[smem:$0x7FF] =	sst s2;
	s8 =	sshrl.u32 s5, $0x1;
	s7 =	sadd.s32 s7, s4;
	v54 =	vor.u32 $0x80A, v0;
	v55 =	vor.u32 $0x81A, v0;
	[tilespmem:$0x1FFD0] =	vst v2;
	v2 =	vor.u32 $0x12, v0  }
0x22: {  	s8 =	ssub.s32 s5, s8;
	s31 =	sshll.u32 s6, $0x4;
	s4 =	sadd.s32 $0x1400, s7;
	v56 =	vor.u32 $0x80B, v0;
	v57 =	vor.u32 $0x81B, v0;
	[tilespmem:$0x1FFE0] =	vst v2;
	v2 =	vor.u32 $0x13, v0  }
0x23: {  	s3 =	sadd.s32 s3, s31;
	s5 =	sadd.s32 $0x2400, s7;
	s6 =	sadd.s32 $0x3400, s7;
	v58 =	vor.u32 $0x80C, v0;
	v59 =	vor.u32 $0x81C, v0;
	v60 =	vor.u32 $0x80D, v0;
	[tilespmem:$0x1FFF0] =	vst v2  }
0x24: {  	s8 =	smax.u32 s8, $0x1;
	s7 =	sadd.s32 $0x4400, s7;
	v61 =	vor.u32 $0x81D, v0;
	v62 =	vor.u32 $0x80E, v0;
	v63 =	vor.u32 $0x81E, v0;
	_ =	strace $0x80000047  }
.LBB2_1:
0x25: {  	[tilespmem:s2], [sflag:$0x3] =	stream.linear.gather [hbm4b:s3+s2], $0x2000, $0x38;
	[tilespmem:$0x12000] =	vst v63  }
0x26: {  	_ =	swait.ge [sflag:s9], $0x2000  }
0x27: {  	s15 =	sand.u32 $0x70, s2;
	s16 =	sand.u32 $0x3C00, s2;
	[sflag:s9] =	ssyncset.done $0x0  }
0x28: {  	s15 =	sor.u32 s15, s16;
	[sflag:s9] =	ssyncadd.s32 $0xFFFFE000  }
0x29: {  	[tilespmem:s15+$0x2080] =	vst v1  }
0x2a: {  	[tilespmem:s15+$0x2100] =	vst v1  }
0x2b: {  	s19 =	sand.u32 $0x7, s2;
	[tilespmem:s15+$0x2180] =	vst v1  }
0x2c: {  	s17 =	simm.s32 $0x10;
	s18 =	simm.s32 $0x0;
	s16 =	simm.s32 $0x0;
	[tilespmem:s15+$0x2200] =	vst v1  }
.LBB2_2:
0x2d: {  	p0 =	sne.s32 s17, $0x7F0;
	s19 =	sshll.u32 s19, $0x4;
	[tilespmem:s15+$0x2280] =	vst v1  }
0x2e: {  	s19 =	sadd.s32 s19, s16;
	[tilespmem:s15+$0x2300] =	vst v1  }
0x2f: {  	[tilespmem:s15+$0x2000] =	vst v1;
	s19 =	sor.u32 $0x380, s19  }
0x30: {  	[tilespmem:s19+$0x2000] =	vst v1  }
0x31: {  	[tilespmem:s15+$0x6000] =	vst v1  }
0x32: {  	[tilespmem:s15+$0x6080] =	vst v1  }
0x33: {  	[tilespmem:s15+$0x6100] =	vst v1  }
0x34: {  	[tilespmem:s15+$0x6180] =	vst v1  }
0x35: {  	[tilespmem:s15+$0x6200] =	vst v1  }
0x36: {  	s16 =	sadd.s32 $0x80, s16;
	[tilespmem:s15+$0x6280] =	vst v1  }
0x37: {  	s20 =	sand.u32 $0x3C00, s16;
	s19 =	sand.u32 $0x70, s17;
	[tilespmem:s15+$0x6300] =	vst v1  }
.Ltmp0:
0x38: {  	[tilespmem:s15+$0x6380] =	vst v1;
	s15 =	sor.u32 s19, s20;
	(pc) =	sbr.rel @p0 .LBB2_2-.Ltmp0, $4  }
0x39: {  	[tilespmem:s15+$0x2080] =	vst v1  }
0x3a: {  	[tilespmem:s15+$0x2100] =	vst v1  }
0x3b: {  	s18 =	sadd.s32 $0x1, s18;
	[tilespmem:s15+$0x2180] =	vst v1  }
0x3c: {  	s17 =	sadd.s32 $0x10, s17;
	s19 =	sand.u32 $0x7, s18;
	[tilespmem:s15+$0x2200] =	vst v1  }
0x3d: {  	s17 =	sshll.u32 s19, $0x4;
	[tilespmem:s15+$0x2280] =	vst v1  }
0x3e: {  	[tilespmem:s15+$0x2300] =	vst v1;
	s16 =	sadd.s32 s17, s16  }
0x3f: {  	[tilespmem:s15+$0x2000] =	vst v1;
	s16 =	sor.u32 $0x380, s16  }
0x40: {  	[tilespmem:s16+$0x2000] =	vst v1  }
0x41: {  	[tilespmem:s15+$0x6000] =	vst v1  }
0x42: {  	[tilespmem:s15+$0x6080] =	vst v1  }
0x43: {  	[tilespmem:s15+$0x6100] =	vst v1  }
0x44: {  	[tilespmem:s15+$0x6180] =	vst v1  }
0x45: {  	[tilespmem:s15+$0x6200] =	vst v1  }
0x46: {  	[tilespmem:s15+$0x6280] =	vst v1  }
0x47: {  	[tilespmem:s15+$0x6300] =	vst v1  }
0x48: {  	[tilespmem:s15+$0x6380] =	vst v1;
	s15 =	simm.s32 $0x0  }
0x49: {  	v2 =	vld.idx.msk [tilespmem:v0+s15+$0x0], $0xffff;
	_ =	sdelay $0x4  }
0x4a: {  	v5 =	vshll.u32 v2, $0x3  }
0x4b: {  	v2 =	vand.u32 $0x7F, v2;
	v5 =	vand.u32 $0xFFFFFC00, v5  }
0x4c: {  	v2 =	vor.u32 v2, v5;
	v5 =	vld [tilespmem:$0x1FFC0];
	_ =	sdelay $0x7  }
0x4d: {  	v2 =	vadd.s32 v3, v2;
	v5 =	vld.idx.msk [tilespmem:v5+s15+$0x0], $0xffff;
	_ =	sdelay $0x4  }
0x4e: {  	[tilespmem:v2+s10+$0x0] =	vst.idx.add.f32.msk $0xffff, v5  }
0x4f: {  	v2 =	vld.idx.msk [tilespmem:v4+s15+$0x0], $0xffff;
	_ =	sdelay $0x4  }
0x50: {  	v5 =	vshll.u32 v2, $0x3  }
0x51: {  	v2 =	vand.u32 $0x7F, v2;
	v5 =	vand.u32 $0xFFFFFC00, v5  }
0x52: {  	v2 =	vor.u32 v2, v5;
	v5 =	vld [tilespmem:$0x1FFD0];
	_ =	sdelay $0x7  }
0x53: {  	v2 =	vadd.s32 v3, v2;
	v5 =	vld.idx.msk [tilespmem:v5+s15+$0x0], $0xffff;
	_ =	sdelay $0x4  }
0x54: {  	[tilespmem:v2+s10+$0x0] =	vst.idx.add.f32.msk $0xffff, v5  }
0x55: {  	v2 =	vld.idx.msk [tilespmem:v6+s15+$0x0], $0xffff;
	_ =	sdelay $0x4  }
0x56: {  	v5 =	vshll.u32 v2, $0x3  }
0x57: {  	v2 =	vand.u32 $0x7F, v2;
	v5 =	vand.u32 $0xFFFFFC00, v5  }
0x58: {  	v2 =	vor.u32 v2, v5;
	v5 =	vld [tilespmem:$0x1FFE0];
	_ =	sdelay $0x7  }
0x59: {  	v2 =	vadd.s32 v3, v2;
	v5 =	vld.idx.msk [tilespmem:v5+s15+$0x0], $0xffff;
	_ =	sdelay $0x4  }
0x5a: {  	[tilespmem:v2+s10+$0x0] =	vst.idx.add.f32.msk $0xffff, v5  }
0x5b: {  	v2 =	vld.idx.msk [tilespmem:v8+s15+$0x0], $0xffff;
	_ =	sdelay $0x4  }
0x5c: {  	v5 =	vshll.u32 v2, $0x3  }
0x5d: {  	v2 =	vand.u32 $0x7F, v2;
	v5 =	vand.u32 $0xFFFFFC00, v5  }
0x5e: {  	v2 =	vor.u32 v2, v5;
	v5 =	vld [tilespmem:$0x1FFF0];
	_ =	sdelay $0x7  }
0x5f: {  	v2 =	vadd.s32 v3, v2;
	v5 =	vld.idx.msk [tilespmem:v5+s15+$0x0], $0xffff;
	_ =	sdelay $0x4  }
0x60: {  	[tilespmem:v2+s10+$0x0] =	vst.idx.add.f32.msk $0xffff, v5  }
0x61: {  	v2 =	vld.idx.msk [tilespmem:v10+s15+$0x0], $0xffff;
	_ =	sdelay $0x4  }
0x62: {  	v5 =	vshll.u32 v2, $0x3  }
0x63: {  	v2 =	vand.u32 $0x7F, v2;
	v5 =	vand.u32 $0xFFFFFC00, v5  }
0x64: {  	v2 =	vor.u32 v2, v5  }
0x65: {  	v5 =	vld.idx.msk [tilespmem:v11+s15+$0x0], $0xffff;
	v2 =	vadd.s32 v3, v2;
	_ =	sdelay $0x4  }
0x66: {  	[tilespmem:v2+s10+$0x0] =	vst.idx.add.f32.msk $0xffff, v5  }
0x67: {  	v2 =	vld.idx.msk [tilespmem:v12+s15+$0x0], $0xffff;
	_ =	sdelay $0x4  }
0x68: {  	v5 =	vshll.u32 v2, $0x3  }
0x69: {  	v2 =	vand.u32 $0x7F, v2;
	v5 =	vand.u32 $0xFFFFFC00, v5  }
0x6a: {  	v2 =	vor.u32 v2, v5  }
0x6b: {  	v5 =	vld.idx.msk [tilespmem:v13+s15+$0x0], $0xffff;
	v2 =	vadd.s32 v3, v2;
	_ =	sdelay $0x4  }
0x6c: {  	[tilespmem:v2+s10+$0x0] =	vst.idx.add.f32.msk $0xffff, v5  }
0x6d: {  	v2 =	vld.idx.msk [tilespmem:v14+s15+$0x0], $0xffff;
	_ =	sdelay $0x4  }
0x6e: {  	v5 =	vshll.u32 v2, $0x3  }
0x6f: {  	v2 =	vand.u32 $0x7F, v2;
	v5 =	vand.u32 $0xFFFFFC00, v5  }
0x70: {  	v2 =	vor.u32 v2, v5  }
0x71: {  	v5 =	vld.idx.msk [tilespmem:v15+s15+$0x0], $0xffff;
	v2 =	vadd.s32 v3, v2;
	_ =	sdelay $0x4  }
0x72: {  	[tilespmem:v2+s10+$0x0] =	vst.idx.add.f32.msk $0xffff, v5  }
0x73: {  	v2 =	vld.idx.msk [tilespmem:v16+s15+$0x0], $0xffff;
	_ =	sdelay $0x4  }
0x74: {  	v5 =	vshll.u32 v2, $0x3  }
0x75: {  	v2 =	vand.u32 $0x7F, v2;
	v5 =	vand.u32 $0xFFFFFC00, v5  }
0x76: {  	v2 =	vor.u32 v2, v5  }
0x77: {  	v5 =	vld.idx.msk [tilespmem:v17+s15+$0x0], $0xffff;
	v2 =	vadd.s32 v3, v2;
	_ =	sdelay $0x4  }
0x78: {  	[tilespmem:v2+s10+$0x0] =	vst.idx.add.f32.msk $0xffff, v5  }
0x79: {  	v2 =	vld.idx.msk [tilespmem:v18+s15+$0x0], $0xffff;
	_ =	sdelay $0x4  }
0x7a: {  	v5 =	vshll.u32 v2, $0x3  }
0x7b: {  	v2 =	vand.u32 $0x7F, v2;
	v5 =	vand.u32 $0xFFFFFC00, v5  }
0x7c: {  	v2 =	vor.u32 v2, v5  }
0x7d: {  	v5 =	vld.idx.msk [tilespmem:v19+s15+$0x0], $0xffff;
	v2 =	vadd.s32 v3, v2;
	_ =	sdelay $0x4  }
0x7e: {  	[tilespmem:v2+s10+$0x0] =	vst.idx.add.f32.msk $0xffff, v5  }
0x7f: {  	v2 =	vld.idx.msk [tilespmem:v20+s15+$0x0], $0xffff;
	_ =	sdelay $0x4  }
0x80: {  	v5 =	vshll.u32 v2, $0x3  }
0x81: {  	v2 =	vand.u32 $0x7F, v2;
	v5 =	vand.u32 $0xFFFFFC00, v5  }
0x82: {  	v2 =	vor.u32 v2, v5  }
0x83: {  	v5 =	vld.idx.msk [tilespmem:v21+s15+$0x0], $0xffff;
	v2 =	vadd.s32 v3, v2;
	_ =	sdelay $0x4  }
0x84: {  	[tilespmem:v2+s10+$0x0] =	vst.idx.add.f32.msk $0xffff, v5  }
0x85: {  	v2 =	vld.idx.msk [tilespmem:v22+s15+$0x0], $0xffff;
	_ =	sdelay $0x4  }
0x86: {  	v5 =	vshll.u32 v2, $0x3  }
0x87: {  	v2 =	vand.u32 $0x7F, v2;
	v5 =	vand.u32 $0xFFFFFC00, v5  }
0x88: {  	v2 =	vor.u32 v2, v5  }
0x89: {  	v5 =	vld.idx.msk [tilespmem:v23+s15+$0x0], $0xffff;
	v2 =	vadd.s32 v3, v2;
	_ =	sdelay $0x4  }
0x8a: {  	[tilespmem:v2+s10+$0x0] =	vst.idx.add.f32.msk $0xffff, v5  }
0x8b: {  	v2 =	vld.idx.msk [tilespmem:v24+s15+$0x0], $0xffff;
	_ =	sdelay $0x4  }
0x8c: {  	v5 =	vshll.u32 v2, $0x3  }
0x8d: {  	v2 =	vand.u32 $0x7F, v2;
	v5 =	vand.u32 $0xFFFFFC00, v5  }
0x8e: {  	v2 =	vor.u32 v2, v5  }
0x8f: {  	v5 =	vld.idx.msk [tilespmem:v25+s15+$0x0], $0xffff;
	v2 =	vadd.s32 v3, v2;
	_ =	sdelay $0x4  }
0x90: {  	[tilespmem:v2+s10+$0x0] =	vst.idx.add.f32.msk $0xffff, v5  }
0x91: {  	v2 =	vld.idx.msk [tilespmem:v26+s15+$0x0], $0xffff;
	_ =	sdelay $0x4  }
0x92: {  	v5 =	vshll.u32 v2, $0x3  }
0x93: {  	v2 =	vand.u32 $0x7F, v2;
	v5 =	vand.u32 $0xFFFFFC00, v5  }
0x94: {  	v2 =	vor.u32 v2, v5  }
0x95: {  	v5 =	vld.idx.msk [tilespmem:v27+s15+$0x0], $0xffff;
	v2 =	vadd.s32 v3, v2;
	_ =	sdelay $0x4  }
0x96: {  	[tilespmem:v2+s10+$0x0] =	vst.idx.add.f32.msk $0xffff, v5  }
0x97: {  	v2 =	vld.idx.msk [tilespmem:v28+s15+$0x0], $0xffff;
	_ =	sdelay $0x4  }
0x98: {  	v5 =	vshll.u32 v2, $0x3  }
0x99: {  	v2 =	vand.u32 $0x7F, v2;
	v5 =	vand.u32 $0xFFFFFC00, v5  }
0x9a: {  	v2 =	vor.u32 v2, v5  }
0x9b: {  	v5 =	vld.idx.msk [tilespmem:v29+s15+$0x0], $0xffff;
	v2 =	vadd.s32 v3, v2;
	_ =	sdelay $0x4  }
0x9c: {  	[tilespmem:v2+s10+$0x0] =	vst.idx.add.f32.msk $0xffff, v5  }
0x9d: {  	v2 =	vld.idx.msk [tilespmem:v30+s15+$0x0], $0xffff;
	_ =	sdelay $0x4  }
0x9e: {  	v5 =	vshll.u32 v2, $0x3  }
0x9f: {  	v2 =	vand.u32 $0x7F, v2;
	v5 =	vand.u32 $0xFFFFFC00, v5  }
0xa0: {  	v2 =	vor.u32 v2, v5  }
0xa1: {  	v5 =	vld.idx.msk [tilespmem:v31+s15+$0x0], $0xffff;
	v2 =	vadd.s32 v3, v2;
	_ =	sdelay $0x4  }
0xa2: {  	[tilespmem:v2+s10+$0x0] =	vst.idx.add.f32.msk $0xffff, v5  }
0xa3: {  	v2 =	vld.idx.msk [tilespmem:v32+s15+$0x0], $0xffff;
	_ =	sdelay $0x4  }
0xa4: {  	v5 =	vshll.u32 v2, $0x3  }
0xa5: {  	v2 =	vand.u32 $0x7F, v2;
	v5 =	vand.u32 $0xFFFFFC00, v5  }
0xa6: {  	v2 =	vor.u32 v2, v5  }
0xa7: {  	v5 =	vld.idx.msk [tilespmem:v33+s15+$0x0], $0xffff;
	v2 =	vadd.s32 v3, v2;
	_ =	sdelay $0x3  }
0xa8: {  	s30 =	sand.u32 $0x70, s15;
	s31 =	sand.u32 $0x3C00, s15  }
0xa9: {  	s16 =	sor.u32 s30, s31;
	[tilespmem:v2+s10+$0x0] =	vst.idx.add.f32.msk $0xffff, v5  }
0xaa: {  	[hbm4b:s4+s15] =	stream.linear.scatter [tilespmem:s10], [sflag:$0x1], $0x8000, $0x38;
	[tilespmem:$0x12000] =	vst v63  }
0xab: {  	[tilespmem:s16+$0xA080] =	vst v1  }
0xac: {  	[tilespmem:s16+$0xA100] =	vst v1  }
0xad: {  	[tilespmem:s16+$0xA180] =	vst v1  }
0xae: {  	s18 =	simm.s32 $0x0;
	s17 =	simm.s32 $0x10;
	s19 =	sand.u32 $0x7, s15;
	[tilespmem:s16+$0xA200] =	vst v1  }
.LBB2_4:
0xaf: {  	p0 =	sne.s32 s17, $0x7F0;
	s19 =	sshll.u32 s19, $0x4;
	[tilespmem:s16+$0xA280] =	vst v1  }
0xb0: {  	s19 =	sadd.s32 s19, s15;
	[tilespmem:s16+$0xA300] =	vst v1  }
0xb1: {  	[tilespmem:s16+$0xA000] =	vst v1;
	s19 =	sor.u32 $0x380, s19  }
0xb2: {  	[tilespmem:s19+$0xA000] =	vst v1  }
0xb3: {  	[tilespmem:s16+$0xE000] =	vst v1  }
0xb4: {  	[tilespmem:s16+$0xE080] =	vst v1  }
0xb5: {  	[tilespmem:s16+$0xE100] =	vst v1  }
0xb6: {  	[tilespmem:s16+$0xE180] =	vst v1  }
0xb7: {  	[tilespmem:s16+$0xE200] =	vst v1  }
0xb8: {  	s15 =	sadd.s32 $0x80, s15;
	[tilespmem:s16+$0xE280] =	vst v1  }
0xb9: {  	s20 =	sand.u32 $0x3C00, s15;
	s19 =	sand.u32 $0x70, s17;
	[tilespmem:s16+$0xE300] =	vst v1  }
.Ltmp1:
0xba: {  	[tilespmem:s16+$0xE380] =	vst v1;
	s16 =	sor.u32 s19, s20;
	(pc) =	sbr.rel @p0 .LBB2_4-.Ltmp1, $4  }
0xbb: {  	[tilespmem:s16+$0xA080] =	vst v1  }
0xbc: {  	[tilespmem:s16+$0xA100] =	vst v1  }
0xbd: {  	s18 =	sadd.s32 $0x1, s18;
	[tilespmem:s16+$0xA180] =	vst v1  }
0xbe: {  	s17 =	sadd.s32 $0x10, s17;
	s19 =	sand.u32 $0x7, s18;
	[tilespmem:s16+$0xA200] =	vst v1  }
0xbf: {  	s17 =	sshll.u32 s19, $0x4;
	[tilespmem:s16+$0xA280] =	vst v1  }
0xc0: {  	[tilespmem:s16+$0xA300] =	vst v1;
	s15 =	sadd.s32 s17, s15  }
0xc1: {  	[tilespmem:s16+$0xA000] =	vst v1;
	s15 =	sor.u32 $0x380, s15  }
0xc2: {  	[tilespmem:s15+$0xA000] =	vst v1  }
0xc3: {  	[tilespmem:s16+$0xE000] =	vst v1  }
0xc4: {  	[tilespmem:s16+$0xE080] =	vst v1  }
0xc5: {  	[tilespmem:s16+$0xE100] =	vst v1  }
0xc6: {  	[tilespmem:s16+$0xE180] =	vst v1  }
0xc7: {  	[tilespmem:s16+$0xE200] =	vst v1  }
0xc8: {  	[tilespmem:s16+$0xE280] =	vst v1  }
0xc9: {  	[tilespmem:s16+$0xE300] =	vst v1  }
0xca: {  	[tilespmem:s16+$0xE380] =	vst v1  }
0xcb: {  	v2 =	vld.idx.msk [tilespmem:v34+s2+$0x0], $0xffff;
	_ =	sdelay $0x4  }
0xcc: {  	v5 =	vshll.u32 v2, $0x3  }
0xcd: {  	v2 =	vand.u32 $0x7F, v2;
	v5 =	vand.u32 $0xFFFFFC00, v5  }
0xce: {  	v2 =	vor.u32 v2, v5  }
0xcf: {  	v5 =	vld.idx.msk [tilespmem:v35+s2+$0x0], $0xffff;
	v2 =	vadd.s32 v3, v2;
	_ =	sdelay $0x4  }
0xd0: {  	[tilespmem:v2+s11+$0x0] =	vst.idx.add.f32.msk $0xffff, v5  }
0xd1: {  	v2 =	vld.idx.msk [tilespmem:v36+s2+$0x0], $0xffff;
	_ =	sdelay $0x4  }
0xd2: {  	v5 =	vshll.u32 v2, $0x3  }
0xd3: {  	v2 =	vand.u32 $0x7F, v2;
	v5 =	vand.u32 $0xFFFFFC00, v5  }
0xd4: {  	v2 =	vor.u32 v2, v5  }
0xd5: {  	v5 =	vld.idx.msk [tilespmem:v37+s2+$0x0], $0xffff;
	v2 =	vadd.s32 v3, v2;
	_ =	sdelay $0x4  }
0xd6: {  	[tilespmem:v2+s11+$0x0] =	vst.idx.add.f32.msk $0xffff, v5  }
0xd7: {  	v2 =	vld.idx.msk [tilespmem:v38+s2+$0x0], $0xffff;
	_ =	sdelay $0x4  }
0xd8: {  	v5 =	vshll.u32 v2, $0x3  }
0xd9: {  	v2 =	vand.u32 $0x7F, v2;
	v5 =	vand.u32 $0xFFFFFC00, v5  }
0xda: {  	v2 =	vor.u32 v2, v5  }
0xdb: {  	v5 =	vld.idx.msk [tilespmem:v39+s2+$0x0], $0xffff;
	v2 =	vadd.s32 v3, v2;
	_ =	sdelay $0x4  }
0xdc: {  	[tilespmem:v2+s11+$0x0] =	vst.idx.add.f32.msk $0xffff, v5  }
0xdd: {  	v2 =	vld.idx.msk [tilespmem:v40+s2+$0x0], $0xffff;
	_ =	sdelay $0x4  }
0xde: {  	v5 =	vshll.u32 v2, $0x3  }
0xdf: {  	v2 =	vand.u32 $0x7F, v2;
	v5 =	vand.u32 $0xFFFFFC00, v5  }
0xe0: {  	v2 =	vor.u32 v2, v5  }
0xe1: {  	v5 =	vld.idx.msk [tilespmem:v41+s2+$0x0], $0xffff;
	v2 =	vadd.s32 v3, v2;
	_ =	sdelay $0x4  }
0xe2: {  	[tilespmem:v2+s11+$0x0] =	vst.idx.add.f32.msk $0xffff, v5  }
0xe3: {  	v2 =	vld.idx.msk [tilespmem:v42+s2+$0x0], $0xffff;
	_ =	sdelay $0x4  }
0xe4: {  	v5 =	vshll.u32 v2, $0x3  }
0xe5: {  	v2 =	vand.u32 $0x7F, v2;
	v5 =	vand.u32 $0xFFFFFC00, v5  }
0xe6: {  	v2 =	vor.u32 v2, v5  }
0xe7: {  	v5 =	vld.idx.msk [tilespmem:v43+s2+$0x0], $0xffff;
	v2 =	vadd.s32 v3, v2;
	_ =	sdelay $0x4  }
0xe8: {  	[tilespmem:v2+s11+$0x0] =	vst.idx.add.f32.msk $0xffff, v5  }
0xe9: {  	v2 =	vld.idx.msk [tilespmem:v44+s2+$0x0], $0xffff;
	_ =	sdelay $0x4  }
0xea: {  	v5 =	vshll.u32 v2, $0x3  }
0xeb: {  	v2 =	vand.u32 $0x7F, v2;
	v5 =	vand.u32 $0xFFFFFC00, v5  }
0xec: {  	v2 =	vor.u32 v2, v5  }
0xed: {  	v5 =	vld.idx.msk [tilespmem:v45+s2+$0x0], $0xffff;
	v2 =	vadd.s32 v3, v2;
	_ =	sdelay $0x4  }
0xee: {  	[tilespmem:v2+s11+$0x0] =	vst.idx.add.f32.msk $0xffff, v5  }
0xef: {  	v2 =	vld.idx.msk [tilespmem:v46+s2+$0x0], $0xffff;
	_ =	sdelay $0x4  }
0xf0: {  	v5 =	vshll.u32 v2, $0x3  }
0xf1: {  	v2 =	vand.u32 $0x7F, v2;
	v5 =	vand.u32 $0xFFFFFC00, v5  }
0xf2: {  	v2 =	vor.u32 v2, v5  }
0xf3: {  	v5 =	vld.idx.msk [tilespmem:v47+s2+$0x0], $0xffff;
	v2 =	vadd.s32 v3, v2;
	_ =	sdelay $0x4  }
0xf4: {  	[tilespmem:v2+s11+$0x0] =	vst.idx.add.f32.msk $0xffff, v5  }
0xf5: {  	v2 =	vld.idx.msk [tilespmem:v48+s2+$0x0], $0xffff;
	_ =	sdelay $0x4  }
0xf6: {  	v5 =	vshll.u32 v2, $0x3  }
0xf7: {  	v2 =	vand.u32 $0x7F, v2;
	v5 =	vand.u32 $0xFFFFFC00, v5  }
0xf8: {  	v2 =	vor.u32 v2, v5  }
0xf9: {  	v5 =	vld.idx.msk [tilespmem:v49+s2+$0x0], $0xffff;
	v2 =	vadd.s32 v3, v2;
	_ =	sdelay $0x4  }
0xfa: {  	[tilespmem:v2+s11+$0x0] =	vst.idx.add.f32.msk $0xffff, v5  }
0xfb: {  	v2 =	vld.idx.msk [tilespmem:v50+s2+$0x0], $0xffff;
	_ =	sdelay $0x4  }
0xfc: {  	v5 =	vshll.u32 v2, $0x3  }
0xfd: {  	v2 =	vand.u32 $0x7F, v2;
	v5 =	vand.u32 $0xFFFFFC00, v5  }
0xfe: {  	v2 =	vor.u32 v2, v5  }
0xff: {  	v5 =	vld.idx.msk [tilespmem:v51+s2+$0x0], $0xffff;
	v2 =	vadd.s32 v3, v2;
	_ =	sdelay $0x4  }
0x100: {  	[tilespmem:v2+s11+$0x0] =	vst.idx.add.f32.msk $0xffff, v5  }
0x101: {  	v2 =	vld.idx.msk [tilespmem:v52+s2+$0x0], $0xffff;
	_ =	sdelay $0x4  }
0x102: {  	v5 =	vshll.u32 v2, $0x3  }
0x103: {  	v2 =	vand.u32 $0x7F, v2;
	v5 =	vand.u32 $0xFFFFFC00, v5  }
0x104: {  	v2 =	vor.u32 v2, v5  }
0x105: {  	v5 =	vld.idx.msk [tilespmem:v53+s2+$0x0], $0xffff;
	v2 =	vadd.s32 v3, v2;
	_ =	sdelay $0x4  }
0x106: {  	[tilespmem:v2+s11+$0x0] =	vst.idx.add.f32.msk $0xffff, v5  }
0x107: {  	v2 =	vld.idx.msk [tilespmem:v54+s2+$0x0], $0xffff;
	_ =	sdelay $0x4  }
0x108: {  	v5 =	vshll.u32 v2, $0x3  }
0x109: {  	v2 =	vand.u32 $0x7F, v2;
	v5 =	vand.u32 $0xFFFFFC00, v5  }
0x10a: {  	v2 =	vor.u32 v2, v5  }
0x10b: {  	v5 =	vld.idx.msk [tilespmem:v55+s2+$0x0], $0xffff;
	v2 =	vadd.s32 v3, v2;
	_ =	sdelay $0x4  }
0x10c: {  	[tilespmem:v2+s11+$0x0] =	vst.idx.add.f32.msk $0xffff, v5  }
0x10d: {  	v2 =	vld.idx.msk [tilespmem:v56+s2+$0x0], $0xffff;
	_ =	sdelay $0x4  }
0x10e: {  	v5 =	vshll.u32 v2, $0x3  }
0x10f: {  	v2 =	vand.u32 $0x7F, v2;
	v5 =	vand.u32 $0xFFFFFC00, v5  }
0x110: {  	v2 =	vor.u32 v2, v5  }
0x111: {  	v5 =	vld.idx.msk [tilespmem:v57+s2+$0x0], $0xffff;
	v2 =	vadd.s32 v3, v2;
	_ =	sdelay $0x4  }
0x112: {  	[tilespmem:v2+s11+$0x0] =	vst.idx.add.f32.msk $0xffff, v5  }
0x113: {  	v2 =	vld.idx.msk [tilespmem:v58+s2+$0x0], $0xffff;
	_ =	sdelay $0x4  }
0x114: {  	v5 =	vshll.u32 v2, $0x3  }
0x115: {  	v2 =	vand.u32 $0x7F, v2;
	v5 =	vand.u32 $0xFFFFFC00, v5  }
0x116: {  	v2 =	vor.u32 v2, v5  }
0x117: {  	v5 =	vld.idx.msk [tilespmem:v59+s2+$0x0], $0xffff;
	v2 =	vadd.s32 v3, v2;
	_ =	sdelay $0x4  }
0x118: {  	[tilespmem:v2+s11+$0x0] =	vst.idx.add.f32.msk $0xffff, v5  }
0x119: {  	v2 =	vld.idx.msk [tilespmem:v60+s2+$0x0], $0xffff;
	_ =	sdelay $0x4  }
0x11a: {  	v5 =	vshll.u32 v2, $0x3  }
0x11b: {  	v2 =	vand.u32 $0x7F, v2;
	v5 =	vand.u32 $0xFFFFFC00, v5  }
0x11c: {  	v2 =	vor.u32 v2, v5  }
0x11d: {  	v5 =	vld.idx.msk [tilespmem:v61+s2+$0x0], $0xffff;
	v2 =	vadd.s32 v3, v2;
	_ =	sdelay $0x4  }
0x11e: {  	[tilespmem:v2+s11+$0x0] =	vst.idx.add.f32.msk $0xffff, v5  }
0x11f: {  	v2 =	vld.idx.msk [tilespmem:v62+s2+$0x0], $0xffff;
	_ =	sdelay $0x4  }
0x120: {  	v5 =	vshll.u32 v2, $0x3  }
0x121: {  	v2 =	vand.u32 $0x7F, v2;
	v5 =	vand.u32 $0xFFFFFC00, v5  }
0x122: {  	v2 =	vor.u32 v2, v5  }
0x123: {  	v5 =	vld.idx.msk [tilespmem:v63+s2+$0x0], $0xffff;
	v7 =	vadd.s32 v3, v2  }
0x124: {  	v2 =	vor.u32 $0x80F, v0;
	_ =	sdelay $0x3  }
0x125: {  	[tilespmem:v7+s11+$0x0] =	vst.idx.add.f32.msk $0xffff, v5  }
0x126: {  	v5 =	vld.idx.msk [tilespmem:v2+s2+$0x0], $0xffff;
	_ =	sdelay $0x2  }
0x127: {  	v7 =	vor.u32 $0x81F, v0;
	_ =	sdelay $0x1  }
0x128: {  	v9 =	vshll.u32 v5, $0x3  }
0x129: {  	v5 =	vand.u32 $0x7F, v5;
	v9 =	vand.u32 $0xFFFFFC00, v9  }
0x12a: {  	v5 =	vor.u32 v5, v9  }
0x12b: {  	v7 =	vld.idx.msk [tilespmem:v7+s2+$0x0], $0xffff;
	v5 =	vadd.s32 v3, v5;
	_ =	sdelay $0x4  }
0x12c: {  	[tilespmem:v5+s11+$0x0] =	vst.idx.add.f32.msk $0xffff, v7  }
0x12d: {  	[hbm4b:s5+s2] =	stream.linear.scatter [tilespmem:s11], [sflag:$0x2], $0x8000, $0x38;
	[tilespmem:$0x12000] =	vst v63  }
0x12e: {  	_ =	swait.ge [sflag:s12], $0x8000  }
0x12f: {  	[sflag:s12] =	ssyncset.done $0x0  }
0x130: {  	[sflag:s12] =	ssyncadd.s32 $0xFFFF8000  }
0x131: {  	v5 =	vld.idx.msk [tilespmem:v0+s2+$0x0], $0xffff;
	_ =	sdelay $0x4  }
0x132: {  	v7 =	vshll.u32 v5, $0x3  }
0x133: {  	v5 =	vand.u32 $0x7F, v5;
	v7 =	vand.u32 $0xFFFFFC00, v7  }
0x134: {  	v5 =	vor.u32 v5, v7  }
0x135: {  	v5 =	vadd.s32 v3, v5;
	_ =	sdelay $0x4  }
0x136: {  	[tilespmem:v5+s10+$0x0] =	vst.idx.msk $0xffff, v1  }
0x137: {  	v5 =	vld.idx.msk [tilespmem:v4+s2+$0x0], $0xffff;
	_ =	sdelay $0x4  }
0x138: {  	v7 =	vshll.u32 v5, $0x3  }
0x139: {  	v5 =	vand.u32 $0x7F, v5;
	v7 =	vand.u32 $0xFFFFFC00, v7  }
0x13a: {  	v5 =	vor.u32 v5, v7  }
0x13b: {  	v5 =	vadd.s32 v3, v5;
	_ =	sdelay $0x4  }
0x13c: {  	[tilespmem:v5+s10+$0x0] =	vst.idx.msk $0xffff, v1  }
0x13d: {  	v5 =	vld.idx.msk [tilespmem:v6+s2+$0x0], $0xffff;
	_ =	sdelay $0x4  }
0x13e: {  	v7 =	vshll.u32 v5, $0x3  }
0x13f: {  	v5 =	vand.u32 $0x7F, v5;
	v7 =	vand.u32 $0xFFFFFC00, v7  }
0x140: {  	v5 =	vor.u32 v5, v7  }
0x141: {  	v5 =	vadd.s32 v3, v5;
	_ =	sdelay $0x4  }
0x142: {  	[tilespmem:v5+s10+$0x0] =	vst.idx.msk $0xffff, v1  }
0x143: {  	v5 =	vld.idx.msk [tilespmem:v8+s2+$0x0], $0xffff;
	_ =	sdelay $0x4  }
0x144: {  	v7 =	vshll.u32 v5, $0x3  }
0x145: {  	v5 =	vand.u32 $0x7F, v5;
	v7 =	vand.u32 $0xFFFFFC00, v7  }
0x146: {  	v5 =	vor.u32 v5, v7  }
0x147: {  	v5 =	vadd.s32 v3, v5;
	_ =	sdelay $0x4  }
0x148: {  	[tilespmem:v5+s10+$0x0] =	vst.idx.msk $0xffff, v1  }
0x149: {  	v5 =	vld.idx.msk [tilespmem:v10+s2+$0x0], $0xffff;
	_ =	sdelay $0x4  }
0x14a: {  	v7 =	vshll.u32 v5, $0x3  }
0x14b: {  	v5 =	vand.u32 $0x7F, v5;
	v7 =	vand.u32 $0xFFFFFC00, v7  }
0x14c: {  	v5 =	vor.u32 v5, v7  }
0x14d: {  	v5 =	vadd.s32 v3, v5;
	_ =	sdelay $0x4  }
0x14e: {  	[tilespmem:v5+s10+$0x0] =	vst.idx.msk $0xffff, v1  }
0x14f: {  	v5 =	vld.idx.msk [tilespmem:v12+s2+$0x0], $0xffff;
	_ =	sdelay $0x4  }
0x150: {  	v7 =	vshll.u32 v5, $0x3  }
0x151: {  	v5 =	vand.u32 $0x7F, v5;
	v7 =	vand.u32 $0xFFFFFC00, v7  }
0x152: {  	v5 =	vor.u32 v5, v7  }
0x153: {  	v5 =	vadd.s32 v3, v5;
	_ =	sdelay $0x4  }
0x154: {  	[tilespmem:v5+s10+$0x0] =	vst.idx.msk $0xffff, v1  }
0x155: {  	v5 =	vld.idx.msk [tilespmem:v14+s2+$0x0], $0xffff;
	_ =	sdelay $0x4  }
0x156: {  	v7 =	vshll.u32 v5, $0x3  }
0x157: {  	v5 =	vand.u32 $0x7F, v5;
	v7 =	vand.u32 $0xFFFFFC00, v7  }
0x158: {  	v5 =	vor.u32 v5, v7  }
0x159: {  	v5 =	vadd.s32 v3, v5;
	_ =	sdelay $0x4  }
0x15a: {  	[tilespmem:v5+s10+$0x0] =	vst.idx.msk $0xffff, v1  }
0x15b: {  	v5 =	vld.idx.msk [tilespmem:v16+s2+$0x0], $0xffff;
	_ =	sdelay $0x4  }
0x15c: {  	v7 =	vshll.u32 v5, $0x3  }
0x15d: {  	v5 =	vand.u32 $0x7F, v5;
	v7 =	vand.u32 $0xFFFFFC00, v7  }
0x15e: {  	v5 =	vor.u32 v5, v7  }
0x15f: {  	v5 =	vadd.s32 v3, v5;
	_ =	sdelay $0x4  }
0x160: {  	[tilespmem:v5+s10+$0x0] =	vst.idx.msk $0xffff, v1  }
0x161: {  	v5 =	vld.idx.msk [tilespmem:v18+s2+$0x0], $0xffff;
	_ =	sdelay $0x4  }
0x162: {  	v7 =	vshll.u32 v5, $0x3  }
0x163: {  	v5 =	vand.u32 $0x7F, v5;
	v7 =	vand.u32 $0xFFFFFC00, v7  }
0x164: {  	v5 =	vor.u32 v5, v7  }
0x165: {  	v5 =	vadd.s32 v3, v5;
	_ =	sdelay $0x4  }
0x166: {  	[tilespmem:v5+s10+$0x0] =	vst.idx.msk $0xffff, v1  }
0x167: {  	v5 =	vld.idx.msk [tilespmem:v20+s2+$0x0], $0xffff;
	_ =	sdelay $0x4  }
0x168: {  	v7 =	vshll.u32 v5, $0x3  }
0x169: {  	v5 =	vand.u32 $0x7F, v5;
	v7 =	vand.u32 $0xFFFFFC00, v7  }
0x16a: {  	v5 =	vor.u32 v5, v7  }
0x16b: {  	v5 =	vadd.s32 v3, v5;
	_ =	sdelay $0x4  }
0x16c: {  	[tilespmem:v5+s10+$0x0] =	vst.idx.msk $0xffff, v1  }
0x16d: {  	v5 =	vld.idx.msk [tilespmem:v22+s2+$0x0], $0xffff;
	_ =	sdelay $0x4  }
0x16e: {  	v7 =	vshll.u32 v5, $0x3  }
0x16f: {  	v5 =	vand.u32 $0x7F, v5;
	v7 =	vand.u32 $0xFFFFFC00, v7  }
0x170: {  	v5 =	vor.u32 v5, v7  }
0x171: {  	v5 =	vadd.s32 v3, v5;
	_ =	sdelay $0x4  }
0x172: {  	[tilespmem:v5+s10+$0x0] =	vst.idx.msk $0xffff, v1  }
0x173: {  	v5 =	vld.idx.msk [tilespmem:v24+s2+$0x0], $0xffff;
	_ =	sdelay $0x4  }
0x174: {  	v7 =	vshll.u32 v5, $0x3  }
0x175: {  	v5 =	vand.u32 $0x7F, v5;
	v7 =	vand.u32 $0xFFFFFC00, v7  }
0x176: {  	v5 =	vor.u32 v5, v7  }
0x177: {  	v5 =	vadd.s32 v3, v5;
	_ =	sdelay $0x4  }
0x178: {  	[tilespmem:v5+s10+$0x0] =	vst.idx.msk $0xffff, v1  }
0x179: {  	v5 =	vld.idx.msk [tilespmem:v26+s2+$0x0], $0xffff;
	_ =	sdelay $0x4  }
0x17a: {  	v7 =	vshll.u32 v5, $0x3  }
0x17b: {  	v5 =	vand.u32 $0x7F, v5;
	v7 =	vand.u32 $0xFFFFFC00, v7  }
0x17c: {  	v5 =	vor.u32 v5, v7  }
0x17d: {  	v5 =	vadd.s32 v3, v5;
	_ =	sdelay $0x4  }
0x17e: {  	[tilespmem:v5+s10+$0x0] =	vst.idx.msk $0xffff, v1  }
0x17f: {  	v5 =	vld.idx.msk [tilespmem:v28+s2+$0x0], $0xffff;
	_ =	sdelay $0x4  }
0x180: {  	v7 =	vshll.u32 v5, $0x3  }
0x181: {  	v5 =	vand.u32 $0x7F, v5;
	v7 =	vand.u32 $0xFFFFFC00, v7  }
0x182: {  	v5 =	vor.u32 v5, v7  }
0x183: {  	v5 =	vadd.s32 v3, v5;
	_ =	sdelay $0x4  }
0x184: {  	[tilespmem:v5+s10+$0x0] =	vst.idx.msk $0xffff, v1  }
0x185: {  	v5 =	vld.idx.msk [tilespmem:v30+s2+$0x0], $0xffff;
	_ =	sdelay $0x4  }
0x186: {  	v7 =	vshll.u32 v5, $0x3  }
0x187: {  	v5 =	vand.u32 $0x7F, v5;
	v7 =	vand.u32 $0xFFFFFC00, v7  }
0x188: {  	v5 =	vor.u32 v5, v7  }
0x189: {  	v5 =	vadd.s32 v3, v5;
	_ =	sdelay $0x4  }
0x18a: {  	[tilespmem:v5+s10+$0x0] =	vst.idx.msk $0xffff, v1  }
0x18b: {  	v5 =	vld.idx.msk [tilespmem:v32+s2+$0x0], $0xffff;
	_ =	sdelay $0x4  }
0x18c: {  	v7 =	vshll.u32 v5, $0x3  }
0x18d: {  	v5 =	vand.u32 $0x7F, v5;
	v7 =	vand.u32 $0xFFFFFC00, v7  }
0x18e: {  	v5 =	vor.u32 v5, v7  }
0x18f: {  	v5 =	vadd.s32 v3, v5  }
0x190: {  	v7 =	vor.u32 $0x1000, v0;
	_ =	sdelay $0x3  }
0x191: {  	[tilespmem:v5+s10+$0x0] =	vst.idx.msk $0xffff, v1  }
0x192: {  	v5 =	vld.idx.msk [tilespmem:v7+s2+$0x0], $0xffff;
	_ =	sdelay $0x2  }
0x193: {  	v7 =	vor.u32 $0x1010, v0;
	_ =	sdelay $0x1  }
0x194: {  	v9 =	vshll.u32 v5, $0x3  }
0x195: {  	v5 =	vand.u32 $0x7F, v5;
	v9 =	vand.u32 $0xFFFFFC00, v9  }
0x196: {  	v5 =	vor.u32 v5, v9  }
0x197: {  	v7 =	vld.idx.msk [tilespmem:v7+s2+$0x0], $0xffff;
	v5 =	vadd.s32 v3, v5  }
0x198: {  	v9 =	vor.u32 $0x1001, v0;
	_ =	sdelay $0x3  }
0x199: {  	[tilespmem:v5+s10+$0x0] =	vst.idx.add.f32.msk $0xffff, v7  }
0x19a: {  	v5 =	vld.idx.msk [tilespmem:v9+s2+$0x0], $0xffff;
	_ =	sdelay $0x2  }
0x19b: {  	v7 =	vor.u32 $0x1011, v0;
	_ =	sdelay $0x1  }
0x19c: {  	v9 =	vshll.u32 v5, $0x3  }
0x19d: {  	v5 =	vand.u32 $0x7F, v5;
	v9 =	vand.u32 $0xFFFFFC00, v9  }
0x19e: {  	v5 =	vor.u32 v5, v9  }
0x19f: {  	v7 =	vld.idx.msk [tilespmem:v7+s2+$0x0], $0xffff;
	v5 =	vadd.s32 v3, v5  }
0x1a0: {  	v9 =	vor.u32 $0x1002, v0;
	_ =	sdelay $0x3  }
0x1a1: {  	[tilespmem:v5+s10+$0x0] =	vst.idx.add.f32.msk $0xffff, v7  }
0x1a2: {  	v5 =	vld.idx.msk [tilespmem:v9+s2+$0x0], $0xffff;
	_ =	sdelay $0x2  }
0x1a3: {  	v7 =	vor.u32 $0x1012, v0;
	_ =	sdelay $0x1  }
0x1a4: {  	v9 =	vshll.u32 v5, $0x3  }
0x1a5: {  	v5 =	vand.u32 $0x7F, v5;
	v9 =	vand.u32 $0xFFFFFC00, v9  }
0x1a6: {  	v5 =	vor.u32 v5, v9  }
0x1a7: {  	v7 =	vld.idx.msk [tilespmem:v7+s2+$0x0], $0xffff;
	v5 =	vadd.s32 v3, v5  }
0x1a8: {  	v9 =	vor.u32 $0x1003, v0;
	_ =	sdelay $0x3  }
0x1a9: {  	[tilespmem:v5+s10+$0x0] =	vst.idx.add.f32.msk $0xffff, v7  }
0x1aa: {  	v5 =	vld.idx.msk [tilespmem:v9+s2+$0x0], $0xffff;
	_ =	sdelay $0x2  }
0x1ab: {  	v7 =	vor.u32 $0x1013, v0;
	_ =	sdelay $0x1  }
0x1ac: {  	v9 =	vshll.u32 v5, $0x3  }
0x1ad: {  	v5 =	vand.u32 $0x7F, v5;
	v9 =	vand.u32 $0xFFFFFC00, v9  }
0x1ae: {  	v5 =	vor.u32 v5, v9  }
0x1af: {  	v7 =	vld.idx.msk [tilespmem:v7+s2+$0x0], $0xffff;
	v5 =	vadd.s32 v3, v5  }
0x1b0: {  	v9 =	vor.u32 $0x1004, v0;
	_ =	sdelay $0x3  }
0x1b1: {  	[tilespmem:v5+s10+$0x0] =	vst.idx.add.f32.msk $0xffff, v7  }
0x1b2: {  	v5 =	vld.idx.msk [tilespmem:v9+s2+$0x0], $0xffff;
	_ =	sdelay $0x2  }
0x1b3: {  	v7 =	vor.u32 $0x1014, v0;
	_ =	sdelay $0x1  }
0x1b4: {  	v9 =	vshll.u32 v5, $0x3  }
0x1b5: {  	v5 =	vand.u32 $0x7F, v5;
	v9 =	vand.u32 $0xFFFFFC00, v9  }
0x1b6: {  	v5 =	vor.u32 v5, v9  }
0x1b7: {  	v7 =	vld.idx.msk [tilespmem:v7+s2+$0x0], $0xffff;
	v5 =	vadd.s32 v3, v5  }
0x1b8: {  	v9 =	vor.u32 $0x1005, v0;
	_ =	sdelay $0x3  }
0x1b9: {  	[tilespmem:v5+s10+$0x0] =	vst.idx.add.f32.msk $0xffff, v7  }
0x1ba: {  	v5 =	vld.idx.msk [tilespmem:v9+s2+$0x0], $0xffff;
	_ =	sdelay $0x2  }
0x1bb: {  	v7 =	vor.u32 $0x1015, v0;
	_ =	sdelay $0x1  }
0x1bc: {  	v9 =	vshll.u32 v5, $0x3  }
0x1bd: {  	v5 =	vand.u32 $0x7F, v5;
	v9 =	vand.u32 $0xFFFFFC00, v9  }
0x1be: {  	v5 =	vor.u32 v5, v9  }
0x1bf: {  	v7 =	vld.idx.msk [tilespmem:v7+s2+$0x0], $0xffff;
	v5 =	vadd.s32 v3, v5  }
0x1c0: {  	v9 =	vor.u32 $0x1006, v0;
	_ =	sdelay $0x3  }
0x1c1: {  	[tilespmem:v5+s10+$0x0] =	vst.idx.add.f32.msk $0xffff, v7  }
0x1c2: {  	v5 =	vld.idx.msk [tilespmem:v9+s2+$0x0], $0xffff;
	_ =	sdelay $0x2  }
0x1c3: {  	v7 =	vor.u32 $0x1016, v0;
	_ =	sdelay $0x1  }
0x1c4: {  	v9 =	vshll.u32 v5, $0x3  }
0x1c5: {  	v5 =	vand.u32 $0x7F, v5;
	v9 =	vand.u32 $0xFFFFFC00, v9  }
0x1c6: {  	v5 =	vor.u32 v5, v9  }
0x1c7: {  	v7 =	vld.idx.msk [tilespmem:v7+s2+$0x0], $0xffff;
	v5 =	vadd.s32 v3, v5  }
0x1c8: {  	v9 =	vor.u32 $0x1007, v0;
	_ =	sdelay $0x3  }
0x1c9: {  	[tilespmem:v5+s10+$0x0] =	vst.idx.add.f32.msk $0xffff, v7  }
0x1ca: {  	v5 =	vld.idx.msk [tilespmem:v9+s2+$0x0], $0xffff;
	_ =	sdelay $0x2  }
0x1cb: {  	v7 =	vor.u32 $0x1017, v0;
	_ =	sdelay $0x1  }
0x1cc: {  	v9 =	vshll.u32 v5, $0x3  }
0x1cd: {  	v5 =	vand.u32 $0x7F, v5;
	v9 =	vand.u32 $0xFFFFFC00, v9  }
0x1ce: {  	v5 =	vor.u32 v5, v9  }
0x1cf: {  	v7 =	vld.idx.msk [tilespmem:v7+s2+$0x0], $0xffff;
	v5 =	vadd.s32 v3, v5  }
0x1d0: {  	v9 =	vor.u32 $0x1008, v0;
	_ =	sdelay $0x3  }
0x1d1: {  	[tilespmem:v5+s10+$0x0] =	vst.idx.add.f32.msk $0xffff, v7  }
0x1d2: {  	v5 =	vld.idx.msk [tilespmem:v9+s2+$0x0], $0xffff;
	_ =	sdelay $0x2  }
0x1d3: {  	v7 =	vor.u32 $0x1018, v0;
	_ =	sdelay $0x1  }
0x1d4: {  	v9 =	vshll.u32 v5, $0x3  }
0x1d5: {  	v5 =	vand.u32 $0x7F, v5;
	v9 =	vand.u32 $0xFFFFFC00, v9  }
0x1d6: {  	v5 =	vor.u32 v5, v9  }
0x1d7: {  	v7 =	vld.idx.msk [tilespmem:v7+s2+$0x0], $0xffff;
	v5 =	vadd.s32 v3, v5  }
0x1d8: {  	v9 =	vor.u32 $0x1009, v0;
	_ =	sdelay $0x3  }
0x1d9: {  	[tilespmem:v5+s10+$0x0] =	vst.idx.add.f32.msk $0xffff, v7  }
0x1da: {  	v5 =	vld.idx.msk [tilespmem:v9+s2+$0x0], $0xffff;
	_ =	sdelay $0x2  }
0x1db: {  	v7 =	vor.u32 $0x1019, v0;
	_ =	sdelay $0x1  }
0x1dc: {  	v9 =	vshll.u32 v5, $0x3  }
0x1dd: {  	v5 =	vand.u32 $0x7F, v5;
	v9 =	vand.u32 $0xFFFFFC00, v9  }
0x1de: {  	v5 =	vor.u32 v5, v9  }
0x1df: {  	v7 =	vld.idx.msk [tilespmem:v7+s2+$0x0], $0xffff;
	v5 =	vadd.s32 v3, v5  }
0x1e0: {  	v9 =	vor.u32 $0x100A, v0;
	_ =	sdelay $0x3  }
0x1e1: {  	[tilespmem:v5+s10+$0x0] =	vst.idx.add.f32.msk $0xffff, v7  }
0x1e2: {  	v5 =	vld.idx.msk [tilespmem:v9+s2+$0x0], $0xffff;
	_ =	sdelay $0x2  }
0x1e3: {  	v7 =	vor.u32 $0x101A, v0;
	_ =	sdelay $0x1  }
0x1e4: {  	v9 =	vshll.u32 v5, $0x3  }
0x1e5: {  	v5 =	vand.u32 $0x7F, v5;
	v9 =	vand.u32 $0xFFFFFC00, v9  }
0x1e6: {  	v5 =	vor.u32 v5, v9  }
0x1e7: {  	v7 =	vld.idx.msk [tilespmem:v7+s2+$0x0], $0xffff;
	v5 =	vadd.s32 v3, v5  }
0x1e8: {  	v9 =	vor.u32 $0x100B, v0;
	_ =	sdelay $0x3  }
0x1e9: {  	[tilespmem:v5+s10+$0x0] =	vst.idx.add.f32.msk $0xffff, v7  }
0x1ea: {  	v5 =	vld.idx.msk [tilespmem:v9+s2+$0x0], $0xffff;
	_ =	sdelay $0x2  }
0x1eb: {  	v7 =	vor.u32 $0x101B, v0;
	_ =	sdelay $0x1  }
0x1ec: {  	v9 =	vshll.u32 v5, $0x3  }
0x1ed: {  	v5 =	vand.u32 $0x7F, v5;
	v9 =	vand.u32 $0xFFFFFC00, v9  }
0x1ee: {  	v5 =	vor.u32 v5, v9  }
0x1ef: {  	v7 =	vld.idx.msk [tilespmem:v7+s2+$0x0], $0xffff;
	v5 =	vadd.s32 v3, v5  }
0x1f0: {  	v9 =	vor.u32 $0x100C, v0;
	_ =	sdelay $0x3  }
0x1f1: {  	[tilespmem:v5+s10+$0x0] =	vst.idx.add.f32.msk $0xffff, v7  }
0x1f2: {  	v5 =	vld.idx.msk [tilespmem:v9+s2+$0x0], $0xffff;
	_ =	sdelay $0x2  }
0x1f3: {  	v7 =	vor.u32 $0x101C, v0;
	_ =	sdelay $0x1  }
0x1f4: {  	v9 =	vshll.u32 v5, $0x3  }
0x1f5: {  	v5 =	vand.u32 $0x7F, v5;
	v9 =	vand.u32 $0xFFFFFC00, v9  }
0x1f6: {  	v5 =	vor.u32 v5, v9  }
0x1f7: {  	v7 =	vld.idx.msk [tilespmem:v7+s2+$0x0], $0xffff;
	v5 =	vadd.s32 v3, v5  }
0x1f8: {  	v9 =	vor.u32 $0x100D, v0;
	_ =	sdelay $0x3  }
0x1f9: {  	[tilespmem:v5+s10+$0x0] =	vst.idx.add.f32.msk $0xffff, v7  }
0x1fa: {  	v5 =	vld.idx.msk [tilespmem:v9+s2+$0x0], $0xffff;
	_ =	sdelay $0x2  }
0x1fb: {  	v7 =	vor.u32 $0x101D, v0;
	_ =	sdelay $0x1  }
0x1fc: {  	v9 =	vshll.u32 v5, $0x3  }
0x1fd: {  	v5 =	vand.u32 $0x7F, v5;
	v9 =	vand.u32 $0xFFFFFC00, v9  }
0x1fe: {  	v5 =	vor.u32 v5, v9  }
0x1ff: {  	v7 =	vld.idx.msk [tilespmem:v7+s2+$0x0], $0xffff;
	v5 =	vadd.s32 v3, v5  }
0x200: {  	v9 =	vor.u32 $0x100E, v0;
	_ =	sdelay $0x3  }
0x201: {  	[tilespmem:v5+s10+$0x0] =	vst.idx.add.f32.msk $0xffff, v7  }
0x202: {  	v5 =	vld.idx.msk [tilespmem:v9+s2+$0x0], $0xffff;
	_ =	sdelay $0x2  }
0x203: {  	v7 =	vor.u32 $0x101E, v0;
	_ =	sdelay $0x1  }
0x204: {  	v9 =	vshll.u32 v5, $0x3  }
0x205: {  	v5 =	vand.u32 $0x7F, v5;
	v9 =	vand.u32 $0xFFFFFC00, v9  }
0x206: {  	v5 =	vor.u32 v5, v9  }
0x207: {  	v7 =	vld.idx.msk [tilespmem:v7+s2+$0x0], $0xffff;
	v5 =	vadd.s32 v3, v5  }
0x208: {  	v9 =	vor.u32 $0x100F, v0;
	_ =	sdelay $0x3  }
0x209: {  	[tilespmem:v5+s10+$0x0] =	vst.idx.add.f32.msk $0xffff, v7  }
0x20a: {  	v5 =	vld.idx.msk [tilespmem:v9+s2+$0x0], $0xffff;
	_ =	sdelay $0x2  }
0x20b: {  	v7 =	vor.u32 $0x101F, v0;
	_ =	sdelay $0x1  }
0x20c: {  	v9 =	vshll.u32 v5, $0x3  }
0x20d: {  	v5 =	vand.u32 $0x7F, v5;
	v9 =	vand.u32 $0xFFFFFC00, v9  }
0x20e: {  	v5 =	vor.u32 v5, v9  }
0x20f: {  	v7 =	vld.idx.msk [tilespmem:v7+s2+$0x0], $0xffff;
	v5 =	vadd.s32 v3, v5;
	_ =	sdelay $0x4  }
0x210: {  	[tilespmem:v5+s10+$0x0] =	vst.idx.add.f32.msk $0xffff, v7  }
0x211: {  	[hbm4b:s6+s2] =	stream.linear.scatter [tilespmem:s10], [sflag:$0x1], $0x8000, $0x38;
	[tilespmem:$0x12000] =	vst v63  }
0x212: {  	_ =	swait.ge [sflag:s13], $0x8000  }
0x213: {  	[sflag:s13] =	ssyncset.done $0x0  }
0x214: {  	[sflag:s13] =	ssyncadd.s32 $0xFFFF8000  }
0x215: {  	v5 =	vld.idx.msk [tilespmem:v34+s2+$0x0], $0xffff;
	_ =	sdelay $0x4  }
0x216: {  	v7 =	vshll.u32 v5, $0x3  }
0x217: {  	v5 =	vand.u32 $0x7F, v5;
	v7 =	vand.u32 $0xFFFFFC00, v7  }
0x218: {  	v5 =	vor.u32 v5, v7  }
0x219: {  	v5 =	vadd.s32 v3, v5;
	_ =	sdelay $0x4  }
0x21a: {  	[tilespmem:v5+s11+$0x0] =	vst.idx.msk $0xffff, v1  }
0x21b: {  	v5 =	vld.idx.msk [tilespmem:v36+s2+$0x0], $0xffff;
	_ =	sdelay $0x4  }
0x21c: {  	v7 =	vshll.u32 v5, $0x3  }
0x21d: {  	v5 =	vand.u32 $0x7F, v5;
	v7 =	vand.u32 $0xFFFFFC00, v7  }
0x21e: {  	v5 =	vor.u32 v5, v7  }
0x21f: {  	v5 =	vadd.s32 v3, v5;
	_ =	sdelay $0x4  }
0x220: {  	[tilespmem:v5+s11+$0x0] =	vst.idx.msk $0xffff, v1  }
0x221: {  	v5 =	vld.idx.msk [tilespmem:v38+s2+$0x0], $0xffff;
	_ =	sdelay $0x4  }
0x222: {  	v7 =	vshll.u32 v5, $0x3  }
0x223: {  	v5 =	vand.u32 $0x7F, v5;
	v7 =	vand.u32 $0xFFFFFC00, v7  }
0x224: {  	v5 =	vor.u32 v5, v7  }
0x225: {  	v5 =	vadd.s32 v3, v5;
	_ =	sdelay $0x4  }
0x226: {  	[tilespmem:v5+s11+$0x0] =	vst.idx.msk $0xffff, v1  }
0x227: {  	v5 =	vld.idx.msk [tilespmem:v40+s2+$0x0], $0xffff;
	_ =	sdelay $0x4  }
0x228: {  	v7 =	vshll.u32 v5, $0x3  }
0x229: {  	v5 =	vand.u32 $0x7F, v5;
	v7 =	vand.u32 $0xFFFFFC00, v7  }
0x22a: {  	v5 =	vor.u32 v5, v7  }
0x22b: {  	v5 =	vadd.s32 v3, v5;
	_ =	sdelay $0x4  }
0x22c: {  	[tilespmem:v5+s11+$0x0] =	vst.idx.msk $0xffff, v1  }
0x22d: {  	v5 =	vld.idx.msk [tilespmem:v42+s2+$0x0], $0xffff;
	_ =	sdelay $0x4  }
0x22e: {  	v7 =	vshll.u32 v5, $0x3  }
0x22f: {  	v5 =	vand.u32 $0x7F, v5;
	v7 =	vand.u32 $0xFFFFFC00, v7  }
0x230: {  	v5 =	vor.u32 v5, v7  }
0x231: {  	v5 =	vadd.s32 v3, v5;
	_ =	sdelay $0x4  }
0x232: {  	[tilespmem:v5+s11+$0x0] =	vst.idx.msk $0xffff, v1  }
0x233: {  	v5 =	vld.idx.msk [tilespmem:v44+s2+$0x0], $0xffff;
	_ =	sdelay $0x4  }
0x234: {  	v7 =	vshll.u32 v5, $0x3  }
0x235: {  	v5 =	vand.u32 $0x7F, v5;
	v7 =	vand.u32 $0xFFFFFC00, v7  }
0x236: {  	v5 =	vor.u32 v5, v7  }
0x237: {  	v5 =	vadd.s32 v3, v5;
	_ =	sdelay $0x4  }
0x238: {  	[tilespmem:v5+s11+$0x0] =	vst.idx.msk $0xffff, v1  }
0x239: {  	v5 =	vld.idx.msk [tilespmem:v46+s2+$0x0], $0xffff;
	_ =	sdelay $0x4  }
0x23a: {  	v7 =	vshll.u32 v5, $0x3  }
0x23b: {  	v5 =	vand.u32 $0x7F, v5;
	v7 =	vand.u32 $0xFFFFFC00, v7  }
0x23c: {  	v5 =	vor.u32 v5, v7  }
0x23d: {  	v5 =	vadd.s32 v3, v5;
	_ =	sdelay $0x4  }
0x23e: {  	[tilespmem:v5+s11+$0x0] =	vst.idx.msk $0xffff, v1  }
0x23f: {  	v5 =	vld.idx.msk [tilespmem:v48+s2+$0x0], $0xffff;
	_ =	sdelay $0x4  }
0x240: {  	v7 =	vshll.u32 v5, $0x3  }
0x241: {  	v5 =	vand.u32 $0x7F, v5;
	v7 =	vand.u32 $0xFFFFFC00, v7  }
0x242: {  	v5 =	vor.u32 v5, v7  }
0x243: {  	v5 =	vadd.s32 v3, v5;
	_ =	sdelay $0x4  }
0x244: {  	[tilespmem:v5+s11+$0x0] =	vst.idx.msk $0xffff, v1  }
0x245: {  	v5 =	vld.idx.msk [tilespmem:v50+s2+$0x0], $0xffff;
	_ =	sdelay $0x4  }
0x246: {  	v7 =	vshll.u32 v5, $0x3  }
0x247: {  	v5 =	vand.u32 $0x7F, v5;
	v7 =	vand.u32 $0xFFFFFC00, v7  }
0x248: {  	v5 =	vor.u32 v5, v7  }
0x249: {  	v5 =	vadd.s32 v3, v5;
	_ =	sdelay $0x4  }
0x24a: {  	[tilespmem:v5+s11+$0x0] =	vst.idx.msk $0xffff, v1  }
0x24b: {  	v5 =	vld.idx.msk [tilespmem:v52+s2+$0x0], $0xffff;
	_ =	sdelay $0x4  }
0x24c: {  	v7 =	vshll.u32 v5, $0x3  }
0x24d: {  	v5 =	vand.u32 $0x7F, v5;
	v7 =	vand.u32 $0xFFFFFC00, v7  }
0x24e: {  	v5 =	vor.u32 v5, v7  }
0x24f: {  	v5 =	vadd.s32 v3, v5;
	_ =	sdelay $0x4  }
0x250: {  	[tilespmem:v5+s11+$0x0] =	vst.idx.msk $0xffff, v1  }
0x251: {  	v5 =	vld.idx.msk [tilespmem:v54+s2+$0x0], $0xffff;
	_ =	sdelay $0x4  }
0x252: {  	v7 =	vshll.u32 v5, $0x3  }
0x253: {  	v5 =	vand.u32 $0x7F, v5;
	v7 =	vand.u32 $0xFFFFFC00, v7  }
0x254: {  	v5 =	vor.u32 v5, v7  }
0x255: {  	v5 =	vadd.s32 v3, v5;
	_ =	sdelay $0x4  }
0x256: {  	[tilespmem:v5+s11+$0x0] =	vst.idx.msk $0xffff, v1  }
0x257: {  	v5 =	vld.idx.msk [tilespmem:v56+s2+$0x0], $0xffff;
	_ =	sdelay $0x4  }
0x258: {  	v7 =	vshll.u32 v5, $0x3  }
0x259: {  	v5 =	vand.u32 $0x7F, v5;
	v7 =	vand.u32 $0xFFFFFC00, v7  }
0x25a: {  	v5 =	vor.u32 v5, v7  }
0x25b: {  	v5 =	vadd.s32 v3, v5;
	_ =	sdelay $0x4  }
0x25c: {  	[tilespmem:v5+s11+$0x0] =	vst.idx.msk $0xffff, v1  }
0x25d: {  	v5 =	vld.idx.msk [tilespmem:v58+s2+$0x0], $0xffff;
	_ =	sdelay $0x4  }
0x25e: {  	v7 =	vshll.u32 v5, $0x3  }
0x25f: {  	v5 =	vand.u32 $0x7F, v5;
	v7 =	vand.u32 $0xFFFFFC00, v7  }
0x260: {  	v5 =	vor.u32 v5, v7  }
0x261: {  	v5 =	vadd.s32 v3, v5;
	_ =	sdelay $0x4  }
0x262: {  	[tilespmem:v5+s11+$0x0] =	vst.idx.msk $0xffff, v1  }
0x263: {  	v5 =	vld.idx.msk [tilespmem:v60+s2+$0x0], $0xffff;
	_ =	sdelay $0x4  }
0x264: {  	v7 =	vshll.u32 v5, $0x3  }
0x265: {  	v5 =	vand.u32 $0x7F, v5;
	v7 =	vand.u32 $0xFFFFFC00, v7  }
0x266: {  	v5 =	vor.u32 v5, v7  }
0x267: {  	v5 =	vadd.s32 v3, v5;
	_ =	sdelay $0x4  }
0x268: {  	[tilespmem:v5+s11+$0x0] =	vst.idx.msk $0xffff, v1  }
0x269: {  	v5 =	vld.idx.msk [tilespmem:v62+s2+$0x0], $0xffff;
	_ =	sdelay $0x4  }
0x26a: {  	v7 =	vshll.u32 v5, $0x3  }
0x26b: {  	v5 =	vand.u32 $0x7F, v5;
	v7 =	vand.u32 $0xFFFFFC00, v7  }
0x26c: {  	v5 =	vor.u32 v5, v7  }
0x26d: {  	v5 =	vadd.s32 v3, v5;
	_ =	sdelay $0x4  }
0x26e: {  	[tilespmem:v5+s11+$0x0] =	vst.idx.msk $0xffff, v1  }
0x26f: {  	v2 =	vld.idx.msk [tilespmem:v2+s2+$0x0], $0xffff;
	_ =	sdelay $0x4  }
0x270: {  	v5 =	vshll.u32 v2, $0x3  }
0x271: {  	v2 =	vand.u32 $0x7F, v2;
	v5 =	vand.u32 $0xFFFFFC00, v5  }
0x272: {  	v2 =	vor.u32 v2, v5  }
0x273: {  	v2 =	vadd.s32 v3, v2  }
0x274: {  	v5 =	vor.u32 $0x1800, v0;
	_ =	sdelay $0x3  }
0x275: {  	[tilespmem:v2+s11+$0x0] =	vst.idx.msk $0xffff, v1  }
0x276: {  	v2 =	vld.idx.msk [tilespmem:v5+s2+$0x0], $0xffff;
	_ =	sdelay $0x2  }
0x277: {  	v5 =	vor.u32 $0x1810, v0;
	_ =	sdelay $0x1  }
0x278: {  	v7 =	vshll.u32 v2, $0x3  }
0x279: {  	v2 =	vand.u32 $0x7F, v2;
	v7 =	vand.u32 $0xFFFFFC00, v7  }
0x27a: {  	v2 =	vor.u32 v2, v7  }
0x27b: {  	v5 =	vld.idx.msk [tilespmem:v5+s2+$0x0], $0xffff;
	v2 =	vadd.s32 v3, v2  }
0x27c: {  	v7 =	vor.u32 $0x1801, v0;
	_ =	sdelay $0x3  }
0x27d: {  	[tilespmem:v2+s11+$0x0] =	vst.idx.add.f32.msk $0xffff, v5  }
0x27e: {  	v2 =	vld.idx.msk [tilespmem:v7+s2+$0x0], $0xffff;
	_ =	sdelay $0x2  }
0x27f: {  	v5 =	vor.u32 $0x1811, v0;
	_ =	sdelay $0x1  }
0x280: {  	v7 =	vshll.u32 v2, $0x3  }
0x281: {  	v2 =	vand.u32 $0x7F, v2;
	v7 =	vand.u32 $0xFFFFFC00, v7  }
0x282: {  	v2 =	vor.u32 v2, v7  }
0x283: {  	v5 =	vld.idx.msk [tilespmem:v5+s2+$0x0], $0xffff;
	v2 =	vadd.s32 v3, v2  }
0x284: {  	v7 =	vor.u32 $0x1802, v0;
	_ =	sdelay $0x3  }
0x285: {  	[tilespmem:v2+s11+$0x0] =	vst.idx.add.f32.msk $0xffff, v5  }
0x286: {  	v2 =	vld.idx.msk [tilespmem:v7+s2+$0x0], $0xffff;
	_ =	sdelay $0x2  }
0x287: {  	v5 =	vor.u32 $0x1812, v0;
	_ =	sdelay $0x1  }
0x288: {  	v7 =	vshll.u32 v2, $0x3  }
0x289: {  	v2 =	vand.u32 $0x7F, v2;
	v7 =	vand.u32 $0xFFFFFC00, v7  }
0x28a: {  	v2 =	vor.u32 v2, v7  }
0x28b: {  	v5 =	vld.idx.msk [tilespmem:v5+s2+$0x0], $0xffff;
	v2 =	vadd.s32 v3, v2  }
0x28c: {  	v7 =	vor.u32 $0x1803, v0;
	_ =	sdelay $0x3  }
0x28d: {  	[tilespmem:v2+s11+$0x0] =	vst.idx.add.f32.msk $0xffff, v5  }
0x28e: {  	v2 =	vld.idx.msk [tilespmem:v7+s2+$0x0], $0xffff;
	_ =	sdelay $0x2  }
0x28f: {  	v5 =	vor.u32 $0x1813, v0;
	_ =	sdelay $0x1  }
0x290: {  	v7 =	vshll.u32 v2, $0x3  }
0x291: {  	v2 =	vand.u32 $0x7F, v2;
	v7 =	vand.u32 $0xFFFFFC00, v7  }
0x292: {  	v2 =	vor.u32 v2, v7  }
0x293: {  	v5 =	vld.idx.msk [tilespmem:v5+s2+$0x0], $0xffff;
	v2 =	vadd.s32 v3, v2  }
0x294: {  	v7 =	vor.u32 $0x1804, v0;
	_ =	sdelay $0x3  }
0x295: {  	[tilespmem:v2+s11+$0x0] =	vst.idx.add.f32.msk $0xffff, v5  }
0x296: {  	v2 =	vld.idx.msk [tilespmem:v7+s2+$0x0], $0xffff;
	_ =	sdelay $0x2  }
0x297: {  	v5 =	vor.u32 $0x1814, v0;
	_ =	sdelay $0x1  }
0x298: {  	v7 =	vshll.u32 v2, $0x3  }
0x299: {  	v2 =	vand.u32 $0x7F, v2;
	v7 =	vand.u32 $0xFFFFFC00, v7  }
0x29a: {  	v2 =	vor.u32 v2, v7  }
0x29b: {  	v5 =	vld.idx.msk [tilespmem:v5+s2+$0x0], $0xffff;
	v2 =	vadd.s32 v3, v2  }
0x29c: {  	v7 =	vor.u32 $0x1805, v0;
	_ =	sdelay $0x3  }
0x29d: {  	[tilespmem:v2+s11+$0x0] =	vst.idx.add.f32.msk $0xffff, v5  }
0x29e: {  	v2 =	vld.idx.msk [tilespmem:v7+s2+$0x0], $0xffff;
	_ =	sdelay $0x2  }
0x29f: {  	v5 =	vor.u32 $0x1815, v0;
	_ =	sdelay $0x1  }
0x2a0: {  	v7 =	vshll.u32 v2, $0x3  }
0x2a1: {  	v2 =	vand.u32 $0x7F, v2;
	v7 =	vand.u32 $0xFFFFFC00, v7  }
0x2a2: {  	v2 =	vor.u32 v2, v7  }
0x2a3: {  	v5 =	vld.idx.msk [tilespmem:v5+s2+$0x0], $0xffff;
	v2 =	vadd.s32 v3, v2  }
0x2a4: {  	v7 =	vor.u32 $0x1806, v0;
	_ =	sdelay $0x3  }
0x2a5: {  	[tilespmem:v2+s11+$0x0] =	vst.idx.add.f32.msk $0xffff, v5  }
0x2a6: {  	v2 =	vld.idx.msk [tilespmem:v7+s2+$0x0], $0xffff;
	_ =	sdelay $0x2  }
0x2a7: {  	v5 =	vor.u32 $0x1816, v0;
	_ =	sdelay $0x1  }
0x2a8: {  	v7 =	vshll.u32 v2, $0x3  }
0x2a9: {  	v2 =	vand.u32 $0x7F, v2;
	v7 =	vand.u32 $0xFFFFFC00, v7  }
0x2aa: {  	v2 =	vor.u32 v2, v7  }
0x2ab: {  	v5 =	vld.idx.msk [tilespmem:v5+s2+$0x0], $0xffff;
	v2 =	vadd.s32 v3, v2  }
0x2ac: {  	v7 =	vor.u32 $0x1807, v0;
	_ =	sdelay $0x3  }
0x2ad: {  	[tilespmem:v2+s11+$0x0] =	vst.idx.add.f32.msk $0xffff, v5  }
0x2ae: {  	v2 =	vld.idx.msk [tilespmem:v7+s2+$0x0], $0xffff;
	_ =	sdelay $0x2  }
0x2af: {  	v5 =	vor.u32 $0x1817, v0;
	_ =	sdelay $0x1  }
0x2b0: {  	v7 =	vshll.u32 v2, $0x3  }
0x2b1: {  	v2 =	vand.u32 $0x7F, v2;
	v7 =	vand.u32 $0xFFFFFC00, v7  }
0x2b2: {  	v2 =	vor.u32 v2, v7  }
0x2b3: {  	v5 =	vld.idx.msk [tilespmem:v5+s2+$0x0], $0xffff;
	v2 =	vadd.s32 v3, v2  }
0x2b4: {  	v7 =	vor.u32 $0x1808, v0;
	_ =	sdelay $0x3  }
0x2b5: {  	[tilespmem:v2+s11+$0x0] =	vst.idx.add.f32.msk $0xffff, v5  }
0x2b6: {  	v2 =	vld.idx.msk [tilespmem:v7+s2+$0x0], $0xffff;
	_ =	sdelay $0x2  }
0x2b7: {  	v5 =	vor.u32 $0x1818, v0;
	_ =	sdelay $0x1  }
0x2b8: {  	v7 =	vshll.u32 v2, $0x3  }
0x2b9: {  	v2 =	vand.u32 $0x7F, v2;
	v7 =	vand.u32 $0xFFFFFC00, v7  }
0x2ba: {  	v2 =	vor.u32 v2, v7  }
0x2bb: {  	v5 =	vld.idx.msk [tilespmem:v5+s2+$0x0], $0xffff;
	v2 =	vadd.s32 v3, v2  }
0x2bc: {  	v7 =	vor.u32 $0x1809, v0;
	_ =	sdelay $0x3  }
0x2bd: {  	[tilespmem:v2+s11+$0x0] =	vst.idx.add.f32.msk $0xffff, v5  }
0x2be: {  	v2 =	vld.idx.msk [tilespmem:v7+s2+$0x0], $0xffff;
	_ =	sdelay $0x2  }
0x2bf: {  	v5 =	vor.u32 $0x1819, v0;
	_ =	sdelay $0x1  }
0x2c0: {  	v7 =	vshll.u32 v2, $0x3  }
0x2c1: {  	v2 =	vand.u32 $0x7F, v2;
	v7 =	vand.u32 $0xFFFFFC00, v7  }
0x2c2: {  	v2 =	vor.u32 v2, v7  }
0x2c3: {  	v5 =	vld.idx.msk [tilespmem:v5+s2+$0x0], $0xffff;
	v2 =	vadd.s32 v3, v2  }
0x2c4: {  	v7 =	vor.u32 $0x180A, v0;
	_ =	sdelay $0x3  }
0x2c5: {  	[tilespmem:v2+s11+$0x0] =	vst.idx.add.f32.msk $0xffff, v5  }
0x2c6: {  	v2 =	vld.idx.msk [tilespmem:v7+s2+$0x0], $0xffff;
	_ =	sdelay $0x2  }
0x2c7: {  	v5 =	vor.u32 $0x181A, v0;
	_ =	sdelay $0x1  }
0x2c8: {  	v7 =	vshll.u32 v2, $0x3  }
0x2c9: {  	v2 =	vand.u32 $0x7F, v2;
	v7 =	vand.u32 $0xFFFFFC00, v7  }
0x2ca: {  	v2 =	vor.u32 v2, v7  }
0x2cb: {  	v5 =	vld.idx.msk [tilespmem:v5+s2+$0x0], $0xffff;
	v2 =	vadd.s32 v3, v2  }
0x2cc: {  	v7 =	vor.u32 $0x180B, v0;
	_ =	sdelay $0x3  }
0x2cd: {  	[tilespmem:v2+s11+$0x0] =	vst.idx.add.f32.msk $0xffff, v5  }
0x2ce: {  	v2 =	vld.idx.msk [tilespmem:v7+s2+$0x0], $0xffff;
	_ =	sdelay $0x2  }
0x2cf: {  	v5 =	vor.u32 $0x181B, v0;
	_ =	sdelay $0x1  }
0x2d0: {  	v7 =	vshll.u32 v2, $0x3  }
0x2d1: {  	v2 =	vand.u32 $0x7F, v2;
	v7 =	vand.u32 $0xFFFFFC00, v7  }
0x2d2: {  	v2 =	vor.u32 v2, v7  }
0x2d3: {  	v5 =	vld.idx.msk [tilespmem:v5+s2+$0x0], $0xffff;
	v2 =	vadd.s32 v3, v2  }
0x2d4: {  	v7 =	vor.u32 $0x180C, v0;
	_ =	sdelay $0x3  }
0x2d5: {  	[tilespmem:v2+s11+$0x0] =	vst.idx.add.f32.msk $0xffff, v5  }
0x2d6: {  	v2 =	vld.idx.msk [tilespmem:v7+s2+$0x0], $0xffff;
	_ =	sdelay $0x2  }
0x2d7: {  	v5 =	vor.u32 $0x181C, v0;
	_ =	sdelay $0x1  }
0x2d8: {  	v7 =	vshll.u32 v2, $0x3  }
0x2d9: {  	v2 =	vand.u32 $0x7F, v2;
	v7 =	vand.u32 $0xFFFFFC00, v7  }
0x2da: {  	v2 =	vor.u32 v2, v7  }
0x2db: {  	v5 =	vld.idx.msk [tilespmem:v5+s2+$0x0], $0xffff;
	v2 =	vadd.s32 v3, v2  }
0x2dc: {  	v7 =	vor.u32 $0x180D, v0;
	_ =	sdelay $0x3  }
0x2dd: {  	[tilespmem:v2+s11+$0x0] =	vst.idx.add.f32.msk $0xffff, v5  }
0x2de: {  	v2 =	vld.idx.msk [tilespmem:v7+s2+$0x0], $0xffff;
	_ =	sdelay $0x2  }
0x2df: {  	v5 =	vor.u32 $0x181D, v0;
	_ =	sdelay $0x1  }
0x2e0: {  	v7 =	vshll.u32 v2, $0x3  }
0x2e1: {  	v2 =	vand.u32 $0x7F, v2;
	v7 =	vand.u32 $0xFFFFFC00, v7  }
0x2e2: {  	v2 =	vor.u32 v2, v7  }
0x2e3: {  	v5 =	vld.idx.msk [tilespmem:v5+s2+$0x0], $0xffff;
	v2 =	vadd.s32 v3, v2  }
0x2e4: {  	v7 =	vor.u32 $0x180E, v0;
	_ =	sdelay $0x3  }
0x2e5: {  	[tilespmem:v2+s11+$0x0] =	vst.idx.add.f32.msk $0xffff, v5  }
0x2e6: {  	v2 =	vld.idx.msk [tilespmem:v7+s2+$0x0], $0xffff;
	_ =	sdelay $0x2  }
0x2e7: {  	v5 =	vor.u32 $0x181E, v0;
	_ =	sdelay $0x1  }
0x2e8: {  	v7 =	vshll.u32 v2, $0x3  }
0x2e9: {  	v2 =	vand.u32 $0x7F, v2;
	v7 =	vand.u32 $0xFFFFFC00, v7  }
0x2ea: {  	v2 =	vor.u32 v2, v7  }
0x2eb: {  	v5 =	vld.idx.msk [tilespmem:v5+s2+$0x0], $0xffff;
	v2 =	vadd.s32 v3, v2  }
0x2ec: {  	v7 =	vor.u32 $0x180F, v0;
	_ =	sdelay $0x3  }
0x2ed: {  	[tilespmem:v2+s11+$0x0] =	vst.idx.add.f32.msk $0xffff, v5  }
0x2ee: {  	v2 =	vld.idx.msk [tilespmem:v7+s2+$0x0], $0xffff;
	_ =	sdelay $0x2  }
0x2ef: {  	v5 =	vor.u32 $0x181F, v0;
	_ =	sdelay $0x1  }
0x2f0: {  	v7 =	vshll.u32 v2, $0x3  }
0x2f1: {  	v2 =	vand.u32 $0x7F, v2;
	v7 =	vand.u32 $0xFFFFFC00, v7  }
0x2f2: {  	v2 =	vor.u32 v2, v7  }
0x2f3: {  	v5 =	vld.idx.msk [tilespmem:v5+s2+$0x0], $0xffff;
	v2 =	vadd.s32 v3, v2;
	_ =	sdelay $0x4  }
0x2f4: {  	s14 =	sadd.s32 $0x1, s14;
	[tilespmem:v2+s11+$0x0] =	vst.idx.add.f32.msk $0xffff, v5  }
0x2f5: {  	[hbm4b:s7+s2] =	stream.linear.scatter [tilespmem:s11], [sflag:$0x2], $0x8000, $0x38;
	[tilespmem:$0x12000] =	vst v63  }
0x2f6: {  	p0 =	sne.s32 s14, s8;
	_ =	swait.ge [sflag:s12], $0x8000  }
.Ltmp2:
0x2f7: {  	[sflag:s12] =	ssyncset.done $0x0;
	(pc) =	sbr.rel @p0 .LBB2_1-.Ltmp2, $4  }
0x2f8: {  	[sflag:s12] =	ssyncadd.s32 $0xFFFF8000  }
0x2f9: {  	_ =	swait.ge [sflag:s13], $0x8000  }
0x2fa: {  	[sflag:s13] =	ssyncset.done $0x0  }
0x2fb: {  	[sflag:s13] =	ssyncadd.s32 $0xFFFF8000  }
0x2fc: {  	_ =	sfence.sel $0x180000  }
0x2fd: {  	[bflag:$0x0] =	sbarrier.arrive $0xFFFF  }
0x2fe: {  	p0 =	sne.s32 s1, $0x0;
	_ =	strace $0x90000047  }
0x2ff: {  	s0 =	sadd.s32 @!p0 $0x100000, s0;
	[bflag:$0x2] =	sbarrier.arrive $0xFFFF  }
0x300: {  	[sflag:s0] =	ssyncadd.tile.s32 @!p0 $0x1;
	_ =	shalt  }
.Lfunc_end2:
_tile_overlayer_lowered:
.L_overlay_start_2:
0x301: {  	(tag) =	ssettag $0x2  }
0x302: {  	s0 =	rddreg [dreg:$0x0];
	s2 =	stileid.u32  }
0x303: {  	s1 =	rddreg [dreg:$0x1];
	p0 =	sne.s32 s2, $0x0  }
0x304: {  	s3 =	rddreg [dreg:$0x2];
	[bflag:$0x3] =	sbarrier.arrive $0xFFFF;
	s2 =	simm.s32 @!p0 $0x1C03  }
0x305: {  	[timem:s3], [sflag:s2] =	dma.local @!p0 [hbm:s0], s1  }
0x306: {  	s0 =	simm.s32 @!p0 $0x3  }
0x307: {  	_ =	swait.ge @!p0 [sflag:s0], s1  }
0x308: {  	s1 =	ssub.s32 @!p0 $0x0, s1;
	[sflag:s0] =	ssyncset.done @!p0 $0x0  }
0x309: {  	[sflag:s0] =	ssyncadd.s32 @!p0 s1  }
0x30a: {  	[bflag:$0x3] =	sbarrier.arrive $0xFFFF  }
0x30b: {  	_ =	shalt  }

</sc_bundles>
